<compile_context>
chip_gen: v7x
topology: tpu7x:2x2x1
jax: 0.10.2.dev20260603
libtpu: 0.0.44.dev20260713+nightly
codegen_flags: <defaults>
</compile_context>

<pallas_src>
import functools

import jax
import jax.numpy as jnp
from jax import lax
from jax.experimental import pallas as pl
from jax.experimental.pallas import tpu as pltpu
from jax.experimental.pallas import tpu_sc as plsc

_N = 10000
_E = 320000
_H = 128
_K = 100

_NC = 2
_NS = 16
_NW = _NC * _NS
_EPW = _E // _NW
_CH = 80
_NCHUNK = _EPW // _CH
_CHE = 80
_NCHE = 128
_NGRP = _NCHE // 8
_EPT = _NCHE * _CHE
_NE = _N + _NS
_RPB = 624
_TAIL = _N - _NS * _RPB
_TAILE = _NE - _NS * _RPB

_mesh = plsc.VectorSubcoreMesh(core_axis_name="c", subcore_axis_name="s")



@functools.partial(
    pl.kernel,
    out_type=jax.ShapeDtypeStruct((_NC, _N, _H), jnp.float32),
    mesh=_mesh,
    scratch_types=[
        pltpu.VMEM((_NCHUNK, _CH), jnp.int32),
        pltpu.VMEM((_CH, _H), jnp.float32),
        pltpu.VMEM_SHARED((_N, _H), jnp.float32),
    ],
)
def _deg_kernel(col3_hbm, zeros_hbm, ones_hbm, out_hbm, cidx, ones_v, deg_sh):
    cid = lax.axis_index("c")
    sid = lax.axis_index("s")
    wid = cid * _NS + sid
    pltpu.sync_copy(zeros_hbm.at[pl.ds(0, _RPB)],
                    deg_sh.at[pl.ds(sid * _RPB, _RPB)])

    @pl.when(sid == _NS - 1)
    def _():
        pltpu.sync_copy(zeros_hbm.at[pl.ds(0, _TAIL)],
                        deg_sh.at[pl.ds(_NS * _RPB, _TAIL)])

    pltpu.sync_copy(ones_hbm, ones_v)
    pltpu.sync_copy(col3_hbm.at[wid], cidx)
    plsc.subcore_barrier()

    def body(j, carry):
        pltpu.sync_copy(ones_v, deg_sh.at[cidx.at[j]], add=True)
        return carry

    lax.fori_loop(0, _NCHUNK, body, 0)
    plsc.subcore_barrier()
    pltpu.sync_copy(deg_sh.at[pl.ds(sid * _RPB, _RPB)],
                    out_hbm.at[cid].at[pl.ds(sid * _RPB, _RPB)])

    @pl.when(sid == _NS - 1)
    def _():
        pltpu.sync_copy(deg_sh.at[pl.ds(_NS * _RPB, _TAIL)],
                        out_hbm.at[cid].at[pl.ds(_NS * _RPB, _TAIL)])


@functools.partial(
    pl.kernel,
    out_type=jax.ShapeDtypeStruct((_NC, _N, _H), jnp.float32),
    mesh=_mesh,
    scratch_types=[
        pltpu.VMEM((_NCHUNK, _CH), jnp.int32),
        pltpu.VMEM((_NCHUNK, _CH), jnp.int32),
        pltpu.VMEM((_CH, _H), jnp.float32),
        pltpu.VMEM_SHARED((_N, _H), jnp.float32),
        pltpu.SemaphoreType.DMA,
    ],
)
def _edge_kernel(y_hbm, row3_hbm, col3_hbm, zeros_hbm, out_hbm,
                 ridx, cidx, rows, z_sh, gsem):
    cid = lax.axis_index("c")
    sid = lax.axis_index("s")
    wid = cid * _NS + sid
    pltpu.sync_copy(zeros_hbm.at[pl.ds(0, _RPB)],
                    z_sh.at[pl.ds(sid * _RPB, _RPB)])

    @pl.when(sid == _NS - 1)
    def _():
        pltpu.sync_copy(zeros_hbm.at[pl.ds(0, _TAIL)],
                        z_sh.at[pl.ds(_NS * _RPB, _TAIL)])

    pltpu.sync_copy(row3_hbm.at[wid], ridx)
    pltpu.sync_copy(col3_hbm.at[wid], cidx)
    plsc.subcore_barrier()

    def body(j, carry):
        pltpu.async_copy(y_hbm.at[ridx.at[j]], rows, gsem).wait()
        pltpu.sync_copy(rows, z_sh.at[cidx.at[j]], add=True)
        return carry

    lax.fori_loop(0, _NCHUNK, body, 0)
    plsc.subcore_barrier()
    pltpu.sync_copy(z_sh.at[pl.ds(sid * _RPB, _RPB)],
                    out_hbm.at[cid].at[pl.ds(sid * _RPB, _RPB)])

    @pl.when(sid == _NS - 1)
    def _():
        pltpu.sync_copy(z_sh.at[pl.ds(_NS * _RPB, _TAIL)],
                        out_hbm.at[cid].at[pl.ds(_NS * _RPB, _TAIL)])



_BN = 2000
_NBLK = _N // _BN


def _dis_from(degp_ref):
    dp = degp_ref[0, :, 0:1] + degp_ref[1, :, 0:1] + 1.0
    return 1.0 / jnp.sqrt(dp)


def _mm(a, b):
    return jnp.dot(a, b, preferred_element_type=jnp.float32)


def _lra_prep(h, waU, waV, waZ, waT, baU, baV, baZ, baT,
              U_ref, T_ref, M_ref, us_ref, vs_ref):
    U = jnp.maximum(_mm(h, waU) + baU, 0.0)
    V = jnp.maximum(_mm(h, waV) + baV, 0.0)
    Z = jnp.maximum(_mm(h, waZ) + baZ, 0.0)
    T = jnp.maximum(_mm(h, waT) + baT, 0.0)
    U_ref[...] = U
    T_ref[...] = T

    @pl.when(pl.program_id(0) == 0)
    def _():
        M_ref[...] = jnp.zeros_like(M_ref)
        us_ref[...] = jnp.zeros_like(us_ref)
        vs_ref[...] = jnp.zeros_like(vs_ref)

    M_ref[...] += lax.dot_general(V, Z, (((0,), (0,)), ((), ())),
                                  preferred_element_type=jnp.float32)
    us_ref[...] += jnp.sum(U, axis=0, keepdims=True)
    vs_ref[...] += jnp.sum(V, axis=0, keepdims=True)


def _prep_body(x_ref, degp_ref, wc_ref,
               waU_ref, waV_ref, waZ_ref, waT_ref,
               baU_ref, baV_ref, baZ_ref, baT_ref,
               y_ref, U_ref, T_ref, M_ref, us_ref, vs_ref):
    x = x_ref[...]
    dis = _dis_from(degp_ref)
    y_ref[...] = _mm(x, wc_ref[...]) * dis
    _lra_prep(x, waU_ref[...], waV_ref[...], waZ_ref[...], waT_ref[...],
              baU_ref[...], baV_ref[...], baZ_ref[...], baT_ref[...],
              U_ref, T_ref, M_ref, us_ref, vs_ref)


def _combine(zp_ref, y_ref, degp_ref, U_ref, T_ref, M_ref, us_ref, vs_ref,
             wdA_ref, wdB_ref, wdC_ref, bd_ref, bc_ref):
    dis = _dis_from(degp_ref)
    z = zp_ref[0] + zp_ref[1] + y_ref[...]
    xl = jnp.maximum(z * dis + bc_ref[...], 0.0)
    nf = jnp.sum(us_ref[...] * vs_ref[...]) * (1.0 / _N) + 1e-6
    MW = _mm(M_ref[...], wdA_ref[...])
    h = (_mm(U_ref[...], MW) * (1.0 / nf) + _mm(T_ref[...], wdB_ref[...])
         + _mm(xl, wdC_ref[...]) + bd_ref[...])
    return h, dis


def _mid_body(zp_ref, y_ref, degp_ref, U_ref, T_ref, M_ref, us_ref, vs_ref,
              wdA_ref, wdB_ref, wdC_ref, bd_ref, bc_ref,
              g_ref, be_ref, rm_ref, rv_ref,
              wc_ref, waU_ref, waV_ref, waZ_ref, waT_ref,
              baU_ref, baV_ref, baZ_ref, baT_ref,
              y2_ref, U2_ref, T2_ref, M2_ref, us2_ref, vs2_ref):
    h, dis = _combine(zp_ref, y_ref, degp_ref, U_ref, T_ref, M_ref,
                      us_ref, vs_ref, wdA_ref, wdB_ref, wdC_ref,
                      bd_ref, bc_ref)
    h = jnp.maximum(h, 0.0)
    h = ((h - rm_ref[...]) / jnp.sqrt(rv_ref[...] + 1e-5)
         * g_ref[...] + be_ref[...])
    y2_ref[...] = _mm(h, wc_ref[...]) * dis
    _lra_prep(h, waU_ref[...], waV_ref[...], waZ_ref[...], waT_ref[...],
              baU_ref[...], baV_ref[...], baZ_ref[...], baT_ref[...],
              U2_ref, T2_ref, M2_ref, us2_ref, vs2_ref)


def _final_body(zp_ref, y_ref, degp_ref, U_ref, T_ref, M_ref, us_ref, vs_ref,
                wdA_ref, wdB_ref, wdC_ref, bd_ref, bc_ref, out_ref):
    h, _ = _combine(zp_ref, y_ref, degp_ref, U_ref, T_ref, M_ref,
                    us_ref, vs_ref, wdA_ref, wdB_ref, wdC_ref,
                    bd_ref, bc_ref)
    out_ref[...] = h


_f32 = jnp.float32
_PREP_OUT = [
    jax.ShapeDtypeStruct((_N, _H), _f32),
    jax.ShapeDtypeStruct((_N, _K), _f32),
    jax.ShapeDtypeStruct((_N, _K), _f32),
    jax.ShapeDtypeStruct((_K, _K), _f32),
    jax.ShapeDtypeStruct((1, _K), _f32),
    jax.ShapeDtypeStruct((1, _K), _f32),
]


def _c(shape):
    return pl.BlockSpec(shape, lambda i: (0,) * len(shape))


_S_ROWH = pl.BlockSpec((_BN, _H), lambda i: (i, 0))
_S_ROWK = pl.BlockSpec((_BN, _K), lambda i: (i, 0))
_S_ZP = pl.BlockSpec((_NC, _BN, _H), lambda i: (0, i, 0))
_S_DEGP = pl.BlockSpec((_NC, _BN, _H), lambda i: (0, i, 0))
_A_SPECS = [_c((_H, _K))] * 4 + [_c((1, _K))] * 4
_D_SPECS = [_c((_K, _H)), _c((_K, _H)), _c((_H, _H)), _c((1, _H))]
_PREP_OUT_SPECS = [_S_ROWH, _S_ROWK, _S_ROWK,
                   _c((_K, _K)), _c((1, _K)), _c((1, _K))]
_COMBINE_IN_SPECS = ([_S_ZP, _S_ROWH, _S_DEGP, _S_ROWK, _S_ROWK,
                      _c((_K, _K)), _c((1, _K)), _c((1, _K))]
                     + _D_SPECS + [_c((1, _H))])


def kernel(x, edge_index,
           Wc0, bc0, Wa0, ba0, Wd0, bd0,
           Wc1, bc1, Wa1, ba1, Wd1, bd1,
           Wc2, bc2, Wa2, ba2, Wd2, bd2,
           g0, be0, rm0, rv0,
           g1, be1, rm1, rv1):
    rowe = edge_index[0].reshape(_NW, _NCHUNK, _CH)
    col3 = edge_index[1].reshape(_NW, _NCHUNK, _CH)
    zerosH = jnp.zeros((_RPB, _H), _f32)
    onesH = jnp.ones((_CH, _H), _f32)

    degp = _deg_kernel(col3, zerosH, onesH)

    def split_a(Wa, ba):
        b = ba.reshape(1, -1)
        return (Wa[:, :_K], Wa[:, _K:2 * _K], Wa[:, 2 * _K:3 * _K],
                Wa[:, 3 * _K:], b[:, :_K], b[:, _K:2 * _K],
                b[:, 2 * _K:3 * _K], b[:, 3 * _K:])

    def split_d(Wd, bd):
        return Wd[:_K], Wd[_K:2 * _K], Wd[2 * _K:], bd.reshape(1, -1)

    a0 = split_a(Wa0, ba0)
    a1 = split_a(Wa1, ba1)
    a2 = split_a(Wa2, ba2)
    d0 = split_d(Wd0, bd0)
    d1 = split_d(Wd1, bd1)
    d2 = split_d(Wd2, bd2)
    bn0 = (g0.reshape(1, -1), be0.reshape(1, -1),
           rm0.reshape(1, -1), rv0.reshape(1, -1))
    bn1 = (g1.reshape(1, -1), be1.reshape(1, -1),
           rm1.reshape(1, -1), rv1.reshape(1, -1))

    y0, U0, T0, M0, us0, vs0 = pl.pallas_call(
        _prep_body, grid=(_NBLK,),
        in_specs=[_S_ROWH, _S_DEGP, _c((_H, _H))] + _A_SPECS,
        out_specs=_PREP_OUT_SPECS,
        out_shape=_PREP_OUT)(x, degp, Wc0, *a0)

    zp0 = _edge_kernel(y0, rowe, col3, zerosH)
    y1, U1, T1, M1, us1, vs1 = pl.pallas_call(
        _mid_body, grid=(_NBLK,),
        in_specs=(_COMBINE_IN_SPECS
                  + [_c((1, _H))] * 4 + [_c((_H, _H))] + _A_SPECS),
        out_specs=_PREP_OUT_SPECS,
        out_shape=_PREP_OUT)(
            zp0, y0, degp, U0, T0, M0, us0, vs0,
            *d0, bc0.reshape(1, -1), *bn0, Wc1, *a1)

    zp1 = _edge_kernel(y1, rowe, col3, zerosH)
    y2, U2, T2, M2, us2, vs2 = pl.pallas_call(
        _mid_body, grid=(_NBLK,),
        in_specs=(_COMBINE_IN_SPECS
                  + [_c((1, _H))] * 4 + [_c((_H, _H))] + _A_SPECS),
        out_specs=_PREP_OUT_SPECS,
        out_shape=_PREP_OUT)(
            zp1, y1, degp, U1, T1, M1, us1, vs1,
            *d1, bc1.reshape(1, -1), *bn1, Wc2, *a2)

    zp2 = _edge_kernel(y2, rowe, col3, zerosH)
    out = pl.pallas_call(
        _final_body, grid=(_NBLK,),
        in_specs=_COMBINE_IN_SPECS,
        out_specs=_S_ROWH,
        out_shape=jax.ShapeDtypeStruct((_N, _H), _f32))(
            zp2, y2, degp, U2, T2, M2, us2, vs2,
            *d2, bc2.reshape(1, -1))
    return out

# --- scband reference (transcript-rebuilt; emitter-appended) ---
"""Pipeline reference for scband-gcnwith-attention-40020505264514 (READ-ONLY COPY).

The authoritative reference and input builder live on the scoring server;
editing this copy changes nothing except your own understanding.
"""

import jax, jax.numpy as jnp
import numpy as np

N = 10000; E = 320000; D = 128; H = 128; O = 128; K = 100; L = 3

def _lin(k, i, o):
    return jax.random.normal(k, (i, o), dtype=jnp.float32) * (1.0 / np.sqrt(i))

def setup_inputs(seed=0):
    key = jax.random.key(seed)
    ks = jax.random.split(key, 40)
    inp = {}
    inp["x"] = jax.random.normal(ks[0], (N, D), dtype=jnp.float32)
    inp["edge_index"] = jax.random.randint(ks[1], (2, E), 0, N, dtype=jnp.int32)
    din = [D, H, H]
    for i in range(L):
        inp[f"Wc{i}"] = _lin(ks[2 + 2 * i], din[i], H)
        inp[f"bc{i}"] = jnp.zeros((H,), dtype=jnp.float32)
        inp[f"Wa{i}"] = _lin(ks[10 + 2 * i], din[i], 4 * K)
        inp[f"ba{i}"] = jnp.zeros((4 * K,), dtype=jnp.float32)
        dout = H if i < L - 1 else O
        inp[f"Wd{i}"] = _lin(ks[20 + 2 * i], 2 * K + H, dout)
        inp[f"bd{i}"] = jnp.zeros((dout,), dtype=jnp.float32)
    for i in range(L - 1):
        inp[f"g{i}"] = jnp.ones((H,), dtype=jnp.float32)
        inp[f"be{i}"] = jnp.zeros((H,), dtype=jnp.float32)
        inp[f"rm{i}"] = jnp.zeros((H,), dtype=jnp.float32)
        inp[f"rv{i}"] = jnp.ones((H,), dtype=jnp.float32)
    return inp

def _gcn(x, row, col, W, b):
    n = x.shape[0]
    loop = jnp.arange(n, dtype=row.dtype)
    r = jnp.concatenate([row, loop])
    c = jnp.concatenate([col, loop])
    deg = jnp.zeros((n,), dtype=x.dtype).at[c].add(1.0)
    dis = jnp.where(deg > 0, 1.0 / jnp.sqrt(deg), 0.0)
    norm = (dis[r] * dis[c])[:, None]
    xw = x @ W
    out = jnp.zeros_like(xw).at[c].add(xw[r] * norm)
    return out + b

def _lra(x, W, b):
    t = jax.nn.relu(x @ W + b)
    U = t[:, :K]; V = t[:, K:2 * K]; Z = t[:, 2 * K:3 * K]; T = t[:, 3 * K:]
    ones = jnp.ones((x.shape[0], 1), dtype=x.dtype)
    nf = jnp.sum(U @ (V.T @ ones)) / x.shape[0] + 1e-6
    res = U @ (V.T @ Z)
    return jnp.concatenate([res * (1.0 / nf), T], axis=1)

def reference(x, edge_index,
              Wc0, bc0, Wa0, ba0, Wd0, bd0,
              Wc1, bc1, Wa1, ba1, Wd1, bd1,
              Wc2, bc2, Wa2, ba2, Wd2, bd2,
              g0, be0, rm0, rv0,
              g1, be1, rm1, rv1):
    p = {
        "Wc0": Wc0, "bc0": bc0, "Wa0": Wa0, "ba0": ba0, "Wd0": Wd0, "bd0": bd0,
        "Wc1": Wc1, "bc1": bc1, "Wa1": Wa1, "ba1": ba1, "Wd1": Wd1, "bd1": bd1,
        "Wc2": Wc2, "bc2": bc2, "Wa2": Wa2, "ba2": ba2, "Wd2": Wd2, "bd2": bd2,
        "g0": g0, "be0": be0, "rm0": rm0, "rv0": rv0,
        "g1": g1, "be1": be1, "rm1": rm1, "rv1": rv1,
    }
    row, col = edge_index[0], edge_index[1]
    h = x
    for i in range(L - 1):
        xl = jax.nn.relu(_gcn(h, row, col, p[f"Wc{i}"], p[f"bc{i}"]))
        xg = _lra(h, p[f"Wa{i}"], p[f"ba{i}"])
        h = jnp.concatenate([xg, xl], axis=1) @ p[f"Wd{i}"] + p[f"bd{i}"]
        h = jax.nn.relu(h)
        h = (h - p[f"rm{i}"]) / jnp.sqrt(p[f"rv{i}"] + 1e-5) * p[f"g{i}"] + p[f"be{i}"]
    xl = jax.nn.relu(_gcn(h, row, col, p[f"Wc{L-1}"], p[f"bc{L-1}"]))
    xg = _lra(h, p[f"Wa{L-1}"], p[f"ba{L-1}"])
    return jnp.concatenate([xg, xl], axis=1) @ p[f"Wd{L-1}"] + p[f"bd{L-1}"]

if __name__ == "__main__":
    import jax
    _d = setup_inputs()
    print(jax.jit(kernel)(*tuple(_d.values())))

</pallas_src>

<mosaic_0001>
#map = affine_map<(d0, d1) -> (0, 0)>
#map1 = affine_map<(d0, d1) -> (0, 0, 0)>
module attributes {stable_mosaic.version = 14 : i64} {
  func.func @_edge_kernel(%arg0: i32, %arg1: i32, %arg2: memref<10000x128xf32, #tpu.memory_space<hbm>>, %arg3: memref<32x125x80xi32, #tpu.memory_space<hbm>>, %arg4: memref<32x125x80xi32, #tpu.memory_space<hbm>>, %arg5: memref<624x128xf32, #tpu.memory_space<hbm>>, %arg6: memref<2x10000x128xf32, #tpu.memory_space<hbm>>, %arg7: memref<125x80xi32, #tpu.memory_space<vmem>>, %arg8: memref<125x80xi32, #tpu.memory_space<vmem>>, %arg9: memref<80x128xf32, #tpu.memory_space<vmem>>, %arg10: memref<10000x128xf32, #tpu.memory_space<vmem_shared>>, %arg11: memref<!tpu.dma_semaphore, #tpu.memory_space<semaphore_mem>>) attributes {dimension_semantics = [#tpu.dimension_semantics<core_parallel>, #tpu.dimension_semantics<subcore_parallel>], iteration_bounds = array<i64: 2, 16>, scalar_prefetch = 0 : i64, scratch_operands = 5 : i64, tpu.core_type = #tpu.core_type<sc_vector_subcore>, window_params = [{transform_indices = #map}, {transform_indices = #map1}, {transform_indices = #map1}, {transform_indices = #map}, {transform_indices = #map1}]} {
    %mul3A = arith.constant 16 : i32
    %mul3A_0 = arith.muli %arg0, %mul3A : i32
    %add3A = arith.addi %mul3A_0, %arg1 : i32
    %mul3A_1 = arith.constant 624 : i32
    %mul3A_2 = arith.muli %arg1, %mul3A_1 : i32
    "tpu.region"() ({
      %run_scoped3A = tpu.sem_alloc : memref<!tpu.dma_semaphore, #tpu.memory_space<semaphore_mem>>
      %dma_start3A = arith.constant 0 : i32
      %dma_start3A_20 = tpu.memref_slice %arg10[%mul3A_2, %dma_start3A] : memref<10000x128xf32, #tpu.memory_space<vmem_shared>> -> memref<624x128xf32, #tpu.memory_space<vmem_shared>>
      %dma_start3A_21 = arith.constant 0 : i32
      %dma_start3A_22 = arith.constant 0 : i32
      %dma_start3A_23 = tpu.memref_slice %arg5[%dma_start3A_21, %dma_start3A_22] : memref<624x128xf32, #tpu.memory_space<hbm>> -> memref<624x128xf32, #tpu.memory_space<hbm>>
      tpu.enqueue_dma source(%dma_start3A_23 : memref<624x128xf32, #tpu.memory_space<hbm>>) target(%dma_start3A_20 : memref<624x128xf32, #tpu.memory_space<vmem_shared>>) target_semaphore(%run_scoped3A : memref<!tpu.dma_semaphore, #tpu.memory_space<semaphore_mem>>)
      %dma_wait3A = arith.constant 0 : i32
      %dma_wait3A_24 = tpu.memref_slice %arg10[%mul3A_2, %dma_wait3A] : memref<10000x128xf32, #tpu.memory_space<vmem_shared>> -> memref<624x128xf32, #tpu.memory_space<vmem_shared>>
      %dma_wait3A_25 = arith.constant 0 : i32
      %dma_wait3A_26 = arith.constant 0 : i32
      %dma_wait3A_27 = tpu.memref_slice %arg5[%dma_wait3A_25, %dma_wait3A_26] : memref<624x128xf32, #tpu.memory_space<hbm>> -> memref<624x128xf32, #tpu.memory_space<hbm>>
      tpu.wait_dma2 semaphore(%run_scoped3A : memref<!tpu.dma_semaphore, #tpu.memory_space<semaphore_mem>>) src(%dma_wait3A_27 : memref<624x128xf32, #tpu.memory_space<hbm>>) dst(%dma_wait3A_24 : memref<624x128xf32, #tpu.memory_space<vmem_shared>>)
      tpu.yield
    }) : () -> ()
    %eq3A = arith.constant 15 : i32
    %eq3A_3 = arith.cmpi eq, %arg1, %eq3A : i32
    %convert_element_type3A = arith.extui %eq3A_3 : i1 to i32
    %cond3A = arith.constant 0 : i32
    %cond3A_4 = arith.cmpi ne, %convert_element_type3A, %cond3A : i32
    scf.if %cond3A_4 {
      "tpu.region"() ({
        %run_scoped3A = tpu.sem_alloc : memref<!tpu.dma_semaphore, #tpu.memory_space<semaphore_mem>>
        %dma_start3A = arith.constant 9984 : i32
        %dma_start3A_20 = arith.constant 0 : i32
        %dma_start3A_21 = tpu.memref_slice %arg10[%dma_start3A, %dma_start3A_20] : memref<10000x128xf32, #tpu.memory_space<vmem_shared>> -> memref<16x128xf32, #tpu.memory_space<vmem_shared>>
        %dma_start3A_22 = arith.constant 0 : i32
        %dma_start3A_23 = arith.constant 0 : i32
        %dma_start3A_24 = tpu.memref_slice %arg5[%dma_start3A_22, %dma_start3A_23] : memref<624x128xf32, #tpu.memory_space<hbm>> -> memref<16x128xf32, #tpu.memory_space<hbm>>
        tpu.enqueue_dma source(%dma_start3A_24 : memref<16x128xf32, #tpu.memory_space<hbm>>) target(%dma_start3A_21 : memref<16x128xf32, #tpu.memory_space<vmem_shared>>) target_semaphore(%run_scoped3A : memref<!tpu.dma_semaphore, #tpu.memory_space<semaphore_mem>>)
        %dma_wait3A = arith.constant 9984 : i32
        %dma_wait3A_25 = arith.constant 0 : i32
        %dma_wait3A_26 = tpu.memref_slice %arg10[%dma_wait3A, %dma_wait3A_25] : memref<10000x128xf32, #tpu.memory_space<vmem_shared>> -> memref<16x128xf32, #tpu.memory_space<vmem_shared>>
        %dma_wait3A_27 = arith.constant 0 : i32
        %dma_wait3A_28 = arith.constant 0 : i32
        %dma_wait3A_29 = tpu.memref_slice %arg5[%dma_wait3A_27, %dma_wait3A_28] : memref<624x128xf32, #tpu.memory_space<hbm>> -> memref<16x128xf32, #tpu.memory_space<hbm>>
        tpu.wait_dma2 semaphore(%run_scoped3A : memref<!tpu.dma_semaphore, #tpu.memory_space<semaphore_mem>>) src(%dma_wait3A_29 : memref<16x128xf32, #tpu.memory_space<hbm>>) dst(%dma_wait3A_26 : memref<16x128xf32, #tpu.memory_space<vmem_shared>>)
        tpu.yield
      }) : () -> ()
    } else {
    }
    "tpu.region"() ({
      %run_scoped3A = tpu.sem_alloc : memref<!tpu.dma_semaphore, #tpu.memory_space<semaphore_mem>>
      %dma_start3A = arith.constant 0 : i32
      %dma_start3A_20 = arith.constant 0 : i32
      %dma_start3A_21 = tpu.memref_slice %arg3[%add3A, %dma_start3A, %dma_start3A_20] : memref<32x125x80xi32, #tpu.memory_space<hbm>> -> memref<1x125x80xi32, #tpu.memory_space<hbm>>
      %dma_start3A_22 = tpu.memref_squeeze %dma_start3A_21 : memref<1x125x80xi32, #tpu.memory_space<hbm>> -> memref<125x80xi32, #tpu.memory_space<hbm>>
      %dma_start3A_23 = arith.constant 0 : i32
      %dma_start3A_24 = arith.constant 0 : i32
      %dma_start3A_25 = tpu.memref_slice %arg3[%add3A, %dma_start3A_23, %dma_start3A_24] : memref<32x125x80xi32, #tpu.memory_space<hbm>> -> memref<1x125x80xi32, #tpu.memory_space<hbm>>
      %dma_start3A_26 = tpu.memref_squeeze %dma_start3A_25 : memref<1x125x80xi32, #tpu.memory_space<hbm>> -> memref<125x80xi32, #tpu.memory_space<hbm>>
      tpu.enqueue_dma source(%dma_start3A_26 : memref<125x80xi32, #tpu.memory_space<hbm>>) target(%arg7 : memref<125x80xi32, #tpu.memory_space<vmem>>) target_semaphore(%run_scoped3A : memref<!tpu.dma_semaphore, #tpu.memory_space<semaphore_mem>>)
      %dma_wait3A = arith.constant 0 : i32
      %dma_wait3A_27 = arith.constant 0 : i32
      %dma_wait3A_28 = tpu.memref_slice %arg3[%add3A, %dma_wait3A, %dma_wait3A_27] : memref<32x125x80xi32, #tpu.memory_space<hbm>> -> memref<1x125x80xi32, #tpu.memory_space<hbm>>
      %dma_wait3A_29 = tpu.memref_squeeze %dma_wait3A_28 : memref<1x125x80xi32, #tpu.memory_space<hbm>> -> memref<125x80xi32, #tpu.memory_space<hbm>>
      %dma_wait3A_30 = arith.constant 0 : i32
      %dma_wait3A_31 = arith.constant 0 : i32
      %dma_wait3A_32 = tpu.memref_slice %arg3[%add3A, %dma_wait3A_30, %dma_wait3A_31] : memref<32x125x80xi32, #tpu.memory_space<hbm>> -> memref<1x125x80xi32, #tpu.memory_space<hbm>>
      %dma_wait3A_33 = tpu.memref_squeeze %dma_wait3A_32 : memref<1x125x80xi32, #tpu.memory_space<hbm>> -> memref<125x80xi32, #tpu.memory_space<hbm>>
      tpu.wait_dma2 semaphore(%run_scoped3A : memref<!tpu.dma_semaphore, #tpu.memory_space<semaphore_mem>>) src(%dma_wait3A_33 : memref<125x80xi32, #tpu.memory_space<hbm>>) dst(%arg7 : memref<125x80xi32, #tpu.memory_space<vmem>>)
      tpu.yield
    }) : () -> ()
    "tpu.region"() ({
      %run_scoped3A = tpu.sem_alloc : memref<!tpu.dma_semaphore, #tpu.memory_space<semaphore_mem>>
      %dma_start3A = arith.constant 0 : i32
      %dma_start3A_20 = arith.constant 0 : i32
      %dma_start3A_21 = tpu.memref_slice %arg4[%add3A, %dma_start3A, %dma_start3A_20] : memref<32x125x80xi32, #tpu.memory_space<hbm>> -> memref<1x125x80xi32, #tpu.memory_space<hbm>>
      %dma_start3A_22 = tpu.memref_squeeze %dma_start3A_21 : memref<1x125x80xi32, #tpu.memory_space<hbm>> -> memref<125x80xi32, #tpu.memory_space<hbm>>
      %dma_start3A_23 = arith.constant 0 : i32
      %dma_start3A_24 = arith.constant 0 : i32
      %dma_start3A_25 = tpu.memref_slice %arg4[%add3A, %dma_start3A_23, %dma_start3A_24] : memref<32x125x80xi32, #tpu.memory_space<hbm>> -> memref<1x125x80xi32, #tpu.memory_space<hbm>>
      %dma_start3A_26 = tpu.memref_squeeze %dma_start3A_25 : memref<1x125x80xi32, #tpu.memory_space<hbm>> -> memref<125x80xi32, #tpu.memory_space<hbm>>
      tpu.enqueue_dma source(%dma_start3A_26 : memref<125x80xi32, #tpu.memory_space<hbm>>) target(%arg8 : memref<125x80xi32, #tpu.memory_space<vmem>>) target_semaphore(%run_scoped3A : memref<!tpu.dma_semaphore, #tpu.memory_space<semaphore_mem>>)
      %dma_wait3A = arith.constant 0 : i32
      %dma_wait3A_27 = arith.constant 0 : i32
      %dma_wait3A_28 = tpu.memref_slice %arg4[%add3A, %dma_wait3A, %dma_wait3A_27] : memref<32x125x80xi32, #tpu.memory_space<hbm>> -> memref<1x125x80xi32, #tpu.memory_space<hbm>>
      %dma_wait3A_29 = tpu.memref_squeeze %dma_wait3A_28 : memref<1x125x80xi32, #tpu.memory_space<hbm>> -> memref<125x80xi32, #tpu.memory_space<hbm>>
      %dma_wait3A_30 = arith.constant 0 : i32
      %dma_wait3A_31 = arith.constant 0 : i32
      %dma_wait3A_32 = tpu.memref_slice %arg4[%add3A, %dma_wait3A_30, %dma_wait3A_31] : memref<32x125x80xi32, #tpu.memory_space<hbm>> -> memref<1x125x80xi32, #tpu.memory_space<hbm>>
      %dma_wait3A_33 = tpu.memref_squeeze %dma_wait3A_32 : memref<1x125x80xi32, #tpu.memory_space<hbm>> -> memref<125x80xi32, #tpu.memory_space<hbm>>
      tpu.wait_dma2 semaphore(%run_scoped3A : memref<!tpu.dma_semaphore, #tpu.memory_space<semaphore_mem>>) src(%dma_wait3A_33 : memref<125x80xi32, #tpu.memory_space<hbm>>) dst(%arg8 : memref<125x80xi32, #tpu.memory_space<vmem>>)
      tpu.yield
    }) : () -> ()
    %barrier3A = arith.constant 0 : index
    tpu.barrier barrier_id(%barrier3A)
    %scan3A = arith.constant 0 : i32
    %scan3A_5 = arith.constant 0 : i32
    %scan3A_6 = arith.constant 125 : i32
    %scan3A_7 = arith.addi %scan3A_5, %scan3A_6 : i32
    %scan3A_8 = arith.constant 1 : i32
    scf.for %scan3A_20 = %scan3A_5 to %scan3A_7 step %scan3A_8  : i32 {
      %dma_start3A = arith.constant 0 : i32
      %dma_start3A_21 = tpu.memref_slice %arg7[%scan3A_20, %dma_start3A] : memref<125x80xi32, #tpu.memory_space<vmem>> -> memref<1x80xi32, #tpu.memory_space<vmem>>
      %dma_start3A_22 = tpu.memref_squeeze %dma_start3A_21 : memref<1x80xi32, #tpu.memory_space<vmem>> -> memref<80xi32, #tpu.memory_space<vmem>>
      %dma_start3A_23 = arith.constant 0 : i32
      %dma_start3A_24 = arith.constant 0 : i32
      %dma_start3A_25 = tpu.memref_slice %arg2[%dma_start3A_23, %dma_start3A_24] : memref<10000x128xf32, #tpu.memory_space<hbm>> -> memref<10000x128xf32, #tpu.memory_space<hbm>>
      tpu.enqueue_indirect_dma source(%dma_start3A_25 : memref<10000x128xf32, #tpu.memory_space<hbm>>) target(%arg9 : memref<80x128xf32, #tpu.memory_space<vmem>>) offsets(%dma_start3A_22 : memref<80xi32, #tpu.memory_space<vmem>>) semaphore(%arg11 : memref<!tpu.dma_semaphore, #tpu.memory_space<semaphore_mem>>)
      %dma_wait3A = arith.constant 0 : i32
      %dma_wait3A_26 = tpu.memref_slice %arg7[%scan3A_20, %dma_wait3A] : memref<125x80xi32, #tpu.memory_space<vmem>> -> memref<1x80xi32, #tpu.memory_space<vmem>>
      %dma_wait3A_27 = tpu.memref_squeeze %dma_wait3A_26 : memref<1x80xi32, #tpu.memory_space<vmem>> -> memref<80xi32, #tpu.memory_space<vmem>>
      %dma_wait3A_28 = arith.constant 0 : i32
      %dma_wait3A_29 = arith.constant 0 : i32
      %dma_wait3A_30 = tpu.memref_slice %arg2[%dma_wait3A_28, %dma_wait3A_29] : memref<10000x128xf32, #tpu.memory_space<hbm>> -> memref<10000x128xf32, #tpu.memory_space<hbm>>
      tpu.wait_indirect_dma semaphore(%arg11 : memref<!tpu.dma_semaphore, #tpu.memory_space<semaphore_mem>>) src(%dma_wait3A_30 : memref<10000x128xf32, #tpu.memory_space<hbm>>) dst(%arg9 : memref<80x128xf32, #tpu.memory_space<vmem>>)
      "tpu.region"() ({
        %run_scoped3A = tpu.sem_alloc : memref<!tpu.dma_semaphore, #tpu.memory_space<semaphore_mem>>
        %dma_start3A_31 = arith.constant 0 : i32
        %dma_start3A_32 = tpu.memref_slice %arg8[%scan3A_20, %dma_start3A_31] : memref<125x80xi32, #tpu.memory_space<vmem>> -> memref<1x80xi32, #tpu.memory_space<vmem>>
        %dma_start3A_33 = tpu.memref_squeeze %dma_start3A_32 : memref<1x80xi32, #tpu.memory_space<vmem>> -> memref<80xi32, #tpu.memory_space<vmem>>
        %dma_start3A_34 = arith.constant 0 : i32
        %dma_start3A_35 = arith.constant 0 : i32
        %dma_start3A_36 = tpu.memref_slice %arg10[%dma_start3A_34, %dma_start3A_35] : memref<10000x128xf32, #tpu.memory_space<vmem_shared>> -> memref<10000x128xf32, #tpu.memory_space<vmem_shared>>
        tpu.enqueue_indirect_dma source(%arg9 : memref<80x128xf32, #tpu.memory_space<vmem>>) target(%dma_start3A_36 : memref<10000x128xf32, #tpu.memory_space<vmem_shared>>) offsets(%dma_start3A_33 : memref<80xi32, #tpu.memory_space<vmem>>) semaphore(%run_scoped3A : memref<!tpu.dma_semaphore, #tpu.memory_space<semaphore_mem>>) {add = true}
        %dma_wait3A_37 = arith.constant 0 : i32
        %dma_wait3A_38 = tpu.memref_slice %arg8[%scan3A_20, %dma_wait3A_37] : memref<125x80xi32, #tpu.memory_space<vmem>> -> memref<1x80xi32, #tpu.memory_space<vmem>>
        %dma_wait3A_39 = tpu.memref_squeeze %dma_wait3A_38 : memref<1x80xi32, #tpu.memory_space<vmem>> -> memref<80xi32, #tpu.memory_space<vmem>>
        %dma_wait3A_40 = arith.constant 0 : i32
        %dma_wait3A_41 = arith.constant 0 : i32
        %dma_wait3A_42 = tpu.memref_slice %arg10[%dma_wait3A_40, %dma_wait3A_41] : memref<10000x128xf32, #tpu.memory_space<vmem_shared>> -> memref<10000x128xf32, #tpu.memory_space<vmem_shared>>
        tpu.wait_indirect_dma semaphore(%run_scoped3A : memref<!tpu.dma_semaphore, #tpu.memory_space<semaphore_mem>>) src(%arg9 : memref<80x128xf32, #tpu.memory_space<vmem>>) dst(%dma_wait3A_42 : memref<10000x128xf32, #tpu.memory_space<vmem_shared>>)
        tpu.yield
      }) : () -> ()
    }
    %scan3A_9 = arith.constant 125 : i32
    %barrier3A_10 = arith.constant 0 : index
    tpu.barrier barrier_id(%barrier3A_10)
    %mul3A_11 = arith.constant 624 : i32
    %mul3A_12 = arith.muli %arg1, %mul3A_11 : i32
    %mul3A_13 = arith.constant 624 : i32
    %mul3A_14 = arith.muli %arg1, %mul3A_13 : i32
    "tpu.region"() ({
      %run_scoped3A = tpu.sem_alloc : memref<!tpu.dma_semaphore, #tpu.memory_space<semaphore_mem>>
      %dma_start3A = arith.constant 0 : i32
      %dma_start3A_20 = arith.constant 0 : i32
      %dma_start3A_21 = tpu.memref_slice %arg6[%arg0, %dma_start3A, %dma_start3A_20] : memref<2x10000x128xf32, #tpu.memory_space<hbm>> -> memref<1x10000x128xf32, #tpu.memory_space<hbm>>
      %dma_start3A_22 = tpu.memref_squeeze %dma_start3A_21 : memref<1x10000x128xf32, #tpu.memory_space<hbm>> -> memref<10000x128xf32, #tpu.memory_space<hbm>>
      %dma_start3A_23 = arith.constant 0 : i32
      %dma_start3A_24 = tpu.memref_slice %dma_start3A_22[%mul3A_14, %dma_start3A_23] : memref<10000x128xf32, #tpu.memory_space<hbm>> -> memref<624x128xf32, #tpu.memory_space<hbm>>
      %dma_start3A_25 = arith.constant 0 : i32
      %dma_start3A_26 = tpu.memref_slice %arg10[%mul3A_12, %dma_start3A_25] : memref<10000x128xf32, #tpu.memory_space<vmem_shared>> -> memref<624x128xf32, #tpu.memory_space<vmem_shared>>
      tpu.enqueue_dma source(%dma_start3A_26 : memref<624x128xf32, #tpu.memory_space<vmem_shared>>) target(%dma_start3A_24 : memref<624x128xf32, #tpu.memory_space<hbm>>) target_semaphore(%run_scoped3A : memref<!tpu.dma_semaphore, #tpu.memory_space<semaphore_mem>>)
      %dma_wait3A = arith.constant 0 : i32
      %dma_wait3A_27 = arith.constant 0 : i32
      %dma_wait3A_28 = tpu.memref_slice %arg6[%arg0, %dma_wait3A, %dma_wait3A_27] : memref<2x10000x128xf32, #tpu.memory_space<hbm>> -> memref<1x10000x128xf32, #tpu.memory_space<hbm>>
      %dma_wait3A_29 = tpu.memref_squeeze %dma_wait3A_28 : memref<1x10000x128xf32, #tpu.memory_space<hbm>> -> memref<10000x128xf32, #tpu.memory_space<hbm>>
      %dma_wait3A_30 = arith.constant 0 : i32
      %dma_wait3A_31 = tpu.memref_slice %dma_wait3A_29[%mul3A_14, %dma_wait3A_30] : memref<10000x128xf32, #tpu.memory_space<hbm>> -> memref<624x128xf32, #tpu.memory_space<hbm>>
      %dma_wait3A_32 = arith.constant 0 : i32
      %dma_wait3A_33 = tpu.memref_slice %arg10[%mul3A_12, %dma_wait3A_32] : memref<10000x128xf32, #tpu.memory_space<vmem_shared>> -> memref<624x128xf32, #tpu.memory_space<vmem_shared>>
      tpu.wait_dma2 semaphore(%run_scoped3A : memref<!tpu.dma_semaphore, #tpu.memory_space<semaphore_mem>>) src(%dma_wait3A_33 : memref<624x128xf32, #tpu.memory_space<vmem_shared>>) dst(%dma_wait3A_31 : memref<624x128xf32, #tpu.memory_space<hbm>>)
      tpu.yield
    }) : () -> ()
    %eq3A_15 = arith.constant 15 : i32
    %eq3A_16 = arith.cmpi eq, %arg1, %eq3A_15 : i32
    %convert_element_type3A_17 = arith.extui %eq3A_16 : i1 to i32
    %cond3A_18 = arith.constant 0 : i32
    %cond3A_19 = arith.cmpi ne, %convert_element_type3A_17, %cond3A_18 : i32
    scf.if %cond3A_19 {
      "tpu.region"() ({
        %run_scoped3A = tpu.sem_alloc : memref<!tpu.dma_semaphore, #tpu.memory_space<semaphore_mem>>
        %dma_start3A = arith.constant 0 : i32
        %dma_start3A_20 = arith.constant 0 : i32
        %dma_start3A_21 = tpu.memref_slice %arg6[%arg0, %dma_start3A, %dma_start3A_20] : memref<2x10000x128xf32, #tpu.memory_space<hbm>> -> memref<1x10000x128xf32, #tpu.memory_space<hbm>>
        %dma_start3A_22 = tpu.memref_squeeze %dma_start3A_21 : memref<1x10000x128xf32, #tpu.memory_space<hbm>> -> memref<10000x128xf32, #tpu.memory_space<hbm>>
        %dma_start3A_23 = arith.constant 9984 : i32
        %dma_start3A_24 = arith.constant 0 : i32
        %dma_start3A_25 = tpu.memref_slice %dma_start3A_22[%dma_start3A_23, %dma_start3A_24] : memref<10000x128xf32, #tpu.memory_space<hbm>> -> memref<16x128xf32, #tpu.memory_space<hbm>>
        %dma_start3A_26 = arith.constant 9984 : i32
        %dma_start3A_27 = arith.constant 0 : i32
        %dma_start3A_28 = tpu.memref_slice %arg10[%dma_start3A_26, %dma_start3A_27] : memref<10000x128xf32, #tpu.memory_space<vmem_shared>> -> memref<16x128xf32, #tpu.memory_space<vmem_shared>>
        tpu.enqueue_dma source(%dma_start3A_28 : memref<16x128xf32, #tpu.memory_space<vmem_shared>>) target(%dma_start3A_25 : memref<16x128xf32, #tpu.memory_space<hbm>>) target_semaphore(%run_scoped3A : memref<!tpu.dma_semaphore, #tpu.memory_space<semaphore_mem>>)
        %dma_wait3A = arith.constant 0 : i32
        %dma_wait3A_29 = arith.constant 0 : i32
        %dma_wait3A_30 = tpu.memref_slice %arg6[%arg0, %dma_wait3A, %dma_wait3A_29] : memref<2x10000x128xf32, #tpu.memory_space<hbm>> -> memref<1x10000x128xf32, #tpu.memory_space<hbm>>
        %dma_wait3A_31 = tpu.memref_squeeze %dma_wait3A_30 : memref<1x10000x128xf32, #tpu.memory_space<hbm>> -> memref<10000x128xf32, #tpu.memory_space<hbm>>
        %dma_wait3A_32 = arith.constant 9984 : i32
        %dma_wait3A_33 = arith.constant 0 : i32
        %dma_wait3A_34 = tpu.memref_slice %dma_wait3A_31[%dma_wait3A_32, %dma_wait3A_33] : memref<10000x128xf32, #tpu.memory_space<hbm>> -> memref<16x128xf32, #tpu.memory_space<hbm>>
        %dma_wait3A_35 = arith.constant 9984 : i32
        %dma_wait3A_36 = arith.constant 0 : i32
        %dma_wait3A_37 = tpu.memref_slice %arg10[%dma_wait3A_35, %dma_wait3A_36] : memref<10000x128xf32, #tpu.memory_space<vmem_shared>> -> memref<16x128xf32, #tpu.memory_space<vmem_shared>>
        tpu.wait_dma2 semaphore(%run_scoped3A : memref<!tpu.dma_semaphore, #tpu.memory_space<semaphore_mem>>) src(%dma_wait3A_37 : memref<16x128xf32, #tpu.memory_space<vmem_shared>>) dst(%dma_wait3A_34 : memref<16x128xf32, #tpu.memory_space<hbm>>)
        tpu.yield
      }) : () -> ()
    } else {
    }
    return
  }
}

#map = affine_map<(d0, d1) -> (0, 0, 0)>
#map1 = affine_map<(d0, d1) -> (0, 0)>
module attributes {stable_mosaic.version = 14 : i64} {
  func.func @_deg_kernel(%arg0: i32, %arg1: i32, %arg2: memref<32x125x80xi32, #tpu.memory_space<hbm>>, %arg3: memref<624x128xf32, #tpu.memory_space<hbm>>, %arg4: memref<80x128xf32, #tpu.memory_space<hbm>>, %arg5: memref<2x10000x128xf32, #tpu.memory_space<hbm>>, %arg6: memref<125x80xi32, #tpu.memory_space<vmem>>, %arg7: memref<80x128xf32, #tpu.memory_space<vmem>>, %arg8: memref<10000x128xf32, #tpu.memory_space<vmem_shared>>) attributes {dimension_semantics = [#tpu.dimension_semantics<core_parallel>, #tpu.dimension_semantics<subcore_parallel>], iteration_bounds = array<i64: 2, 16>, scalar_prefetch = 0 : i64, scratch_operands = 3 : i64, tpu.core_type = #tpu.core_type<sc_vector_subcore>, window_params = [{transform_indices = #map}, {transform_indices = #map1}, {transform_indices = #map1}, {transform_indices = #map}]} {
    %mul3A = arith.constant 16 : i32
    %mul3A_0 = arith.muli %arg0, %mul3A : i32
    %add3A = arith.addi %mul3A_0, %arg1 : i32
    %mul3A_1 = arith.constant 624 : i32
    %mul3A_2 = arith.muli %arg1, %mul3A_1 : i32
    "tpu.region"() ({
      %run_scoped3A = tpu.sem_alloc : memref<!tpu.dma_semaphore, #tpu.memory_space<semaphore_mem>>
      %dma_start3A = arith.constant 0 : i32
      %dma_start3A_20 = tpu.memref_slice %arg8[%mul3A_2, %dma_start3A] : memref<10000x128xf32, #tpu.memory_space<vmem_shared>> -> memref<624x128xf32, #tpu.memory_space<vmem_shared>>
      %dma_start3A_21 = arith.constant 0 : i32
      %dma_start3A_22 = arith.constant 0 : i32
      %dma_start3A_23 = tpu.memref_slice %arg3[%dma_start3A_21, %dma_start3A_22] : memref<624x128xf32, #tpu.memory_space<hbm>> -> memref<624x128xf32, #tpu.memory_space<hbm>>
      tpu.enqueue_dma source(%dma_start3A_23 : memref<624x128xf32, #tpu.memory_space<hbm>>) target(%dma_start3A_20 : memref<624x128xf32, #tpu.memory_space<vmem_shared>>) target_semaphore(%run_scoped3A : memref<!tpu.dma_semaphore, #tpu.memory_space<semaphore_mem>>)
      %dma_wait3A = arith.constant 0 : i32
      %dma_wait3A_24 = tpu.memref_slice %arg8[%mul3A_2, %dma_wait3A] : memref<10000x128xf32, #tpu.memory_space<vmem_shared>> -> memref<624x128xf32, #tpu.memory_space<vmem_shared>>
      %dma_wait3A_25 = arith.constant 0 : i32
      %dma_wait3A_26 = arith.constant 0 : i32
      %dma_wait3A_27 = tpu.memref_slice %arg3[%dma_wait3A_25, %dma_wait3A_26] : memref<624x128xf32, #tpu.memory_space<hbm>> -> memref<624x128xf32, #tpu.memory_space<hbm>>
      tpu.wait_dma2 semaphore(%run_scoped3A : memref<!tpu.dma_semaphore, #tpu.memory_space<semaphore_mem>>) src(%dma_wait3A_27 : memref<624x128xf32, #tpu.memory_space<hbm>>) dst(%dma_wait3A_24 : memref<624x128xf32, #tpu.memory_space<vmem_shared>>)
      tpu.yield
    }) : () -> ()
    %eq3A = arith.constant 15 : i32
    %eq3A_3 = arith.cmpi eq, %arg1, %eq3A : i32
    %convert_element_type3A = arith.extui %eq3A_3 : i1 to i32
    %cond3A = arith.constant 0 : i32
    %cond3A_4 = arith.cmpi ne, %convert_element_type3A, %cond3A : i32
    scf.if %cond3A_4 {
      "tpu.region"() ({
        %run_scoped3A = tpu.sem_alloc : memref<!tpu.dma_semaphore, #tpu.memory_space<semaphore_mem>>
        %dma_start3A = arith.constant 9984 : i32
        %dma_start3A_20 = arith.constant 0 : i32
        %dma_start3A_21 = tpu.memref_slice %arg8[%dma_start3A, %dma_start3A_20] : memref<10000x128xf32, #tpu.memory_space<vmem_shared>> -> memref<16x128xf32, #tpu.memory_space<vmem_shared>>
        %dma_start3A_22 = arith.constant 0 : i32
        %dma_start3A_23 = arith.constant 0 : i32
        %dma_start3A_24 = tpu.memref_slice %arg3[%dma_start3A_22, %dma_start3A_23] : memref<624x128xf32, #tpu.memory_space<hbm>> -> memref<16x128xf32, #tpu.memory_space<hbm>>
        tpu.enqueue_dma source(%dma_start3A_24 : memref<16x128xf32, #tpu.memory_space<hbm>>) target(%dma_start3A_21 : memref<16x128xf32, #tpu.memory_space<vmem_shared>>) target_semaphore(%run_scoped3A : memref<!tpu.dma_semaphore, #tpu.memory_space<semaphore_mem>>)
        %dma_wait3A = arith.constant 9984 : i32
        %dma_wait3A_25 = arith.constant 0 : i32
        %dma_wait3A_26 = tpu.memref_slice %arg8[%dma_wait3A, %dma_wait3A_25] : memref<10000x128xf32, #tpu.memory_space<vmem_shared>> -> memref<16x128xf32, #tpu.memory_space<vmem_shared>>
        %dma_wait3A_27 = arith.constant 0 : i32
        %dma_wait3A_28 = arith.constant 0 : i32
        %dma_wait3A_29 = tpu.memref_slice %arg3[%dma_wait3A_27, %dma_wait3A_28] : memref<624x128xf32, #tpu.memory_space<hbm>> -> memref<16x128xf32, #tpu.memory_space<hbm>>
        tpu.wait_dma2 semaphore(%run_scoped3A : memref<!tpu.dma_semaphore, #tpu.memory_space<semaphore_mem>>) src(%dma_wait3A_29 : memref<16x128xf32, #tpu.memory_space<hbm>>) dst(%dma_wait3A_26 : memref<16x128xf32, #tpu.memory_space<vmem_shared>>)
        tpu.yield
      }) : () -> ()
    } else {
    }
    "tpu.region"() ({
      %run_scoped3A = tpu.sem_alloc : memref<!tpu.dma_semaphore, #tpu.memory_space<semaphore_mem>>
      tpu.enqueue_dma source(%arg4 : memref<80x128xf32, #tpu.memory_space<hbm>>) target(%arg7 : memref<80x128xf32, #tpu.memory_space<vmem>>) target_semaphore(%run_scoped3A : memref<!tpu.dma_semaphore, #tpu.memory_space<semaphore_mem>>)
      tpu.wait_dma2 semaphore(%run_scoped3A : memref<!tpu.dma_semaphore, #tpu.memory_space<semaphore_mem>>) src(%arg4 : memref<80x128xf32, #tpu.memory_space<hbm>>) dst(%arg7 : memref<80x128xf32, #tpu.memory_space<vmem>>)
      tpu.yield
    }) : () -> ()
    "tpu.region"() ({
      %run_scoped3A = tpu.sem_alloc : memref<!tpu.dma_semaphore, #tpu.memory_space<semaphore_mem>>
      %dma_start3A = arith.constant 0 : i32
      %dma_start3A_20 = arith.constant 0 : i32
      %dma_start3A_21 = tpu.memref_slice %arg2[%add3A, %dma_start3A, %dma_start3A_20] : memref<32x125x80xi32, #tpu.memory_space<hbm>> -> memref<1x125x80xi32, #tpu.memory_space<hbm>>
      %dma_start3A_22 = tpu.memref_squeeze %dma_start3A_21 : memref<1x125x80xi32, #tpu.memory_space<hbm>> -> memref<125x80xi32, #tpu.memory_space<hbm>>
      %dma_start3A_23 = arith.constant 0 : i32
      %dma_start3A_24 = arith.constant 0 : i32
      %dma_start3A_25 = tpu.memref_slice %arg2[%add3A, %dma_start3A_23, %dma_start3A_24] : memref<32x125x80xi32, #tpu.memory_space<hbm>> -> memref<1x125x80xi32, #tpu.memory_space<hbm>>
      %dma_start3A_26 = tpu.memref_squeeze %dma_start3A_25 : memref<1x125x80xi32, #tpu.memory_space<hbm>> -> memref<125x80xi32, #tpu.memory_space<hbm>>
      tpu.enqueue_dma source(%dma_start3A_26 : memref<125x80xi32, #tpu.memory_space<hbm>>) target(%arg6 : memref<125x80xi32, #tpu.memory_space<vmem>>) target_semaphore(%run_scoped3A : memref<!tpu.dma_semaphore, #tpu.memory_space<semaphore_mem>>)
      %dma_wait3A = arith.constant 0 : i32
      %dma_wait3A_27 = arith.constant 0 : i32
      %dma_wait3A_28 = tpu.memref_slice %arg2[%add3A, %dma_wait3A, %dma_wait3A_27] : memref<32x125x80xi32, #tpu.memory_space<hbm>> -> memref<1x125x80xi32, #tpu.memory_space<hbm>>
      %dma_wait3A_29 = tpu.memref_squeeze %dma_wait3A_28 : memref<1x125x80xi32, #tpu.memory_space<hbm>> -> memref<125x80xi32, #tpu.memory_space<hbm>>
      %dma_wait3A_30 = arith.constant 0 : i32
      %dma_wait3A_31 = arith.constant 0 : i32
      %dma_wait3A_32 = tpu.memref_slice %arg2[%add3A, %dma_wait3A_30, %dma_wait3A_31] : memref<32x125x80xi32, #tpu.memory_space<hbm>> -> memref<1x125x80xi32, #tpu.memory_space<hbm>>
      %dma_wait3A_33 = tpu.memref_squeeze %dma_wait3A_32 : memref<1x125x80xi32, #tpu.memory_space<hbm>> -> memref<125x80xi32, #tpu.memory_space<hbm>>
      tpu.wait_dma2 semaphore(%run_scoped3A : memref<!tpu.dma_semaphore, #tpu.memory_space<semaphore_mem>>) src(%dma_wait3A_33 : memref<125x80xi32, #tpu.memory_space<hbm>>) dst(%arg6 : memref<125x80xi32, #tpu.memory_space<vmem>>)
      tpu.yield
    }) : () -> ()
    %barrier3A = arith.constant 0 : index
    tpu.barrier barrier_id(%barrier3A)
    %scan3A = arith.constant 0 : i32
    %scan3A_5 = arith.constant 0 : i32
    %scan3A_6 = arith.constant 125 : i32
    %scan3A_7 = arith.addi %scan3A_5, %scan3A_6 : i32
    %scan3A_8 = arith.constant 1 : i32
    scf.for %scan3A_20 = %scan3A_5 to %scan3A_7 step %scan3A_8  : i32 {
      "tpu.region"() ({
        %run_scoped3A = tpu.sem_alloc : memref<!tpu.dma_semaphore, #tpu.memory_space<semaphore_mem>>
        %dma_start3A = arith.constant 0 : i32
        %dma_start3A_21 = tpu.memref_slice %arg6[%scan3A_20, %dma_start3A] : memref<125x80xi32, #tpu.memory_space<vmem>> -> memref<1x80xi32, #tpu.memory_space<vmem>>
        %dma_start3A_22 = tpu.memref_squeeze %dma_start3A_21 : memref<1x80xi32, #tpu.memory_space<vmem>> -> memref<80xi32, #tpu.memory_space<vmem>>
        %dma_start3A_23 = arith.constant 0 : i32
        %dma_start3A_24 = arith.constant 0 : i32
        %dma_start3A_25 = tpu.memref_slice %arg8[%dma_start3A_23, %dma_start3A_24] : memref<10000x128xf32, #tpu.memory_space<vmem_shared>> -> memref<10000x128xf32, #tpu.memory_space<vmem_shared>>
        tpu.enqueue_indirect_dma source(%arg7 : memref<80x128xf32, #tpu.memory_space<vmem>>) target(%dma_start3A_25 : memref<10000x128xf32, #tpu.memory_space<vmem_shared>>) offsets(%dma_start3A_22 : memref<80xi32, #tpu.memory_space<vmem>>) semaphore(%run_scoped3A : memref<!tpu.dma_semaphore, #tpu.memory_space<semaphore_mem>>) {add = true}
        %dma_wait3A = arith.constant 0 : i32
        %dma_wait3A_26 = tpu.memref_slice %arg6[%scan3A_20, %dma_wait3A] : memref<125x80xi32, #tpu.memory_space<vmem>> -> memref<1x80xi32, #tpu.memory_space<vmem>>
        %dma_wait3A_27 = tpu.memref_squeeze %dma_wait3A_26 : memref<1x80xi32, #tpu.memory_space<vmem>> -> memref<80xi32, #tpu.memory_space<vmem>>
        %dma_wait3A_28 = arith.constant 0 : i32
        %dma_wait3A_29 = arith.constant 0 : i32
        %dma_wait3A_30 = tpu.memref_slice %arg8[%dma_wait3A_28, %dma_wait3A_29] : memref<10000x128xf32, #tpu.memory_space<vmem_shared>> -> memref<10000x128xf32, #tpu.memory_space<vmem_shared>>
        tpu.wait_indirect_dma semaphore(%run_scoped3A : memref<!tpu.dma_semaphore, #tpu.memory_space<semaphore_mem>>) src(%arg7 : memref<80x128xf32, #tpu.memory_space<vmem>>) dst(%dma_wait3A_30 : memref<10000x128xf32, #tpu.memory_space<vmem_shared>>)
        tpu.yield
      }) : () -> ()
    }
    %scan3A_9 = arith.constant 125 : i32
    %barrier3A_10 = arith.constant 0 : index
    tpu.barrier barrier_id(%barrier3A_10)
    %mul3A_11 = arith.constant 624 : i32
    %mul3A_12 = arith.muli %arg1, %mul3A_11 : i32
    %mul3A_13 = arith.constant 624 : i32
    %mul3A_14 = arith.muli %arg1, %mul3A_13 : i32
    "tpu.region"() ({
      %run_scoped3A = tpu.sem_alloc : memref<!tpu.dma_semaphore, #tpu.memory_space<semaphore_mem>>
      %dma_start3A = arith.constant 0 : i32
      %dma_start3A_20 = arith.constant 0 : i32
      %dma_start3A_21 = tpu.memref_slice %arg5[%arg0, %dma_start3A, %dma_start3A_20] : memref<2x10000x128xf32, #tpu.memory_space<hbm>> -> memref<1x10000x128xf32, #tpu.memory_space<hbm>>
      %dma_start3A_22 = tpu.memref_squeeze %dma_start3A_21 : memref<1x10000x128xf32, #tpu.memory_space<hbm>> -> memref<10000x128xf32, #tpu.memory_space<hbm>>
      %dma_start3A_23 = arith.constant 0 : i32
      %dma_start3A_24 = tpu.memref_slice %dma_start3A_22[%mul3A_14, %dma_start3A_23] : memref<10000x128xf32, #tpu.memory_space<hbm>> -> memref<624x128xf32, #tpu.memory_space<hbm>>
      %dma_start3A_25 = arith.constant 0 : i32
      %dma_start3A_26 = tpu.memref_slice %arg8[%mul3A_12, %dma_start3A_25] : memref<10000x128xf32, #tpu.memory_space<vmem_shared>> -> memref<624x128xf32, #tpu.memory_space<vmem_shared>>
      tpu.enqueue_dma source(%dma_start3A_26 : memref<624x128xf32, #tpu.memory_space<vmem_shared>>) target(%dma_start3A_24 : memref<624x128xf32, #tpu.memory_space<hbm>>) target_semaphore(%run_scoped3A : memref<!tpu.dma_semaphore, #tpu.memory_space<semaphore_mem>>)
      %dma_wait3A = arith.constant 0 : i32
      %dma_wait3A_27 = arith.constant 0 : i32
      %dma_wait3A_28 = tpu.memref_slice %arg5[%arg0, %dma_wait3A, %dma_wait3A_27] : memref<2x10000x128xf32, #tpu.memory_space<hbm>> -> memref<1x10000x128xf32, #tpu.memory_space<hbm>>
      %dma_wait3A_29 = tpu.memref_squeeze %dma_wait3A_28 : memref<1x10000x128xf32, #tpu.memory_space<hbm>> -> memref<10000x128xf32, #tpu.memory_space<hbm>>
      %dma_wait3A_30 = arith.constant 0 : i32
      %dma_wait3A_31 = tpu.memref_slice %dma_wait3A_29[%mul3A_14, %dma_wait3A_30] : memref<10000x128xf32, #tpu.memory_space<hbm>> -> memref<624x128xf32, #tpu.memory_space<hbm>>
      %dma_wait3A_32 = arith.constant 0 : i32
      %dma_wait3A_33 = tpu.memref_slice %arg8[%mul3A_12, %dma_wait3A_32] : memref<10000x128xf32, #tpu.memory_space<vmem_shared>> -> memref<624x128xf32, #tpu.memory_space<vmem_shared>>
      tpu.wait_dma2 semaphore(%run_scoped3A : memref<!tpu.dma_semaphore, #tpu.memory_space<semaphore_mem>>) src(%dma_wait3A_33 : memref<624x128xf32, #tpu.memory_space<vmem_shared>>) dst(%dma_wait3A_31 : memref<624x128xf32, #tpu.memory_space<hbm>>)
      tpu.yield
    }) : () -> ()
    %eq3A_15 = arith.constant 15 : i32
    %eq3A_16 = arith.cmpi eq, %arg1, %eq3A_15 : i32
    %convert_element_type3A_17 = arith.extui %eq3A_16 : i1 to i32
    %cond3A_18 = arith.constant 0 : i32
    %cond3A_19 = arith.cmpi ne, %convert_element_type3A_17, %cond3A_18 : i32
    scf.if %cond3A_19 {
      "tpu.region"() ({
        %run_scoped3A = tpu.sem_alloc : memref<!tpu.dma_semaphore, #tpu.memory_space<semaphore_mem>>
        %dma_start3A = arith.constant 0 : i32
        %dma_start3A_20 = arith.constant 0 : i32
        %dma_start3A_21 = tpu.memref_slice %arg5[%arg0, %dma_start3A, %dma_start3A_20] : memref<2x10000x128xf32, #tpu.memory_space<hbm>> -> memref<1x10000x128xf32, #tpu.memory_space<hbm>>
        %dma_start3A_22 = tpu.memref_squeeze %dma_start3A_21 : memref<1x10000x128xf32, #tpu.memory_space<hbm>> -> memref<10000x128xf32, #tpu.memory_space<hbm>>
        %dma_start3A_23 = arith.constant 9984 : i32
        %dma_start3A_24 = arith.constant 0 : i32
        %dma_start3A_25 = tpu.memref_slice %dma_start3A_22[%dma_start3A_23, %dma_start3A_24] : memref<10000x128xf32, #tpu.memory_space<hbm>> -> memref<16x128xf32, #tpu.memory_space<hbm>>
        %dma_start3A_26 = arith.constant 9984 : i32
        %dma_start3A_27 = arith.constant 0 : i32
        %dma_start3A_28 = tpu.memref_slice %arg8[%dma_start3A_26, %dma_start3A_27] : memref<10000x128xf32, #tpu.memory_space<vmem_shared>> -> memref<16x128xf32, #tpu.memory_space<vmem_shared>>
        tpu.enqueue_dma source(%dma_start3A_28 : memref<16x128xf32, #tpu.memory_space<vmem_shared>>) target(%dma_start3A_25 : memref<16x128xf32, #tpu.memory_space<hbm>>) target_semaphore(%run_scoped3A : memref<!tpu.dma_semaphore, #tpu.memory_space<semaphore_mem>>)
        %dma_wait3A = arith.constant 0 : i32
        %dma_wait3A_29 = arith.constant 0 : i32
        %dma_wait3A_30 = tpu.memref_slice %arg5[%arg0, %dma_wait3A, %dma_wait3A_29] : memref<2x10000x128xf32, #tpu.memory_space<hbm>> -> memref<1x10000x128xf32, #tpu.memory_space<hbm>>
        %dma_wait3A_31 = tpu.memref_squeeze %dma_wait3A_30 : memref<1x10000x128xf32, #tpu.memory_space<hbm>> -> memref<10000x128xf32, #tpu.memory_space<hbm>>
        %dma_wait3A_32 = arith.constant 9984 : i32
        %dma_wait3A_33 = arith.constant 0 : i32
        %dma_wait3A_34 = tpu.memref_slice %dma_wait3A_31[%dma_wait3A_32, %dma_wait3A_33] : memref<10000x128xf32, #tpu.memory_space<hbm>> -> memref<16x128xf32, #tpu.memory_space<hbm>>
        %dma_wait3A_35 = arith.constant 9984 : i32
        %dma_wait3A_36 = arith.constant 0 : i32
        %dma_wait3A_37 = tpu.memref_slice %arg8[%dma_wait3A_35, %dma_wait3A_36] : memref<10000x128xf32, #tpu.memory_space<vmem_shared>> -> memref<16x128xf32, #tpu.memory_space<vmem_shared>>
        tpu.wait_dma2 semaphore(%run_scoped3A : memref<!tpu.dma_semaphore, #tpu.memory_space<semaphore_mem>>) src(%dma_wait3A_37 : memref<16x128xf32, #tpu.memory_space<vmem_shared>>) dst(%dma_wait3A_34 : memref<16x128xf32, #tpu.memory_space<hbm>>)
        tpu.yield
      }) : () -> ()
    } else {
    }
    return
  }
}

#map = affine_map<(d0, d1) -> (0, 0)>
#map1 = affine_map<(d0, d1) -> (0, 0, 0)>
module attributes {stable_mosaic.version = 14 : i64} {
  func.func @_edge_kernel(%arg0: i32, %arg1: i32, %arg2: memref<10000x128xf32, #tpu.memory_space<hbm>>, %arg3: memref<32x125x80xi32, #tpu.memory_space<hbm>>, %arg4: memref<32x125x80xi32, #tpu.memory_space<hbm>>, %arg5: memref<624x128xf32, #tpu.memory_space<hbm>>, %arg6: memref<2x10000x128xf32, #tpu.memory_space<hbm>>, %arg7: memref<125x80xi32, #tpu.memory_space<vmem>>, %arg8: memref<125x80xi32, #tpu.memory_space<vmem>>, %arg9: memref<80x128xf32, #tpu.memory_space<vmem>>, %arg10: memref<10000x128xf32, #tpu.memory_space<vmem_shared>>, %arg11: memref<!tpu.dma_semaphore, #tpu.memory_space<semaphore_mem>>) attributes {dimension_semantics = [#tpu.dimension_semantics<core_parallel>, #tpu.dimension_semantics<subcore_parallel>], iteration_bounds = array<i64: 2, 16>, scalar_prefetch = 0 : i64, scratch_operands = 5 : i64, tpu.core_type = #tpu.core_type<sc_vector_subcore>, window_params = [{transform_indices = #map}, {transform_indices = #map1}, {transform_indices = #map1}, {transform_indices = #map}, {transform_indices = #map1}]} {
    %mul3A = arith.constant 16 : i32
    %mul3A_0 = arith.muli %arg0, %mul3A : i32
    %add3A = arith.addi %mul3A_0, %arg1 : i32
    %mul3A_1 = arith.constant 624 : i32
    %mul3A_2 = arith.muli %arg1, %mul3A_1 : i32
    "tpu.region"() ({
      %run_scoped3A = tpu.sem_alloc : memref<!tpu.dma_semaphore, #tpu.memory_space<semaphore_mem>>
      %dma_start3A = arith.constant 0 : i32
      %dma_start3A_20 = tpu.memref_slice %arg10[%mul3A_2, %dma_start3A] : memref<10000x128xf32, #tpu.memory_space<vmem_shared>> -> memref<624x128xf32, #tpu.memory_space<vmem_shared>>
      %dma_start3A_21 = arith.constant 0 : i32
      %dma_start3A_22 = arith.constant 0 : i32
      %dma_start3A_23 = tpu.memref_slice %arg5[%dma_start3A_21, %dma_start3A_22] : memref<624x128xf32, #tpu.memory_space<hbm>> -> memref<624x128xf32, #tpu.memory_space<hbm>>
      tpu.enqueue_dma source(%dma_start3A_23 : memref<624x128xf32, #tpu.memory_space<hbm>>) target(%dma_start3A_20 : memref<624x128xf32, #tpu.memory_space<vmem_shared>>) target_semaphore(%run_scoped3A : memref<!tpu.dma_semaphore, #tpu.memory_space<semaphore_mem>>)
      %dma_wait3A = arith.constant 0 : i32
      %dma_wait3A_24 = tpu.memref_slice %arg10[%mul3A_2, %dma_wait3A] : memref<10000x128xf32, #tpu.memory_space<vmem_shared>> -> memref<624x128xf32, #tpu.memory_space<vmem_shared>>
      %dma_wait3A_25 = arith.constant 0 : i32
      %dma_wait3A_26 = arith.constant 0 : i32
      %dma_wait3A_27 = tpu.memref_slice %arg5[%dma_wait3A_25, %dma_wait3A_26] : memref<624x128xf32, #tpu.memory_space<hbm>> -> memref<624x128xf32, #tpu.memory_space<hbm>>
      tpu.wait_dma2 semaphore(%run_scoped3A : memref<!tpu.dma_semaphore, #tpu.memory_space<semaphore_mem>>) src(%dma_wait3A_27 : memref<624x128xf32, #tpu.memory_space<hbm>>) dst(%dma_wait3A_24 : memref<624x128xf32, #tpu.memory_space<vmem_shared>>)
      tpu.yield
    }) : () -> ()
    %eq3A = arith.constant 15 : i32
    %eq3A_3 = arith.cmpi eq, %arg1, %eq3A : i32
    %convert_element_type3A = arith.extui %eq3A_3 : i1 to i32
    %cond3A = arith.constant 0 : i32
    %cond3A_4 = arith.cmpi ne, %convert_element_type3A, %cond3A : i32
    scf.if %cond3A_4 {
      "tpu.region"() ({
        %run_scoped3A = tpu.sem_alloc : memref<!tpu.dma_semaphore, #tpu.memory_space<semaphore_mem>>
        %dma_start3A = arith.constant 9984 : i32
        %dma_start3A_20 = arith.constant 0 : i32
        %dma_start3A_21 = tpu.memref_slice %arg10[%dma_start3A, %dma_start3A_20] : memref<10000x128xf32, #tpu.memory_space<vmem_shared>> -> memref<16x128xf32, #tpu.memory_space<vmem_shared>>
        %dma_start3A_22 = arith.constant 0 : i32
        %dma_start3A_23 = arith.constant 0 : i32
        %dma_start3A_24 = tpu.memref_slice %arg5[%dma_start3A_22, %dma_start3A_23] : memref<624x128xf32, #tpu.memory_space<hbm>> -> memref<16x128xf32, #tpu.memory_space<hbm>>
        tpu.enqueue_dma source(%dma_start3A_24 : memref<16x128xf32, #tpu.memory_space<hbm>>) target(%dma_start3A_21 : memref<16x128xf32, #tpu.memory_space<vmem_shared>>) target_semaphore(%run_scoped3A : memref<!tpu.dma_semaphore, #tpu.memory_space<semaphore_mem>>)
        %dma_wait3A = arith.constant 9984 : i32
        %dma_wait3A_25 = arith.constant 0 : i32
        %dma_wait3A_26 = tpu.memref_slice %arg10[%dma_wait3A, %dma_wait3A_25] : memref<10000x128xf32, #tpu.memory_space<vmem_shared>> -> memref<16x128xf32, #tpu.memory_space<vmem_shared>>
        %dma_wait3A_27 = arith.constant 0 : i32
        %dma_wait3A_28 = arith.constant 0 : i32
        %dma_wait3A_29 = tpu.memref_slice %arg5[%dma_wait3A_27, %dma_wait3A_28] : memref<624x128xf32, #tpu.memory_space<hbm>> -> memref<16x128xf32, #tpu.memory_space<hbm>>
        tpu.wait_dma2 semaphore(%run_scoped3A : memref<!tpu.dma_semaphore, #tpu.memory_space<semaphore_mem>>) src(%dma_wait3A_29 : memref<16x128xf32, #tpu.memory_space<hbm>>) dst(%dma_wait3A_26 : memref<16x128xf32, #tpu.memory_space<vmem_shared>>)
        tpu.yield
      }) : () -> ()
    } else {
    }
    "tpu.region"() ({
      %run_scoped3A = tpu.sem_alloc : memref<!tpu.dma_semaphore, #tpu.memory_space<semaphore_mem>>
      %dma_start3A = arith.constant 0 : i32
      %dma_start3A_20 = arith.constant 0 : i32
      %dma_start3A_21 = tpu.memref_slice %arg3[%add3A, %dma_start3A, %dma_start3A_20] : memref<32x125x80xi32, #tpu.memory_space<hbm>> -> memref<1x125x80xi32, #tpu.memory_space<hbm>>
      %dma_start3A_22 = tpu.memref_squeeze %dma_start3A_21 : memref<1x125x80xi32, #tpu.memory_space<hbm>> -> memref<125x80xi32, #tpu.memory_space<hbm>>
      %dma_start3A_23 = arith.constant 0 : i32
      %dma_start3A_24 = arith.constant 0 : i32
      %dma_start3A_25 = tpu.memref_slice %arg3[%add3A, %dma_start3A_23, %dma_start3A_24] : memref<32x125x80xi32, #tpu.memory_space<hbm>> -> memref<1x125x80xi32, #tpu.memory_space<hbm>>
      %dma_start3A_26 = tpu.memref_squeeze %dma_start3A_25 : memref<1x125x80xi32, #tpu.memory_space<hbm>> -> memref<125x80xi32, #tpu.memory_space<hbm>>
      tpu.enqueue_dma source(%dma_start3A_26 : memref<125x80xi32, #tpu.memory_space<hbm>>) target(%arg7 : memref<125x80xi32, #tpu.memory_space<vmem>>) target_semaphore(%run_scoped3A : memref<!tpu.dma_semaphore, #tpu.memory_space<semaphore_mem>>)
      %dma_wait3A = arith.constant 0 : i32
      %dma_wait3A_27 = arith.constant 0 : i32
      %dma_wait3A_28 = tpu.memref_slice %arg3[%add3A, %dma_wait3A, %dma_wait3A_27] : memref<32x125x80xi32, #tpu.memory_space<hbm>> -> memref<1x125x80xi32, #tpu.memory_space<hbm>>
      %dma_wait3A_29 = tpu.memref_squeeze %dma_wait3A_28 : memref<1x125x80xi32, #tpu.memory_space<hbm>> -> memref<125x80xi32, #tpu.memory_space<hbm>>
      %dma_wait3A_30 = arith.constant 0 : i32
      %dma_wait3A_31 = arith.constant 0 : i32
      %dma_wait3A_32 = tpu.memref_slice %arg3[%add3A, %dma_wait3A_30, %dma_wait3A_31] : memref<32x125x80xi32, #tpu.memory_space<hbm>> -> memref<1x125x80xi32, #tpu.memory_space<hbm>>
      %dma_wait3A_33 = tpu.memref_squeeze %dma_wait3A_32 : memref<1x125x80xi32, #tpu.memory_space<hbm>> -> memref<125x80xi32, #tpu.memory_space<hbm>>
      tpu.wait_dma2 semaphore(%run_scoped3A : memref<!tpu.dma_semaphore, #tpu.memory_space<semaphore_mem>>) src(%dma_wait3A_33 : memref<125x80xi32, #tpu.memory_space<hbm>>) dst(%arg7 : memref<125x80xi32, #tpu.memory_space<vmem>>)
      tpu.yield
    }) : () -> ()
    "tpu.region"() ({
      %run_scoped3A = tpu.sem_alloc : memref<!tpu.dma_semaphore, #tpu.memory_space<semaphore_mem>>
      %dma_start3A = arith.constant 0 : i32
      %dma_start3A_20 = arith.constant 0 : i32
      %dma_start3A_21 = tpu.memref_slice %arg4[%add3A, %dma_start3A, %dma_start3A_20] : memref<32x125x80xi32, #tpu.memory_space<hbm>> -> memref<1x125x80xi32, #tpu.memory_space<hbm>>
      %dma_start3A_22 = tpu.memref_squeeze %dma_start3A_21 : memref<1x125x80xi32, #tpu.memory_space<hbm>> -> memref<125x80xi32, #tpu.memory_space<hbm>>
      %dma_start3A_23 = arith.constant 0 : i32
      %dma_start3A_24 = arith.constant 0 : i32
      %dma_start3A_25 = tpu.memref_slice %arg4[%add3A, %dma_start3A_23, %dma_start3A_24] : memref<32x125x80xi32, #tpu.memory_space<hbm>> -> memref<1x125x80xi32, #tpu.memory_space<hbm>>
      %dma_start3A_26 = tpu.memref_squeeze %dma_start3A_25 : memref<1x125x80xi32, #tpu.memory_space<hbm>> -> memref<125x80xi32, #tpu.memory_space<hbm>>
      tpu.enqueue_dma source(%dma_start3A_26 : memref<125x80xi32, #tpu.memory_space<hbm>>) target(%arg8 : memref<125x80xi32, #tpu.memory_space<vmem>>) target_semaphore(%run_scoped3A : memref<!tpu.dma_semaphore, #tpu.memory_space<semaphore_mem>>)
      %dma_wait3A = arith.constant 0 : i32
      %dma_wait3A_27 = arith.constant 0 : i32
      %dma_wait3A_28 = tpu.memref_slice %arg4[%add3A, %dma_wait3A, %dma_wait3A_27] : memref<32x125x80xi32, #tpu.memory_space<hbm>> -> memref<1x125x80xi32, #tpu.memory_space<hbm>>
      %dma_wait3A_29 = tpu.memref_squeeze %dma_wait3A_28 : memref<1x125x80xi32, #tpu.memory_space<hbm>> -> memref<125x80xi32, #tpu.memory_space<hbm>>
      %dma_wait3A_30 = arith.constant 0 : i32
      %dma_wait3A_31 = arith.constant 0 : i32
      %dma_wait3A_32 = tpu.memref_slice %arg4[%add3A, %dma_wait3A_30, %dma_wait3A_31] : memref<32x125x80xi32, #tpu.memory_space<hbm>> -> memref<1x125x80xi32, #tpu.memory_space<hbm>>
      %dma_wait3A_33 = tpu.memref_squeeze %dma_wait3A_32 : memref<1x125x80xi32, #tpu.memory_space<hbm>> -> memref<125x80xi32, #tpu.memory_space<hbm>>
      tpu.wait_dma2 semaphore(%run_scoped3A : memref<!tpu.dma_semaphore, #tpu.memory_space<semaphore_mem>>) src(%dma_wait3A_33 : memref<125x80xi32, #tpu.memory_space<hbm>>) dst(%arg8 : memref<125x80xi32, #tpu.memory_space<vmem>>)
      tpu.yield
    }) : () -> ()
    %barrier3A = arith.constant 0 : index
    tpu.barrier barrier_id(%barrier3A)
    %scan3A = arith.constant 0 : i32
    %scan3A_5 = arith.constant 0 : i32
    %scan3A_6 = arith.constant 125 : i32
    %scan3A_7 = arith.addi %scan3A_5, %scan3A_6 : i32
    %scan3A_8 = arith.constant 1 : i32
    scf.for %scan3A_20 = %scan3A_5 to %scan3A_7 step %scan3A_8  : i32 {
      %dma_start3A = arith.constant 0 : i32
      %dma_start3A_21 = tpu.memref_slice %arg7[%scan3A_20, %dma_start3A] : memref<125x80xi32, #tpu.memory_space<vmem>> -> memref<1x80xi32, #tpu.memory_space<vmem>>
      %dma_start3A_22 = tpu.memref_squeeze %dma_start3A_21 : memref<1x80xi32, #tpu.memory_space<vmem>> -> memref<80xi32, #tpu.memory_space<vmem>>
      %dma_start3A_23 = arith.constant 0 : i32
      %dma_start3A_24 = arith.constant 0 : i32
      %dma_start3A_25 = tpu.memref_slice %arg2[%dma_start3A_23, %dma_start3A_24] : memref<10000x128xf32, #tpu.memory_space<hbm>> -> memref<10000x128xf32, #tpu.memory_space<hbm>>
      tpu.enqueue_indirect_dma source(%dma_start3A_25 : memref<10000x128xf32, #tpu.memory_space<hbm>>) target(%arg9 : memref<80x128xf32, #tpu.memory_space<vmem>>) offsets(%dma_start3A_22 : memref<80xi32, #tpu.memory_space<vmem>>) semaphore(%arg11 : memref<!tpu.dma_semaphore, #tpu.memory_space<semaphore_mem>>)
      %dma_wait3A = arith.constant 0 : i32
      %dma_wait3A_26 = tpu.memref_slice %arg7[%scan3A_20, %dma_wait3A] : memref<125x80xi32, #tpu.memory_space<vmem>> -> memref<1x80xi32, #tpu.memory_space<vmem>>
      %dma_wait3A_27 = tpu.memref_squeeze %dma_wait3A_26 : memref<1x80xi32, #tpu.memory_space<vmem>> -> memref<80xi32, #tpu.memory_space<vmem>>
      %dma_wait3A_28 = arith.constant 0 : i32
      %dma_wait3A_29 = arith.constant 0 : i32
      %dma_wait3A_30 = tpu.memref_slice %arg2[%dma_wait3A_28, %dma_wait3A_29] : memref<10000x128xf32, #tpu.memory_space<hbm>> -> memref<10000x128xf32, #tpu.memory_space<hbm>>
      tpu.wait_indirect_dma semaphore(%arg11 : memref<!tpu.dma_semaphore, #tpu.memory_space<semaphore_mem>>) src(%dma_wait3A_30 : memref<10000x128xf32, #tpu.memory_space<hbm>>) dst(%arg9 : memref<80x128xf32, #tpu.memory_space<vmem>>)
      "tpu.region"() ({
        %run_scoped3A = tpu.sem_alloc : memref<!tpu.dma_semaphore, #tpu.memory_space<semaphore_mem>>
        %dma_start3A_31 = arith.constant 0 : i32
        %dma_start3A_32 = tpu.memref_slice %arg8[%scan3A_20, %dma_start3A_31] : memref<125x80xi32, #tpu.memory_space<vmem>> -> memref<1x80xi32, #tpu.memory_space<vmem>>
        %dma_start3A_33 = tpu.memref_squeeze %dma_start3A_32 : memref<1x80xi32, #tpu.memory_space<vmem>> -> memref<80xi32, #tpu.memory_space<vmem>>
        %dma_start3A_34 = arith.constant 0 : i32
        %dma_start3A_35 = arith.constant 0 : i32
        %dma_start3A_36 = tpu.memref_slice %arg10[%dma_start3A_34, %dma_start3A_35] : memref<10000x128xf32, #tpu.memory_space<vmem_shared>> -> memref<10000x128xf32, #tpu.memory_space<vmem_shared>>
        tpu.enqueue_indirect_dma source(%arg9 : memref<80x128xf32, #tpu.memory_space<vmem>>) target(%dma_start3A_36 : memref<10000x128xf32, #tpu.memory_space<vmem_shared>>) offsets(%dma_start3A_33 : memref<80xi32, #tpu.memory_space<vmem>>) semaphore(%run_scoped3A : memref<!tpu.dma_semaphore, #tpu.memory_space<semaphore_mem>>) {add = true}
        %dma_wait3A_37 = arith.constant 0 : i32
        %dma_wait3A_38 = tpu.memref_slice %arg8[%scan3A_20, %dma_wait3A_37] : memref<125x80xi32, #tpu.memory_space<vmem>> -> memref<1x80xi32, #tpu.memory_space<vmem>>
        %dma_wait3A_39 = tpu.memref_squeeze %dma_wait3A_38 : memref<1x80xi32, #tpu.memory_space<vmem>> -> memref<80xi32, #tpu.memory_space<vmem>>
        %dma_wait3A_40 = arith.constant 0 : i32
        %dma_wait3A_41 = arith.constant 0 : i32
        %dma_wait3A_42 = tpu.memref_slice %arg10[%dma_wait3A_40, %dma_wait3A_41] : memref<10000x128xf32, #tpu.memory_space<vmem_shared>> -> memref<10000x128xf32, #tpu.memory_space<vmem_shared>>
        tpu.wait_indirect_dma semaphore(%run_scoped3A : memref<!tpu.dma_semaphore, #tpu.memory_space<semaphore_mem>>) src(%arg9 : memref<80x128xf32, #tpu.memory_space<vmem>>) dst(%dma_wait3A_42 : memref<10000x128xf32, #tpu.memory_space<vmem_shared>>)
        tpu.yield
      }) : () -> ()
    }
    %scan3A_9 = arith.constant 125 : i32
    %barrier3A_10 = arith.constant 0 : index
    tpu.barrier barrier_id(%barrier3A_10)
    %mul3A_11 = arith.constant 624 : i32
    %mul3A_12 = arith.muli %arg1, %mul3A_11 : i32
    %mul3A_13 = arith.constant 624 : i32
    %mul3A_14 = arith.muli %arg1, %mul3A_13 : i32
    "tpu.region"() ({
      %run_scoped3A = tpu.sem_alloc : memref<!tpu.dma_semaphore, #tpu.memory_space<semaphore_mem>>
      %dma_start3A = arith.constant 0 : i32
      %dma_start3A_20 = arith.constant 0 : i32
      %dma_start3A_21 = tpu.memref_slice %arg6[%arg0, %dma_start3A, %dma_start3A_20] : memref<2x10000x128xf32, #tpu.memory_space<hbm>> -> memref<1x10000x128xf32, #tpu.memory_space<hbm>>
      %dma_start3A_22 = tpu.memref_squeeze %dma_start3A_21 : memref<1x10000x128xf32, #tpu.memory_space<hbm>> -> memref<10000x128xf32, #tpu.memory_space<hbm>>
      %dma_start3A_23 = arith.constant 0 : i32
      %dma_start3A_24 = tpu.memref_slice %dma_start3A_22[%mul3A_14, %dma_start3A_23] : memref<10000x128xf32, #tpu.memory_space<hbm>> -> memref<624x128xf32, #tpu.memory_space<hbm>>
      %dma_start3A_25 = arith.constant 0 : i32
      %dma_start3A_26 = tpu.memref_slice %arg10[%mul3A_12, %dma_start3A_25] : memref<10000x128xf32, #tpu.memory_space<vmem_shared>> -> memref<624x128xf32, #tpu.memory_space<vmem_shared>>
      tpu.enqueue_dma source(%dma_start3A_26 : memref<624x128xf32, #tpu.memory_space<vmem_shared>>) target(%dma_start3A_24 : memref<624x128xf32, #tpu.memory_space<hbm>>) target_semaphore(%run_scoped3A : memref<!tpu.dma_semaphore, #tpu.memory_space<semaphore_mem>>)
      %dma_wait3A = arith.constant 0 : i32
      %dma_wait3A_27 = arith.constant 0 : i32
      %dma_wait3A_28 = tpu.memref_slice %arg6[%arg0, %dma_wait3A, %dma_wait3A_27] : memref<2x10000x128xf32, #tpu.memory_space<hbm>> -> memref<1x10000x128xf32, #tpu.memory_space<hbm>>
      %dma_wait3A_29 = tpu.memref_squeeze %dma_wait3A_28 : memref<1x10000x128xf32, #tpu.memory_space<hbm>> -> memref<10000x128xf32, #tpu.memory_space<hbm>>
      %dma_wait3A_30 = arith.constant 0 : i32
      %dma_wait3A_31 = tpu.memref_slice %dma_wait3A_29[%mul3A_14, %dma_wait3A_30] : memref<10000x128xf32, #tpu.memory_space<hbm>> -> memref<624x128xf32, #tpu.memory_space<hbm>>
      %dma_wait3A_32 = arith.constant 0 : i32
      %dma_wait3A_33 = tpu.memref_slice %arg10[%mul3A_12, %dma_wait3A_32] : memref<10000x128xf32, #tpu.memory_space<vmem_shared>> -> memref<624x128xf32, #tpu.memory_space<vmem_shared>>
      tpu.wait_dma2 semaphore(%run_scoped3A : memref<!tpu.dma_semaphore, #tpu.memory_space<semaphore_mem>>) src(%dma_wait3A_33 : memref<624x128xf32, #tpu.memory_space<vmem_shared>>) dst(%dma_wait3A_31 : memref<624x128xf32, #tpu.memory_space<hbm>>)
      tpu.yield
    }) : () -> ()
    %eq3A_15 = arith.constant 15 : i32
    %eq3A_16 = arith.cmpi eq, %arg1, %eq3A_15 : i32
    %convert_element_type3A_17 = arith.extui %eq3A_16 : i1 to i32
    %cond3A_18 = arith.constant 0 : i32
    %cond3A_19 = arith.cmpi ne, %convert_element_type3A_17, %cond3A_18 : i32
    scf.if %cond3A_19 {
      "tpu.region"() ({
        %run_scoped3A = tpu.sem_alloc : memref<!tpu.dma_semaphore, #tpu.memory_space<semaphore_mem>>
        %dma_start3A = arith.constant 0 : i32
        %dma_start3A_20 = arith.constant 0 : i32
        %dma_start3A_21 = tpu.memref_slice %arg6[%arg0, %dma_start3A, %dma_start3A_20] : memref<2x10000x128xf32, #tpu.memory_space<hbm>> -> memref<1x10000x128xf32, #tpu.memory_space<hbm>>
        %dma_start3A_22 = tpu.memref_squeeze %dma_start3A_21 : memref<1x10000x128xf32, #tpu.memory_space<hbm>> -> memref<10000x128xf32, #tpu.memory_space<hbm>>
        %dma_start3A_23 = arith.constant 9984 : i32
        %dma_start3A_24 = arith.constant 0 : i32
        %dma_start3A_25 = tpu.memref_slice %dma_start3A_22[%dma_start3A_23, %dma_start3A_24] : memref<10000x128xf32, #tpu.memory_space<hbm>> -> memref<16x128xf32, #tpu.memory_space<hbm>>
        %dma_start3A_26 = arith.constant 9984 : i32
        %dma_start3A_27 = arith.constant 0 : i32
        %dma_start3A_28 = tpu.memref_slice %arg10[%dma_start3A_26, %dma_start3A_27] : memref<10000x128xf32, #tpu.memory_space<vmem_shared>> -> memref<16x128xf32, #tpu.memory_space<vmem_shared>>
        tpu.enqueue_dma source(%dma_start3A_28 : memref<16x128xf32, #tpu.memory_space<vmem_shared>>) target(%dma_start3A_25 : memref<16x128xf32, #tpu.memory_space<hbm>>) target_semaphore(%run_scoped3A : memref<!tpu.dma_semaphore, #tpu.memory_space<semaphore_mem>>)
        %dma_wait3A = arith.constant 0 : i32
        %dma_wait3A_29 = arith.constant 0 : i32
        %dma_wait3A_30 = tpu.memref_slice %arg6[%arg0, %dma_wait3A, %dma_wait3A_29] : memref<2x10000x128xf32, #tpu.memory_space<hbm>> -> memref<1x10000x128xf32, #tpu.memory_space<hbm>>
        %dma_wait3A_31 = tpu.memref_squeeze %dma_wait3A_30 : memref<1x10000x128xf32, #tpu.memory_space<hbm>> -> memref<10000x128xf32, #tpu.memory_space<hbm>>
        %dma_wait3A_32 = arith.constant 9984 : i32
        %dma_wait3A_33 = arith.constant 0 : i32
        %dma_wait3A_34 = tpu.memref_slice %dma_wait3A_31[%dma_wait3A_32, %dma_wait3A_33] : memref<10000x128xf32, #tpu.memory_space<hbm>> -> memref<16x128xf32, #tpu.memory_space<hbm>>
        %dma_wait3A_35 = arith.constant 9984 : i32
        %dma_wait3A_36 = arith.constant 0 : i32
        %dma_wait3A_37 = tpu.memref_slice %arg10[%dma_wait3A_35, %dma_wait3A_36] : memref<10000x128xf32, #tpu.memory_space<vmem_shared>> -> memref<16x128xf32, #tpu.memory_space<vmem_shared>>
        tpu.wait_dma2 semaphore(%run_scoped3A : memref<!tpu.dma_semaphore, #tpu.memory_space<semaphore_mem>>) src(%dma_wait3A_37 : memref<16x128xf32, #tpu.memory_space<vmem_shared>>) dst(%dma_wait3A_34 : memref<16x128xf32, #tpu.memory_space<hbm>>)
        tpu.yield
      }) : () -> ()
    } else {
    }
    return
  }
}

#map = affine_map<(d0, d1) -> (0, 0)>
#map1 = affine_map<(d0, d1) -> (0, 0, 0)>
module attributes {stable_mosaic.version = 14 : i64} {
  func.func @_edge_kernel(%arg0: i32, %arg1: i32, %arg2: memref<10000x128xf32, #tpu.memory_space<hbm>>, %arg3: memref<32x125x80xi32, #tpu.memory_space<hbm>>, %arg4: memref<32x125x80xi32, #tpu.memory_space<hbm>>, %arg5: memref<624x128xf32, #tpu.memory_space<hbm>>, %arg6: memref<2x10000x128xf32, #tpu.memory_space<hbm>>, %arg7: memref<125x80xi32, #tpu.memory_space<vmem>>, %arg8: memref<125x80xi32, #tpu.memory_space<vmem>>, %arg9: memref<80x128xf32, #tpu.memory_space<vmem>>, %arg10: memref<10000x128xf32, #tpu.memory_space<vmem_shared>>, %arg11: memref<!tpu.dma_semaphore, #tpu.memory_space<semaphore_mem>>) attributes {dimension_semantics = [#tpu.dimension_semantics<core_parallel>, #tpu.dimension_semantics<subcore_parallel>], iteration_bounds = array<i64: 2, 16>, scalar_prefetch = 0 : i64, scratch_operands = 5 : i64, tpu.core_type = #tpu.core_type<sc_vector_subcore>, window_params = [{transform_indices = #map}, {transform_indices = #map1}, {transform_indices = #map1}, {transform_indices = #map}, {transform_indices = #map1}]} {
    %mul3A = arith.constant 16 : i32
    %mul3A_0 = arith.muli %arg0, %mul3A : i32
    %add3A = arith.addi %mul3A_0, %arg1 : i32
    %mul3A_1 = arith.constant 624 : i32
    %mul3A_2 = arith.muli %arg1, %mul3A_1 : i32
    "tpu.region"() ({
      %run_scoped3A = tpu.sem_alloc : memref<!tpu.dma_semaphore, #tpu.memory_space<semaphore_mem>>
      %dma_start3A = arith.constant 0 : i32
      %dma_start3A_20 = tpu.memref_slice %arg10[%mul3A_2, %dma_start3A] : memref<10000x128xf32, #tpu.memory_space<vmem_shared>> -> memref<624x128xf32, #tpu.memory_space<vmem_shared>>
      %dma_start3A_21 = arith.constant 0 : i32
      %dma_start3A_22 = arith.constant 0 : i32
      %dma_start3A_23 = tpu.memref_slice %arg5[%dma_start3A_21, %dma_start3A_22] : memref<624x128xf32, #tpu.memory_space<hbm>> -> memref<624x128xf32, #tpu.memory_space<hbm>>
      tpu.enqueue_dma source(%dma_start3A_23 : memref<624x128xf32, #tpu.memory_space<hbm>>) target(%dma_start3A_20 : memref<624x128xf32, #tpu.memory_space<vmem_shared>>) target_semaphore(%run_scoped3A : memref<!tpu.dma_semaphore, #tpu.memory_space<semaphore_mem>>)
      %dma_wait3A = arith.constant 0 : i32
      %dma_wait3A_24 = tpu.memref_slice %arg10[%mul3A_2, %dma_wait3A] : memref<10000x128xf32, #tpu.memory_space<vmem_shared>> -> memref<624x128xf32, #tpu.memory_space<vmem_shared>>
      %dma_wait3A_25 = arith.constant 0 : i32
      %dma_wait3A_26 = arith.constant 0 : i32
      %dma_wait3A_27 = tpu.memref_slice %arg5[%dma_wait3A_25, %dma_wait3A_26] : memref<624x128xf32, #tpu.memory_space<hbm>> -> memref<624x128xf32, #tpu.memory_space<hbm>>
      tpu.wait_dma2 semaphore(%run_scoped3A : memref<!tpu.dma_semaphore, #tpu.memory_space<semaphore_mem>>) src(%dma_wait3A_27 : memref<624x128xf32, #tpu.memory_space<hbm>>) dst(%dma_wait3A_24 : memref<624x128xf32, #tpu.memory_space<vmem_shared>>)
      tpu.yield
    }) : () -> ()
    %eq3A = arith.constant 15 : i32
    %eq3A_3 = arith.cmpi eq, %arg1, %eq3A : i32
    %convert_element_type3A = arith.extui %eq3A_3 : i1 to i32
    %cond3A = arith.constant 0 : i32
    %cond3A_4 = arith.cmpi ne, %convert_element_type3A, %cond3A : i32
    scf.if %cond3A_4 {
      "tpu.region"() ({
        %run_scoped3A = tpu.sem_alloc : memref<!tpu.dma_semaphore, #tpu.memory_space<semaphore_mem>>
        %dma_start3A = arith.constant 9984 : i32
        %dma_start3A_20 = arith.constant 0 : i32
        %dma_start3A_21 = tpu.memref_slice %arg10[%dma_start3A, %dma_start3A_20] : memref<10000x128xf32, #tpu.memory_space<vmem_shared>> -> memref<16x128xf32, #tpu.memory_space<vmem_shared>>
        %dma_start3A_22 = arith.constant 0 : i32
        %dma_start3A_23 = arith.constant 0 : i32
        %dma_start3A_24 = tpu.memref_slice %arg5[%dma_start3A_22, %dma_start3A_23] : memref<624x128xf32, #tpu.memory_space<hbm>> -> memref<16x128xf32, #tpu.memory_space<hbm>>
        tpu.enqueue_dma source(%dma_start3A_24 : memref<16x128xf32, #tpu.memory_space<hbm>>) target(%dma_start3A_21 : memref<16x128xf32, #tpu.memory_space<vmem_shared>>) target_semaphore(%run_scoped3A : memref<!tpu.dma_semaphore, #tpu.memory_space<semaphore_mem>>)
        %dma_wait3A = arith.constant 9984 : i32
        %dma_wait3A_25 = arith.constant 0 : i32
        %dma_wait3A_26 = tpu.memref_slice %arg10[%dma_wait3A, %dma_wait3A_25] : memref<10000x128xf32, #tpu.memory_space<vmem_shared>> -> memref<16x128xf32, #tpu.memory_space<vmem_shared>>
        %dma_wait3A_27 = arith.constant 0 : i32
        %dma_wait3A_28 = arith.constant 0 : i32
        %dma_wait3A_29 = tpu.memref_slice %arg5[%dma_wait3A_27, %dma_wait3A_28] : memref<624x128xf32, #tpu.memory_space<hbm>> -> memref<16x128xf32, #tpu.memory_space<hbm>>
        tpu.wait_dma2 semaphore(%run_scoped3A : memref<!tpu.dma_semaphore, #tpu.memory_space<semaphore_mem>>) src(%dma_wait3A_29 : memref<16x128xf32, #tpu.memory_space<hbm>>) dst(%dma_wait3A_26 : memref<16x128xf32, #tpu.memory_space<vmem_shared>>)
        tpu.yield
      }) : () -> ()
    } else {
    }
    "tpu.region"() ({
      %run_scoped3A = tpu.sem_alloc : memref<!tpu.dma_semaphore, #tpu.memory_space<semaphore_mem>>
      %dma_start3A = arith.constant 0 : i32
      %dma_start3A_20 = arith.constant 0 : i32
      %dma_start3A_21 = tpu.memref_slice %arg3[%add3A, %dma_start3A, %dma_start3A_20] : memref<32x125x80xi32, #tpu.memory_space<hbm>> -> memref<1x125x80xi32, #tpu.memory_space<hbm>>
      %dma_start3A_22 = tpu.memref_squeeze %dma_start3A_21 : memref<1x125x80xi32, #tpu.memory_space<hbm>> -> memref<125x80xi32, #tpu.memory_space<hbm>>
      %dma_start3A_23 = arith.constant 0 : i32
      %dma_start3A_24 = arith.constant 0 : i32
      %dma_start3A_25 = tpu.memref_slice %arg3[%add3A, %dma_start3A_23, %dma_start3A_24] : memref<32x125x80xi32, #tpu.memory_space<hbm>> -> memref<1x125x80xi32, #tpu.memory_space<hbm>>
      %dma_start3A_26 = tpu.memref_squeeze %dma_start3A_25 : memref<1x125x80xi32, #tpu.memory_space<hbm>> -> memref<125x80xi32, #tpu.memory_space<hbm>>
      tpu.enqueue_dma source(%dma_start3A_26 : memref<125x80xi32, #tpu.memory_space<hbm>>) target(%arg7 : memref<125x80xi32, #tpu.memory_space<vmem>>) target_semaphore(%run_scoped3A : memref<!tpu.dma_semaphore, #tpu.memory_space<semaphore_mem>>)
      %dma_wait3A = arith.constant 0 : i32
      %dma_wait3A_27 = arith.constant 0 : i32
      %dma_wait3A_28 = tpu.memref_slice %arg3[%add3A, %dma_wait3A, %dma_wait3A_27] : memref<32x125x80xi32, #tpu.memory_space<hbm>> -> memref<1x125x80xi32, #tpu.memory_space<hbm>>
      %dma_wait3A_29 = tpu.memref_squeeze %dma_wait3A_28 : memref<1x125x80xi32, #tpu.memory_space<hbm>> -> memref<125x80xi32, #tpu.memory_space<hbm>>
      %dma_wait3A_30 = arith.constant 0 : i32
      %dma_wait3A_31 = arith.constant 0 : i32
      %dma_wait3A_32 = tpu.memref_slice %arg3[%add3A, %dma_wait3A_30, %dma_wait3A_31] : memref<32x125x80xi32, #tpu.memory_space<hbm>> -> memref<1x125x80xi32, #tpu.memory_space<hbm>>
      %dma_wait3A_33 = tpu.memref_squeeze %dma_wait3A_32 : memref<1x125x80xi32, #tpu.memory_space<hbm>> -> memref<125x80xi32, #tpu.memory_space<hbm>>
      tpu.wait_dma2 semaphore(%run_scoped3A : memref<!tpu.dma_semaphore, #tpu.memory_space<semaphore_mem>>) src(%dma_wait3A_33 : memref<125x80xi32, #tpu.memory_space<hbm>>) dst(%arg7 : memref<125x80xi32, #tpu.memory_space<vmem>>)
      tpu.yield
    }) : () -> ()
    "tpu.region"() ({
      %run_scoped3A = tpu.sem_alloc : memref<!tpu.dma_semaphore, #tpu.memory_space<semaphore_mem>>
      %dma_start3A = arith.constant 0 : i32
      %dma_start3A_20 = arith.constant 0 : i32
      %dma_start3A_21 = tpu.memref_slice %arg4[%add3A, %dma_start3A, %dma_start3A_20] : memref<32x125x80xi32, #tpu.memory_space<hbm>> -> memref<1x125x80xi32, #tpu.memory_space<hbm>>
      %dma_start3A_22 = tpu.memref_squeeze %dma_start3A_21 : memref<1x125x80xi32, #tpu.memory_space<hbm>> -> memref<125x80xi32, #tpu.memory_space<hbm>>
      %dma_start3A_23 = arith.constant 0 : i32
      %dma_start3A_24 = arith.constant 0 : i32
      %dma_start3A_25 = tpu.memref_slice %arg4[%add3A, %dma_start3A_23, %dma_start3A_24] : memref<32x125x80xi32, #tpu.memory_space<hbm>> -> memref<1x125x80xi32, #tpu.memory_space<hbm>>
      %dma_start3A_26 = tpu.memref_squeeze %dma_start3A_25 : memref<1x125x80xi32, #tpu.memory_space<hbm>> -> memref<125x80xi32, #tpu.memory_space<hbm>>
      tpu.enqueue_dma source(%dma_start3A_26 : memref<125x80xi32, #tpu.memory_space<hbm>>) target(%arg8 : memref<125x80xi32, #tpu.memory_space<vmem>>) target_semaphore(%run_scoped3A : memref<!tpu.dma_semaphore, #tpu.memory_space<semaphore_mem>>)
      %dma_wait3A = arith.constant 0 : i32
      %dma_wait3A_27 = arith.constant 0 : i32
      %dma_wait3A_28 = tpu.memref_slice %arg4[%add3A, %dma_wait3A, %dma_wait3A_27] : memref<32x125x80xi32, #tpu.memory_space<hbm>> -> memref<1x125x80xi32, #tpu.memory_space<hbm>>
      %dma_wait3A_29 = tpu.memref_squeeze %dma_wait3A_28 : memref<1x125x80xi32, #tpu.memory_space<hbm>> -> memref<125x80xi32, #tpu.memory_space<hbm>>
      %dma_wait3A_30 = arith.constant 0 : i32
      %dma_wait3A_31 = arith.constant 0 : i32
      %dma_wait3A_32 = tpu.memref_slice %arg4[%add3A, %dma_wait3A_30, %dma_wait3A_31] : memref<32x125x80xi32, #tpu.memory_space<hbm>> -> memref<1x125x80xi32, #tpu.memory_space<hbm>>
      %dma_wait3A_33 = tpu.memref_squeeze %dma_wait3A_32 : memref<1x125x80xi32, #tpu.memory_space<hbm>> -> memref<125x80xi32, #tpu.memory_space<hbm>>
      tpu.wait_dma2 semaphore(%run_scoped3A : memref<!tpu.dma_semaphore, #tpu.memory_space<semaphore_mem>>) src(%dma_wait3A_33 : memref<125x80xi32, #tpu.memory_space<hbm>>) dst(%arg8 : memref<125x80xi32, #tpu.memory_space<vmem>>)
      tpu.yield
    }) : () -> ()
    %barrier3A = arith.constant 0 : index
    tpu.barrier barrier_id(%barrier3A)
    %scan3A = arith.constant 0 : i32
    %scan3A_5 = arith.constant 0 : i32
    %scan3A_6 = arith.constant 125 : i32
    %scan3A_7 = arith.addi %scan3A_5, %scan3A_6 : i32
    %scan3A_8 = arith.constant 1 : i32
    scf.for %scan3A_20 = %scan3A_5 to %scan3A_7 step %scan3A_8  : i32 {
      %dma_start3A = arith.constant 0 : i32
      %dma_start3A_21 = tpu.memref_slice %arg7[%scan3A_20, %dma_start3A] : memref<125x80xi32, #tpu.memory_space<vmem>> -> memref<1x80xi32, #tpu.memory_space<vmem>>
      %dma_start3A_22 = tpu.memref_squeeze %dma_start3A_21 : memref<1x80xi32, #tpu.memory_space<vmem>> -> memref<80xi32, #tpu.memory_space<vmem>>
      %dma_start3A_23 = arith.constant 0 : i32
      %dma_start3A_24 = arith.constant 0 : i32
      %dma_start3A_25 = tpu.memref_slice %arg2[%dma_start3A_23, %dma_start3A_24] : memref<10000x128xf32, #tpu.memory_space<hbm>> -> memref<10000x128xf32, #tpu.memory_space<hbm>>
      tpu.enqueue_indirect_dma source(%dma_start3A_25 : memref<10000x128xf32, #tpu.memory_space<hbm>>) target(%arg9 : memref<80x128xf32, #tpu.memory_space<vmem>>) offsets(%dma_start3A_22 : memref<80xi32, #tpu.memory_space<vmem>>) semaphore(%arg11 : memref<!tpu.dma_semaphore, #tpu.memory_space<semaphore_mem>>)
      %dma_wait3A = arith.constant 0 : i32
      %dma_wait3A_26 = tpu.memref_slice %arg7[%scan3A_20, %dma_wait3A] : memref<125x80xi32, #tpu.memory_space<vmem>> -> memref<1x80xi32, #tpu.memory_space<vmem>>
      %dma_wait3A_27 = tpu.memref_squeeze %dma_wait3A_26 : memref<1x80xi32, #tpu.memory_space<vmem>> -> memref<80xi32, #tpu.memory_space<vmem>>
      %dma_wait3A_28 = arith.constant 0 : i32
      %dma_wait3A_29 = arith.constant 0 : i32
      %dma_wait3A_30 = tpu.memref_slice %arg2[%dma_wait3A_28, %dma_wait3A_29] : memref<10000x128xf32, #tpu.memory_space<hbm>> -> memref<10000x128xf32, #tpu.memory_space<hbm>>
      tpu.wait_indirect_dma semaphore(%arg11 : memref<!tpu.dma_semaphore, #tpu.memory_space<semaphore_mem>>) src(%dma_wait3A_30 : memref<10000x128xf32, #tpu.memory_space<hbm>>) dst(%arg9 : memref<80x128xf32, #tpu.memory_space<vmem>>)
      "tpu.region"() ({
        %run_scoped3A = tpu.sem_alloc : memref<!tpu.dma_semaphore, #tpu.memory_space<semaphore_mem>>
        %dma_start3A_31 = arith.constant 0 : i32
        %dma_start3A_32 = tpu.memref_slice %arg8[%scan3A_20, %dma_start3A_31] : memref<125x80xi32, #tpu.memory_space<vmem>> -> memref<1x80xi32, #tpu.memory_space<vmem>>
        %dma_start3A_33 = tpu.memref_squeeze %dma_start3A_32 : memref<1x80xi32, #tpu.memory_space<vmem>> -> memref<80xi32, #tpu.memory_space<vmem>>
        %dma_start3A_34 = arith.constant 0 : i32
        %dma_start3A_35 = arith.constant 0 : i32
        %dma_start3A_36 = tpu.memref_slice %arg10[%dma_start3A_34, %dma_start3A_35] : memref<10000x128xf32, #tpu.memory_space<vmem_shared>> -> memref<10000x128xf32, #tpu.memory_space<vmem_shared>>
        tpu.enqueue_indirect_dma source(%arg9 : memref<80x128xf32, #tpu.memory_space<vmem>>) target(%dma_start3A_36 : memref<10000x128xf32, #tpu.memory_space<vmem_shared>>) offsets(%dma_start3A_33 : memref<80xi32, #tpu.memory_space<vmem>>) semaphore(%run_scoped3A : memref<!tpu.dma_semaphore, #tpu.memory_space<semaphore_mem>>) {add = true}
        %dma_wait3A_37 = arith.constant 0 : i32
        %dma_wait3A_38 = tpu.memref_slice %arg8[%scan3A_20, %dma_wait3A_37] : memref<125x80xi32, #tpu.memory_space<vmem>> -> memref<1x80xi32, #tpu.memory_space<vmem>>
        %dma_wait3A_39 = tpu.memref_squeeze %dma_wait3A_38 : memref<1x80xi32, #tpu.memory_space<vmem>> -> memref<80xi32, #tpu.memory_space<vmem>>
        %dma_wait3A_40 = arith.constant 0 : i32
        %dma_wait3A_41 = arith.constant 0 : i32
        %dma_wait3A_42 = tpu.memref_slice %arg10[%dma_wait3A_40, %dma_wait3A_41] : memref<10000x128xf32, #tpu.memory_space<vmem_shared>> -> memref<10000x128xf32, #tpu.memory_space<vmem_shared>>
        tpu.wait_indirect_dma semaphore(%run_scoped3A : memref<!tpu.dma_semaphore, #tpu.memory_space<semaphore_mem>>) src(%arg9 : memref<80x128xf32, #tpu.memory_space<vmem>>) dst(%dma_wait3A_42 : memref<10000x128xf32, #tpu.memory_space<vmem_shared>>)
        tpu.yield
      }) : () -> ()
    }
    %scan3A_9 = arith.constant 125 : i32
    %barrier3A_10 = arith.constant 0 : index
    tpu.barrier barrier_id(%barrier3A_10)
    %mul3A_11 = arith.constant 624 : i32
    %mul3A_12 = arith.muli %arg1, %mul3A_11 : i32
    %mul3A_13 = arith.constant 624 : i32
    %mul3A_14 = arith.muli %arg1, %mul3A_13 : i32
    "tpu.region"() ({
      %run_scoped3A = tpu.sem_alloc : memref<!tpu.dma_semaphore, #tpu.memory_space<semaphore_mem>>
      %dma_start3A = arith.constant 0 : i32
      %dma_start3A_20 = arith.constant 0 : i32
      %dma_start3A_21 = tpu.memref_slice %arg6[%arg0, %dma_start3A, %dma_start3A_20] : memref<2x10000x128xf32, #tpu.memory_space<hbm>> -> memref<1x10000x128xf32, #tpu.memory_space<hbm>>
      %dma_start3A_22 = tpu.memref_squeeze %dma_start3A_21 : memref<1x10000x128xf32, #tpu.memory_space<hbm>> -> memref<10000x128xf32, #tpu.memory_space<hbm>>
      %dma_start3A_23 = arith.constant 0 : i32
      %dma_start3A_24 = tpu.memref_slice %dma_start3A_22[%mul3A_14, %dma_start3A_23] : memref<10000x128xf32, #tpu.memory_space<hbm>> -> memref<624x128xf32, #tpu.memory_space<hbm>>
      %dma_start3A_25 = arith.constant 0 : i32
      %dma_start3A_26 = tpu.memref_slice %arg10[%mul3A_12, %dma_start3A_25] : memref<10000x128xf32, #tpu.memory_space<vmem_shared>> -> memref<624x128xf32, #tpu.memory_space<vmem_shared>>
      tpu.enqueue_dma source(%dma_start3A_26 : memref<624x128xf32, #tpu.memory_space<vmem_shared>>) target(%dma_start3A_24 : memref<624x128xf32, #tpu.memory_space<hbm>>) target_semaphore(%run_scoped3A : memref<!tpu.dma_semaphore, #tpu.memory_space<semaphore_mem>>)
      %dma_wait3A = arith.constant 0 : i32
      %dma_wait3A_27 = arith.constant 0 : i32
      %dma_wait3A_28 = tpu.memref_slice %arg6[%arg0, %dma_wait3A, %dma_wait3A_27] : memref<2x10000x128xf32, #tpu.memory_space<hbm>> -> memref<1x10000x128xf32, #tpu.memory_space<hbm>>
      %dma_wait3A_29 = tpu.memref_squeeze %dma_wait3A_28 : memref<1x10000x128xf32, #tpu.memory_space<hbm>> -> memref<10000x128xf32, #tpu.memory_space<hbm>>
      %dma_wait3A_30 = arith.constant 0 : i32
      %dma_wait3A_31 = tpu.memref_slice %dma_wait3A_29[%mul3A_14, %dma_wait3A_30] : memref<10000x128xf32, #tpu.memory_space<hbm>> -> memref<624x128xf32, #tpu.memory_space<hbm>>
      %dma_wait3A_32 = arith.constant 0 : i32
      %dma_wait3A_33 = tpu.memref_slice %arg10[%mul3A_12, %dma_wait3A_32] : memref<10000x128xf32, #tpu.memory_space<vmem_shared>> -> memref<624x128xf32, #tpu.memory_space<vmem_shared>>
      tpu.wait_dma2 semaphore(%run_scoped3A : memref<!tpu.dma_semaphore, #tpu.memory_space<semaphore_mem>>) src(%dma_wait3A_33 : memref<624x128xf32, #tpu.memory_space<vmem_shared>>) dst(%dma_wait3A_31 : memref<624x128xf32, #tpu.memory_space<hbm>>)
      tpu.yield
    }) : () -> ()
    %eq3A_15 = arith.constant 15 : i32
    %eq3A_16 = arith.cmpi eq, %arg1, %eq3A_15 : i32
    %convert_element_type3A_17 = arith.extui %eq3A_16 : i1 to i32
    %cond3A_18 = arith.constant 0 : i32
    %cond3A_19 = arith.cmpi ne, %convert_element_type3A_17, %cond3A_18 : i32
    scf.if %cond3A_19 {
      "tpu.region"() ({
        %run_scoped3A = tpu.sem_alloc : memref<!tpu.dma_semaphore, #tpu.memory_space<semaphore_mem>>
        %dma_start3A = arith.constant 0 : i32
        %dma_start3A_20 = arith.constant 0 : i32
        %dma_start3A_21 = tpu.memref_slice %arg6[%arg0, %dma_start3A, %dma_start3A_20] : memref<2x10000x128xf32, #tpu.memory_space<hbm>> -> memref<1x10000x128xf32, #tpu.memory_space<hbm>>
        %dma_start3A_22 = tpu.memref_squeeze %dma_start3A_21 : memref<1x10000x128xf32, #tpu.memory_space<hbm>> -> memref<10000x128xf32, #tpu.memory_space<hbm>>
        %dma_start3A_23 = arith.constant 9984 : i32
        %dma_start3A_24 = arith.constant 0 : i32
        %dma_start3A_25 = tpu.memref_slice %dma_start3A_22[%dma_start3A_23, %dma_start3A_24] : memref<10000x128xf32, #tpu.memory_space<hbm>> -> memref<16x128xf32, #tpu.memory_space<hbm>>
        %dma_start3A_26 = arith.constant 9984 : i32
        %dma_start3A_27 = arith.constant 0 : i32
        %dma_start3A_28 = tpu.memref_slice %arg10[%dma_start3A_26, %dma_start3A_27] : memref<10000x128xf32, #tpu.memory_space<vmem_shared>> -> memref<16x128xf32, #tpu.memory_space<vmem_shared>>
        tpu.enqueue_dma source(%dma_start3A_28 : memref<16x128xf32, #tpu.memory_space<vmem_shared>>) target(%dma_start3A_25 : memref<16x128xf32, #tpu.memory_space<hbm>>) target_semaphore(%run_scoped3A : memref<!tpu.dma_semaphore, #tpu.memory_space<semaphore_mem>>)
        %dma_wait3A = arith.constant 0 : i32
        %dma_wait3A_29 = arith.constant 0 : i32
        %dma_wait3A_30 = tpu.memref_slice %arg6[%arg0, %dma_wait3A, %dma_wait3A_29] : memref<2x10000x128xf32, #tpu.memory_space<hbm>> -> memref<1x10000x128xf32, #tpu.memory_space<hbm>>
        %dma_wait3A_31 = tpu.memref_squeeze %dma_wait3A_30 : memref<1x10000x128xf32, #tpu.memory_space<hbm>> -> memref<10000x128xf32, #tpu.memory_space<hbm>>
        %dma_wait3A_32 = arith.constant 9984 : i32
        %dma_wait3A_33 = arith.constant 0 : i32
        %dma_wait3A_34 = tpu.memref_slice %dma_wait3A_31[%dma_wait3A_32, %dma_wait3A_33] : memref<10000x128xf32, #tpu.memory_space<hbm>> -> memref<16x128xf32, #tpu.memory_space<hbm>>
        %dma_wait3A_35 = arith.constant 9984 : i32
        %dma_wait3A_36 = arith.constant 0 : i32
        %dma_wait3A_37 = tpu.memref_slice %arg10[%dma_wait3A_35, %dma_wait3A_36] : memref<10000x128xf32, #tpu.memory_space<vmem_shared>> -> memref<16x128xf32, #tpu.memory_space<vmem_shared>>
        tpu.wait_dma2 semaphore(%run_scoped3A : memref<!tpu.dma_semaphore, #tpu.memory_space<semaphore_mem>>) src(%dma_wait3A_37 : memref<16x128xf32, #tpu.memory_space<vmem_shared>>) dst(%dma_wait3A_34 : memref<16x128xf32, #tpu.memory_space<hbm>>)
        tpu.yield
      }) : () -> ()
    } else {
    }
    return
  }
}

module attributes {stable_mosaic.version = 14 : i64} {
  func.func @_prep_body(%arg0: i32, %arg1: memref<2000x128xf32, #tpu.memory_space<vmem>>, %arg2: memref<2x2000x128xf32, #tpu.memory_space<vmem>>, %arg3: memref<128x128xf32, #tpu.memory_space<vmem>>, %arg4: memref<128x100xf32, #tpu.memory_space<vmem>>, %arg5: memref<128x100xf32, #tpu.memory_space<vmem>>, %arg6: memref<128x100xf32, #tpu.memory_space<vmem>>, %arg7: memref<128x100xf32, #tpu.memory_space<vmem>>, %arg8: memref<1x100xf32, #tpu.memory_space<vmem>>, %arg9: memref<1x100xf32, #tpu.memory_space<vmem>>, %arg10: memref<1x100xf32, #tpu.memory_space<vmem>>, %arg11: memref<1x100xf32, #tpu.memory_space<vmem>>, %arg12: memref<2000x128xf32, #tpu.memory_space<vmem>>, %arg13: memref<2000x100xf32, #tpu.memory_space<vmem>>, %arg14: memref<2000x100xf32, #tpu.memory_space<vmem>>, %arg15: memref<100x100xf32, #tpu.memory_space<vmem>>, %arg16: memref<1x100xf32, #tpu.memory_space<vmem>>, %arg17: memref<1x100xf32, #tpu.memory_space<vmem>>) attributes {dimension_semantics = [#tpu.dimension_semantics<arbitrary>], iteration_bounds = array<i64: 5>, scalar_prefetch = 0 : i64, scratch_operands = 0 : i64, tpu.core_type = #tpu.core_type<tc>, window_params = [{transform_indices = @transform_0, window_bounds = array<i64: 2000, 128>}, {transform_indices = @transform_1, window_bounds = array<i64: 2, 2000, 128>}, {pipeline_mode = #tpu.pipeline_mode<synchronous>, transform_indices = @transform_2, window_bounds = array<i64: 128, 128>}, {pipeline_mode = #tpu.pipeline_mode<synchronous>, transform_indices = @transform_3, window_bounds = array<i64: 128, 100>}, {pipeline_mode = #tpu.pipeline_mode<synchronous>, transform_indices = @transform_4, window_bounds = array<i64: 128, 100>}, {pipeline_mode = #tpu.pipeline_mode<synchronous>, transform_indices = @transform_5, window_bounds = array<i64: 128, 100>}, {pipeline_mode = #tpu.pipeline_mode<synchronous>, transform_indices = @transform_6, window_bounds = array<i64: 128, 100>}, {pipeline_mode = #tpu.pipeline_mode<synchronous>, transform_indices = @transform_7, window_bounds = array<i64: 1, 100>}, {pipeline_mode = #tpu.pipeline_mode<synchronous>, transform_indices = @transform_8, window_bounds = array<i64: 1, 100>}, {pipeline_mode = #tpu.pipeline_mode<synchronous>, transform_indices = @transform_9, window_bounds = array<i64: 1, 100>}, {pipeline_mode = #tpu.pipeline_mode<synchronous>, transform_indices = @transform_10, window_bounds = array<i64: 1, 100>}, {transform_indices = @transform_11, window_bounds = array<i64: 2000, 128>}, {transform_indices = @transform_12, window_bounds = array<i64: 2000, 100>}, {transform_indices = @transform_13, window_bounds = array<i64: 2000, 100>}, {pipeline_mode = #tpu.pipeline_mode<synchronous>, transform_indices = @transform_14, window_bounds = array<i64: 100, 100>}, {pipeline_mode = #tpu.pipeline_mode<synchronous>, transform_indices = @transform_15, window_bounds = array<i64: 1, 100>}, {pipeline_mode = #tpu.pipeline_mode<synchronous>, transform_indices = @transform_16, window_bounds = array<i64: 1, 100>}]} {
    %get3A = arith.constant 0 : index
    %get3A_0 = arith.constant 0 : index
    %get3A_1 = vector.load %arg1[%get3A, %get3A_0] : memref<2000x128xf32, #tpu.memory_space<vmem>>, vector<2000x128xf32>
    %get3A_2 = arith.constant 0 : index
    %get3A_3 = arith.constant 0 : index
    %get3A_4 = arith.constant 0 : index
    %get3A_5 = vector.load %arg2[%get3A_2, %get3A_3, %get3A_4] : memref<2x2000x128xf32, #tpu.memory_space<vmem>>, vector<1x2000x1xf32>
    %get3A_6 = vector.shape_cast %get3A_5 : vector<1x2000x1xf32> to vector<2000x1xf32>
    %get3A_7 = arith.constant 1 : index
    %get3A_8 = arith.constant 0 : index
    %get3A_9 = arith.constant 0 : index
    %get3A_10 = vector.load %arg2[%get3A_7, %get3A_8, %get3A_9] : memref<2x2000x128xf32, #tpu.memory_space<vmem>>, vector<1x2000x1xf32>
    %get3A_11 = vector.shape_cast %get3A_10 : vector<1x2000x1xf32> to vector<2000x1xf32>
    %add3A = arith.addf %get3A_6, %get3A_11 : vector<2000x1xf32>
    %add3A_12 = arith.constant 1.000000e+00 : f32
    %add3A_13 = vector.broadcast %add3A_12 : f32 to vector<2000x1xf32>
    %add3A_14 = arith.addf %add3A, %add3A_13 : vector<2000x1xf32>
    %sqrt3A = math.sqrt %add3A_14 : vector<2000x1xf32>
    %div3A = arith.constant 1.000000e+00 : f32
    %div3A_15 = vector.broadcast %div3A : f32 to vector<2000x1xf32>
    %div3A_16 = arith.divf %div3A_15, %sqrt3A : vector<2000x1xf32>
    %get3A_17 = arith.constant 0 : index
    %get3A_18 = arith.constant 0 : index
    %get3A_19 = vector.load %arg3[%get3A_17, %get3A_18] : memref<128x128xf32, #tpu.memory_space<vmem>>, vector<128x128xf32>
    %dot_general3A = arith.constant dense<0.000000e+00> : vector<2000x128xf32>
    %dot_general3A_20 = tpu.matmul %get3A_1, %get3A_19, %dot_general3A {dimension_numbers = #tpu.dot_dimension_numbers<[1], [0], [0], [1], [0, 0, 1, 1], [], []>, transpose_lhs_hint = false} : vector<2000x128xf32>, vector<128x128xf32>, vector<2000x128xf32> -> vector<2000x128xf32>
    %mul3A = vector.broadcast %div3A_16 : vector<2000x1xf32> to vector<2000x128xf32>
    %mul3A_21 = arith.mulf %dot_general3A_20, %mul3A : vector<2000x128xf32>
    %swap3A = arith.constant 0 : index
    %swap3A_22 = arith.constant 0 : index
    %swap3A_23 = vector.load %arg12[%swap3A, %swap3A_22] : memref<2000x128xf32, #tpu.memory_space<vmem>>, vector<2000x128xf32>
    tpu.vector_store %arg12[%swap3A, %swap3A_22], %mul3A_21 {strides = array<i32>} : memref<2000x128xf32, #tpu.memory_space<vmem>>, vector<2000x128xf32>,
    %get3A_24 = arith.constant 0 : index
    %get3A_25 = arith.constant 0 : index
    %get3A_26 = vector.load %arg4[%get3A_24, %get3A_25] : memref<128x100xf32, #tpu.memory_space<vmem>>, vector<128x100xf32>
    %get3A_27 = arith.constant 0 : index
    %get3A_28 = arith.constant 0 : index
    %get3A_29 = vector.load %arg5[%get3A_27, %get3A_28] : memref<128x100xf32, #tpu.memory_space<vmem>>, vector<128x100xf32>
    %get3A_30 = arith.constant 0 : index
    %get3A_31 = arith.constant 0 : index
    %get3A_32 = vector.load %arg6[%get3A_30, %get3A_31] : memref<128x100xf32, #tpu.memory_space<vmem>>, vector<128x100xf32>
    %get3A_33 = arith.constant 0 : index
    %get3A_34 = arith.constant 0 : index
    %get3A_35 = vector.load %arg7[%get3A_33, %get3A_34] : memref<128x100xf32, #tpu.memory_space<vmem>>, vector<128x100xf32>
    %get3A_36 = arith.constant 0 : index
    %get3A_37 = arith.constant 0 : index
    %get3A_38 = vector.load %arg8[%get3A_36, %get3A_37] : memref<1x100xf32, #tpu.memory_space<vmem>>, vector<1x100xf32>
    %get3A_39 = arith.constant 0 : index
    %get3A_40 = arith.constant 0 : index
    %get3A_41 = vector.load %arg9[%get3A_39, %get3A_40] : memref<1x100xf32, #tpu.memory_space<vmem>>, vector<1x100xf32>
    %get3A_42 = arith.constant 0 : index
    %get3A_43 = arith.constant 0 : index
    %get3A_44 = vector.load %arg10[%get3A_42, %get3A_43] : memref<1x100xf32, #tpu.memory_space<vmem>>, vector<1x100xf32>
    %get3A_45 = arith.constant 0 : index
    %get3A_46 = arith.constant 0 : index
    %get3A_47 = vector.load %arg11[%get3A_45, %get3A_46] : memref<1x100xf32, #tpu.memory_space<vmem>>, vector<1x100xf32>
    %dot_general3A_48 = arith.constant dense<0.000000e+00> : vector<2000x100xf32>
    %dot_general3A_49 = tpu.matmul %get3A_1, %get3A_26, %dot_general3A_48 {dimension_numbers = #tpu.dot_dimension_numbers<[1], [0], [0], [1], [0, 0, 1, 1], [], []>, transpose_lhs_hint = false} : vector<2000x128xf32>, vector<128x100xf32>, vector<2000x100xf32> -> vector<2000x100xf32>
    %add3A_50 = vector.broadcast %get3A_38 : vector<1x100xf32> to vector<2000x100xf32>
    %add3A_51 = arith.addf %dot_general3A_49, %add3A_50 : vector<2000x100xf32>
    %max3A = arith.constant 0.000000e+00 : f32
    %max3A_52 = vector.broadcast %max3A : f32 to vector<2000x100xf32>
    %max3A_53 = arith.maximumf %add3A_51, %max3A_52 : vector<2000x100xf32>
    %dot_general3A_54 = arith.constant dense<0.000000e+00> : vector<2000x100xf32>
    %dot_general3A_55 = tpu.matmul %get3A_1, %get3A_29, %dot_general3A_54 {dimension_numbers = #tpu.dot_dimension_numbers<[1], [0], [0], [1], [0, 0, 1, 1], [], []>, transpose_lhs_hint = false} : vector<2000x128xf32>, vector<128x100xf32>, vector<2000x100xf32> -> vector<2000x100xf32>
    %add3A_56 = vector.broadcast %get3A_41 : vector<1x100xf32> to vector<2000x100xf32>
    %add3A_57 = arith.addf %dot_general3A_55, %add3A_56 : vector<2000x100xf32>
    %max3A_58 = arith.constant 0.000000e+00 : f32
    %max3A_59 = vector.broadcast %max3A_58 : f32 to vector<2000x100xf32>
    %max3A_60 = arith.maximumf %add3A_57, %max3A_59 : vector<2000x100xf32>
    %dot_general3A_61 = arith.constant dense<0.000000e+00> : vector<2000x100xf32>
    %dot_general3A_62 = tpu.matmul %get3A_1, %get3A_32, %dot_general3A_61 {dimension_numbers = #tpu.dot_dimension_numbers<[1], [0], [0], [1], [0, 0, 1, 1], [], []>, transpose_lhs_hint = false} : vector<2000x128xf32>, vector<128x100xf32>, vector<2000x100xf32> -> vector<2000x100xf32>
    %add3A_63 = vector.broadcast %get3A_44 : vector<1x100xf32> to vector<2000x100xf32>
    %add3A_64 = arith.addf %dot_general3A_62, %add3A_63 : vector<2000x100xf32>
    %max3A_65 = arith.constant 0.000000e+00 : f32
    %max3A_66 = vector.broadcast %max3A_65 : f32 to vector<2000x100xf32>
    %max3A_67 = arith.maximumf %add3A_64, %max3A_66 : vector<2000x100xf32>
    %dot_general3A_68 = arith.constant dense<0.000000e+00> : vector<2000x100xf32>
    %dot_general3A_69 = tpu.matmul %get3A_1, %get3A_35, %dot_general3A_68 {dimension_numbers = #tpu.dot_dimension_numbers<[1], [0], [0], [1], [0, 0, 1, 1], [], []>, transpose_lhs_hint = false} : vector<2000x128xf32>, vector<128x100xf32>, vector<2000x100xf32> -> vector<2000x100xf32>
    %add3A_70 = vector.broadcast %get3A_47 : vector<1x100xf32> to vector<2000x100xf32>
    %add3A_71 = arith.addf %dot_general3A_69, %add3A_70 : vector<2000x100xf32>
    %max3A_72 = arith.constant 0.000000e+00 : f32
    %max3A_73 = vector.broadcast %max3A_72 : f32 to vector<2000x100xf32>
    %max3A_74 = arith.maximumf %add3A_71, %max3A_73 : vector<2000x100xf32>
    %swap3A_75 = arith.constant 0 : index
    %swap3A_76 = arith.constant 0 : index
    %swap3A_77 = vector.load %arg13[%swap3A_75, %swap3A_76] : memref<2000x100xf32, #tpu.memory_space<vmem>>, vector<2000x100xf32>
    tpu.vector_store %arg13[%swap3A_75, %swap3A_76], %max3A_53 {strides = array<i32>} : memref<2000x100xf32, #tpu.memory_space<vmem>>, vector<2000x100xf32>,
    %swap3A_78 = arith.constant 0 : index
    %swap3A_79 = arith.constant 0 : index
    %swap3A_80 = vector.load %arg14[%swap3A_78, %swap3A_79] : memref<2000x100xf32, #tpu.memory_space<vmem>>, vector<2000x100xf32>
    tpu.vector_store %arg14[%swap3A_78, %swap3A_79], %max3A_74 {strides = array<i32>} : memref<2000x100xf32, #tpu.memory_space<vmem>>, vector<2000x100xf32>,
    %eq3A = arith.constant 0 : i32
    %eq3A_81 = arith.cmpi eq, %arg0, %eq3A : i32
    %convert_element_type3A = arith.extui %eq3A_81 : i1 to i32
    %cond3A = arith.constant 0 : i32
    %cond3A_82 = arith.cmpi ne, %convert_element_type3A, %cond3A : i32
    scf.if %cond3A_82 {
      %broadcast_in_dim3A_110 = arith.constant 0.000000e+00 : f32
      %broadcast_in_dim3A_111 = vector.broadcast %broadcast_in_dim3A_110 : f32 to vector<100x100xf32>
      %swap3A_112 = arith.constant 0 : index
      %swap3A_113 = arith.constant 0 : index
      %swap3A_114 = vector.load %arg15[%swap3A_112, %swap3A_113] : memref<100x100xf32, #tpu.memory_space<vmem>>, vector<100x100xf32>
      tpu.vector_store %arg15[%swap3A_112, %swap3A_113], %broadcast_in_dim3A_111 {strides = array<i32>} : memref<100x100xf32, #tpu.memory_space<vmem>>, vector<100x100xf32>,
      %broadcast_in_dim3A_115 = arith.constant 0.000000e+00 : f32
      %broadcast_in_dim3A_116 = vector.broadcast %broadcast_in_dim3A_115 : f32 to vector<1x100xf32>
      %swap3A_117 = arith.constant 0 : index
      %swap3A_118 = arith.constant 0 : index
      %swap3A_119 = vector.load %arg16[%swap3A_117, %swap3A_118] : memref<1x100xf32, #tpu.memory_space<vmem>>, vector<1x100xf32>
      tpu.vector_store %arg16[%swap3A_117, %swap3A_118], %broadcast_in_dim3A_116 {strides = array<i32>} : memref<1x100xf32, #tpu.memory_space<vmem>>, vector<1x100xf32>,
      %broadcast_in_dim3A_120 = arith.constant 0.000000e+00 : f32
      %broadcast_in_dim3A_121 = vector.broadcast %broadcast_in_dim3A_120 : f32 to vector<1x100xf32>
      %swap3A_122 = arith.constant 0 : index
      %swap3A_123 = arith.constant 0 : index
      %swap3A_124 = vector.load %arg17[%swap3A_122, %swap3A_123] : memref<1x100xf32, #tpu.memory_space<vmem>>, vector<1x100xf32>
      tpu.vector_store %arg17[%swap3A_122, %swap3A_123], %broadcast_in_dim3A_121 {strides = array<i32>} : memref<1x100xf32, #tpu.memory_space<vmem>>, vector<1x100xf32>,
    } else {
    }
    %get3A_83 = arith.constant 0 : index
    %get3A_84 = arith.constant 0 : index
    %get3A_85 = vector.load %arg15[%get3A_83, %get3A_84] : memref<100x100xf32, #tpu.memory_space<vmem>>, vector<100x100xf32>
    %dot_general3A_86 = arith.constant dense<0.000000e+00> : vector<100x100xf32>
    %dot_general3A_87 = tpu.matmul %max3A_60, %max3A_67, %dot_general3A_86 {dimension_numbers = #tpu.dot_dimension_numbers<[0], [0], [1], [1], [0, 1, 1, 1], [], []>, transpose_lhs_hint = false} : vector<2000x100xf32>, vector<2000x100xf32>, vector<100x100xf32> -> vector<100x100xf32>
    %add3A_88 = arith.addf %get3A_85, %dot_general3A_87 : vector<100x100xf32>
    %swap3A_89 = arith.constant 0 : index
    %swap3A_90 = arith.constant 0 : index
    %swap3A_91 = vector.load %arg15[%swap3A_89, %swap3A_90] : memref<100x100xf32, #tpu.memory_space<vmem>>, vector<100x100xf32>
    tpu.vector_store %arg15[%swap3A_89, %swap3A_90], %add3A_88 {strides = array<i32>} : memref<100x100xf32, #tpu.memory_space<vmem>>, vector<100x100xf32>,
    %get3A_92 = arith.constant 0 : index
    %get3A_93 = arith.constant 0 : index
    %get3A_94 = vector.load %arg16[%get3A_92, %get3A_93] : memref<1x100xf32, #tpu.memory_space<vmem>>, vector<1x100xf32>
    %reduce_sum3A = arith.constant dense<0.000000e+00> : vector<100xf32>
    %reduce_sum3A_95 = vector.multi_reduction <add>, %max3A_53, %reduce_sum3A [0] : vector<2000x100xf32> to vector<100xf32>
    %broadcast_in_dim3A = vector.shape_cast %reduce_sum3A_95 : vector<100xf32> to vector<1x100xf32>
    %add3A_96 = arith.addf %get3A_94, %broadcast_in_dim3A : vector<1x100xf32>
    %swap3A_97 = arith.constant 0 : index
    %swap3A_98 = arith.constant 0 : index
    %swap3A_99 = vector.load %arg16[%swap3A_97, %swap3A_98] : memref<1x100xf32, #tpu.memory_space<vmem>>, vector<1x100xf32>
    tpu.vector_store %arg16[%swap3A_97, %swap3A_98], %add3A_96 {strides = array<i32>} : memref<1x100xf32, #tpu.memory_space<vmem>>, vector<1x100xf32>,
    %get3A_100 = arith.constant 0 : index
    %get3A_101 = arith.constant 0 : index
    %get3A_102 = vector.load %arg17[%get3A_100, %get3A_101] : memref<1x100xf32, #tpu.memory_space<vmem>>, vector<1x100xf32>
    %reduce_sum3A_103 = arith.constant dense<0.000000e+00> : vector<100xf32>
    %reduce_sum3A_104 = vector.multi_reduction <add>, %max3A_60, %reduce_sum3A_103 [0] : vector<2000x100xf32> to vector<100xf32>
    %broadcast_in_dim3A_105 = vector.shape_cast %reduce_sum3A_104 : vector<100xf32> to vector<1x100xf32>
    %add3A_106 = arith.addf %get3A_102, %broadcast_in_dim3A_105 : vector<1x100xf32>
    %swap3A_107 = arith.constant 0 : index
    %swap3A_108 = arith.constant 0 : index
    %swap3A_109 = vector.load %arg17[%swap3A_107, %swap3A_108] : memref<1x100xf32, #tpu.memory_space<vmem>>, vector<1x100xf32>
    tpu.vector_store %arg17[%swap3A_107, %swap3A_108], %add3A_106 {strides = array<i32>} : memref<1x100xf32, #tpu.memory_space<vmem>>, vector<1x100xf32>,
    return
  }
  func.func @transform_0(%arg0: i32) -> (i32, i32) {
    %c0_i32 = arith.constant 0 : i32
    %c0_i32_0 = arith.constant 0 : i32
    return %arg0, %c0_i32 : i32, i32
  }
  func.func @transform_1(%arg0: i32) -> (i32, i32, i32) {
    %c0_i32 = arith.constant 0 : i32
    %c0_i32_0 = arith.constant 0 : i32
    %c0_i32_1 = arith.constant 0 : i32
    return %c0_i32, %arg0, %c0_i32_0 : i32, i32, i32
  }
  func.func @transform_2(%arg0: i32) -> (i32, i32) {
    %c0_i32 = arith.constant 0 : i32
    %c0_i32_0 = arith.constant 0 : i32
    %c0_i32_1 = arith.constant 0 : i32
    return %c0_i32, %c0_i32_0 : i32, i32
  }
  func.func @transform_3(%arg0: i32) -> (i32, i32) {
    %c0_i32 = arith.constant 0 : i32
    %c0_i32_0 = arith.constant 0 : i32
    %c0_i32_1 = arith.constant 0 : i32
    return %c0_i32, %c0_i32_0 : i32, i32
  }
  func.func @transform_4(%arg0: i32) -> (i32, i32) {
    %c0_i32 = arith.constant 0 : i32
    %c0_i32_0 = arith.constant 0 : i32
    %c0_i32_1 = arith.constant 0 : i32
    return %c0_i32, %c0_i32_0 : i32, i32
  }
  func.func @transform_5(%arg0: i32) -> (i32, i32) {
    %c0_i32 = arith.constant 0 : i32
    %c0_i32_0 = arith.constant 0 : i32
    %c0_i32_1 = arith.constant 0 : i32
    return %c0_i32, %c0_i32_0 : i32, i32
  }
  func.func @transform_6(%arg0: i32) -> (i32, i32) {
    %c0_i32 = arith.constant 0 : i32
    %c0_i32_0 = arith.constant 0 : i32
    %c0_i32_1 = arith.constant 0 : i32
    return %c0_i32, %c0_i32_0 : i32, i32
  }
  func.func @transform_7(%arg0: i32) -> (i32, i32) {
    %c0_i32 = arith.constant 0 : i32
    %c0_i32_0 = arith.constant 0 : i32
    %c0_i32_1 = arith.constant 0 : i32
    return %c0_i32, %c0_i32_0 : i32, i32
  }
  func.func @transform_8(%arg0: i32) -> (i32, i32) {
    %c0_i32 = arith.constant 0 : i32
    %c0_i32_0 = arith.constant 0 : i32
    %c0_i32_1 = arith.constant 0 : i32
    return %c0_i32, %c0_i32_0 : i32, i32
  }
  func.func @transform_9(%arg0: i32) -> (i32, i32) {
    %c0_i32 = arith.constant 0 : i32
    %c0_i32_0 = arith.constant 0 : i32
    %c0_i32_1 = arith.constant 0 : i32
    return %c0_i32, %c0_i32_0 : i32, i32
  }
  func.func @transform_10(%arg0: i32) -> (i32, i32) {
    %c0_i32 = arith.constant 0 : i32
    %c0_i32_0 = arith.constant 0 : i32
    %c0_i32_1 = arith.constant 0 : i32
    return %c0_i32, %c0_i32_0 : i32, i32
  }
  func.func @transform_11(%arg0: i32) -> (i32, i32) {
    %c0_i32 = arith.constant 0 : i32
    %c0_i32_0 = arith.constant 0 : i32
    return %arg0, %c0_i32 : i32, i32
  }
  func.func @transform_12(%arg0: i32) -> (i32, i32) {
    %c0_i32 = arith.constant 0 : i32
    %c0_i32_0 = arith.constant 0 : i32
    return %arg0, %c0_i32 : i32, i32
  }
  func.func @transform_13(%arg0: i32) -> (i32, i32) {
    %c0_i32 = arith.constant 0 : i32
    %c0_i32_0 = arith.constant 0 : i32
    return %arg0, %c0_i32 : i32, i32
  }
  func.func @transform_14(%arg0: i32) -> (i32, i32) {
    %c0_i32 = arith.constant 0 : i32
    %c0_i32_0 = arith.constant 0 : i32
    %c0_i32_1 = arith.constant 0 : i32
    return %c0_i32, %c0_i32_0 : i32, i32
  }
  func.func @transform_15(%arg0: i32) -> (i32, i32) {
    %c0_i32 = arith.constant 0 : i32
    %c0_i32_0 = arith.constant 0 : i32
    %c0_i32_1 = arith.constant 0 : i32
    return %c0_i32, %c0_i32_0 : i32, i32
  }
  func.func @transform_16(%arg0: i32) -> (i32, i32) {
    %c0_i32 = arith.constant 0 : i32
    %c0_i32_0 = arith.constant 0 : i32
    %c0_i32_1 = arith.constant 0 : i32
    return %c0_i32, %c0_i32_0 : i32, i32
  }
}

module attributes {stable_mosaic.version = 14 : i64} {
  func.func @_mid_body(%arg0: i32, %arg1: memref<2x2000x128xf32, #tpu.memory_space<vmem>>, %arg2: memref<2000x128xf32, #tpu.memory_space<vmem>>, %arg3: memref<2x2000x128xf32, #tpu.memory_space<vmem>>, %arg4: memref<2000x100xf32, #tpu.memory_space<vmem>>, %arg5: memref<2000x100xf32, #tpu.memory_space<vmem>>, %arg6: memref<100x100xf32, #tpu.memory_space<vmem>>, %arg7: memref<1x100xf32, #tpu.memory_space<vmem>>, %arg8: memref<1x100xf32, #tpu.memory_space<vmem>>, %arg9: memref<100x128xf32, #tpu.memory_space<vmem>>, %arg10: memref<100x128xf32, #tpu.memory_space<vmem>>, %arg11: memref<128x128xf32, #tpu.memory_space<vmem>>, %arg12: memref<1x128xf32, #tpu.memory_space<vmem>>, %arg13: memref<1x128xf32, #tpu.memory_space<vmem>>, %arg14: memref<1x128xf32, #tpu.memory_space<vmem>>, %arg15: memref<1x128xf32, #tpu.memory_space<vmem>>, %arg16: memref<1x128xf32, #tpu.memory_space<vmem>>, %arg17: memref<1x128xf32, #tpu.memory_space<vmem>>, %arg18: memref<128x128xf32, #tpu.memory_space<vmem>>, %arg19: memref<128x100xf32, #tpu.memory_space<vmem>>, %arg20: memref<128x100xf32, #tpu.memory_space<vmem>>, %arg21: memref<128x100xf32, #tpu.memory_space<vmem>>, %arg22: memref<128x100xf32, #tpu.memory_space<vmem>>, %arg23: memref<1x100xf32, #tpu.memory_space<vmem>>, %arg24: memref<1x100xf32, #tpu.memory_space<vmem>>, %arg25: memref<1x100xf32, #tpu.memory_space<vmem>>, %arg26: memref<1x100xf32, #tpu.memory_space<vmem>>, %arg27: memref<2000x128xf32, #tpu.memory_space<vmem>>, %arg28: memref<2000x100xf32, #tpu.memory_space<vmem>>, %arg29: memref<2000x100xf32, #tpu.memory_space<vmem>>, %arg30: memref<100x100xf32, #tpu.memory_space<vmem>>, %arg31: memref<1x100xf32, #tpu.memory_space<vmem>>, %arg32: memref<1x100xf32, #tpu.memory_space<vmem>>) attributes {dimension_semantics = [#tpu.dimension_semantics<arbitrary>], iteration_bounds = array<i64: 5>, scalar_prefetch = 0 : i64, scratch_operands = 0 : i64, tpu.core_type = #tpu.core_type<tc>, window_params = [{transform_indices = @transform_0, window_bounds = array<i64: 2, 2000, 128>}, {transform_indices = @transform_1, window_bounds = array<i64: 2000, 128>}, {transform_indices = @transform_2, window_bounds = array<i64: 2, 2000, 128>}, {transform_indices = @transform_3, window_bounds = array<i64: 2000, 100>}, {transform_indices = @transform_4, window_bounds = array<i64: 2000, 100>}, {pipeline_mode = #tpu.pipeline_mode<synchronous>, transform_indices = @transform_5, window_bounds = array<i64: 100, 100>}, {pipeline_mode = #tpu.pipeline_mode<synchronous>, transform_indices = @transform_6, window_bounds = array<i64: 1, 100>}, {pipeline_mode = #tpu.pipeline_mode<synchronous>, transform_indices = @transform_7, window_bounds = array<i64: 1, 100>}, {pipeline_mode = #tpu.pipeline_mode<synchronous>, transform_indices = @transform_8, window_bounds = array<i64: 100, 128>}, {pipeline_mode = #tpu.pipeline_mode<synchronous>, transform_indices = @transform_9, window_bounds = array<i64: 100, 128>}, {pipeline_mode = #tpu.pipeline_mode<synchronous>, transform_indices = @transform_10, window_bounds = array<i64: 128, 128>}, {pipeline_mode = #tpu.pipeline_mode<synchronous>, transform_indices = @transform_11, window_bounds = array<i64: 1, 128>}, {pipeline_mode = #tpu.pipeline_mode<synchronous>, transform_indices = @transform_12, window_bounds = array<i64: 1, 128>}, {pipeline_mode = #tpu.pipeline_mode<synchronous>, transform_indices = @transform_13, window_bounds = array<i64: 1, 128>}, {pipeline_mode = #tpu.pipeline_mode<synchronous>, transform_indices = @transform_14, window_bounds = array<i64: 1, 128>}, {pipeline_mode = #tpu.pipeline_mode<synchronous>, transform_indices = @transform_15, window_bounds = array<i64: 1, 128>}, {pipeline_mode = #tpu.pipeline_mode<synchronous>, transform_indices = @transform_16, window_bounds = array<i64: 1, 128>}, {pipeline_mode = #tpu.pipeline_mode<synchronous>, transform_indices = @transform_17, window_bounds = array<i64: 128, 128>}, {pipeline_mode = #tpu.pipeline_mode<synchronous>, transform_indices = @transform_18, window_bounds = array<i64: 128, 100>}, {pipeline_mode = #tpu.pipeline_mode<synchronous>, transform_indices = @transform_19, window_bounds = array<i64: 128, 100>}, {pipeline_mode = #tpu.pipeline_mode<synchronous>, transform_indices = @transform_20, window_bounds = array<i64: 128, 100>}, {pipeline_mode = #tpu.pipeline_mode<synchronous>, transform_indices = @transform_21, window_bounds = array<i64: 128, 100>}, {pipeline_mode = #tpu.pipeline_mode<synchronous>, transform_indices = @transform_22, window_bounds = array<i64: 1, 100>}, {pipeline_mode = #tpu.pipeline_mode<synchronous>, transform_indices = @transform_23, window_bounds = array<i64: 1, 100>}, {pipeline_mode = #tpu.pipeline_mode<synchronous>, transform_indices = @transform_24, window_bounds = array<i64: 1, 100>}, {pipeline_mode = #tpu.pipeline_mode<synchronous>, transform_indices = @transform_25, window_bounds = array<i64: 1, 100>}, {transform_indices = @transform_26, window_bounds = array<i64: 2000, 128>}, {transform_indices = @transform_27, window_bounds = array<i64: 2000, 100>}, {transform_indices = @transform_28, window_bounds = array<i64: 2000, 100>}, {pipeline_mode = #tpu.pipeline_mode<synchronous>, transform_indices = @transform_29, window_bounds = array<i64: 100, 100>}, {pipeline_mode = #tpu.pipeline_mode<synchronous>, transform_indices = @transform_30, window_bounds = array<i64: 1, 100>}, {pipeline_mode = #tpu.pipeline_mode<synchronous>, transform_indices = @transform_31, window_bounds = array<i64: 1, 100>}]} {
    %get3A = arith.constant 0 : index
    %get3A_0 = arith.constant 0 : index
    %get3A_1 = arith.constant 0 : index
    %get3A_2 = vector.load %arg3[%get3A, %get3A_0, %get3A_1] : memref<2x2000x128xf32, #tpu.memory_space<vmem>>, vector<1x2000x1xf32>
    %get3A_3 = vector.shape_cast %get3A_2 : vector<1x2000x1xf32> to vector<2000x1xf32>
    %get3A_4 = arith.constant 1 : index
    %get3A_5 = arith.constant 0 : index
    %get3A_6 = arith.constant 0 : index
    %get3A_7 = vector.load %arg3[%get3A_4, %get3A_5, %get3A_6] : memref<2x2000x128xf32, #tpu.memory_space<vmem>>, vector<1x2000x1xf32>
    %get3A_8 = vector.shape_cast %get3A_7 : vector<1x2000x1xf32> to vector<2000x1xf32>
    %add3A = arith.addf %get3A_3, %get3A_8 : vector<2000x1xf32>
    %add3A_9 = arith.constant 1.000000e+00 : f32
    %add3A_10 = vector.broadcast %add3A_9 : f32 to vector<2000x1xf32>
    %add3A_11 = arith.addf %add3A, %add3A_10 : vector<2000x1xf32>
    %sqrt3A = math.sqrt %add3A_11 : vector<2000x1xf32>
    %div3A = arith.constant 1.000000e+00 : f32
    %div3A_12 = vector.broadcast %div3A : f32 to vector<2000x1xf32>
    %div3A_13 = arith.divf %div3A_12, %sqrt3A : vector<2000x1xf32>
    %get3A_14 = arith.constant 0 : index
    %get3A_15 = arith.constant 0 : index
    %get3A_16 = arith.constant 0 : index
    %get3A_17 = vector.load %arg1[%get3A_14, %get3A_15, %get3A_16] : memref<2x2000x128xf32, #tpu.memory_space<vmem>>, vector<1x2000x128xf32>
    %get3A_18 = vector.shape_cast %get3A_17 : vector<1x2000x128xf32> to vector<2000x128xf32>
    %get3A_19 = arith.constant 1 : index
    %get3A_20 = arith.constant 0 : index
    %get3A_21 = arith.constant 0 : index
    %get3A_22 = vector.load %arg1[%get3A_19, %get3A_20, %get3A_21] : memref<2x2000x128xf32, #tpu.memory_space<vmem>>, vector<1x2000x128xf32>
    %get3A_23 = vector.shape_cast %get3A_22 : vector<1x2000x128xf32> to vector<2000x128xf32>
    %add3A_24 = arith.addf %get3A_18, %get3A_23 : vector<2000x128xf32>
    %get3A_25 = arith.constant 0 : index
    %get3A_26 = arith.constant 0 : index
    %get3A_27 = vector.load %arg2[%get3A_25, %get3A_26] : memref<2000x128xf32, #tpu.memory_space<vmem>>, vector<2000x128xf32>
    %add3A_28 = arith.addf %add3A_24, %get3A_27 : vector<2000x128xf32>
    %mul3A = vector.broadcast %div3A_13 : vector<2000x1xf32> to vector<2000x128xf32>
    %mul3A_29 = arith.mulf %add3A_28, %mul3A : vector<2000x128xf32>
    %get3A_30 = arith.constant 0 : index
    %get3A_31 = arith.constant 0 : index
    %get3A_32 = vector.load %arg13[%get3A_30, %get3A_31] : memref<1x128xf32, #tpu.memory_space<vmem>>, vector<1x128xf32>
    %add3A_33 = vector.broadcast %get3A_32 : vector<1x128xf32> to vector<2000x128xf32>
    %add3A_34 = arith.addf %mul3A_29, %add3A_33 : vector<2000x128xf32>
    %max3A = arith.constant 0.000000e+00 : f32
    %max3A_35 = vector.broadcast %max3A : f32 to vector<2000x128xf32>
    %max3A_36 = arith.maximumf %add3A_34, %max3A_35 : vector<2000x128xf32>
    %get3A_37 = arith.constant 0 : index
    %get3A_38 = arith.constant 0 : index
    %get3A_39 = vector.load %arg7[%get3A_37, %get3A_38] : memref<1x100xf32, #tpu.memory_space<vmem>>, vector<1x100xf32>
    %get3A_40 = arith.constant 0 : index
    %get3A_41 = arith.constant 0 : index
    %get3A_42 = vector.load %arg8[%get3A_40, %get3A_41] : memref<1x100xf32, #tpu.memory_space<vmem>>, vector<1x100xf32>
    %mul3A_43 = arith.mulf %get3A_39, %get3A_42 : vector<1x100xf32>
    %reduce_sum3A = vector.shape_cast %mul3A_43 : vector<1x100xf32> to vector<1x1x100xf32>
    %reduce_sum3A_44 = arith.constant dense<0.000000e+00> : vector<1xf32>
    %reduce_sum3A_45 = vector.multi_reduction <add>, %reduce_sum3A, %reduce_sum3A_44 [1, 2] : vector<1x1x100xf32> to vector<1xf32>
    %reduce_sum3A_46 = vector.shape_cast %reduce_sum3A_45 : vector<1xf32> to vector<1x1x1xf32>
    %reduce_sum3A_47 = vector.extract %reduce_sum3A_46[0, 0, 0] : f32 from vector<1x1x1xf32>
    %mul3A_48 = arith.constant 9.99999974E-5 : f32
    %mul3A_49 = arith.mulf %reduce_sum3A_47, %mul3A_48 : f32
    %add3A_50 = arith.constant 9.99999997E-7 : f32
    %add3A_51 = arith.addf %mul3A_49, %add3A_50 : f32
    %get3A_52 = arith.constant 0 : index
    %get3A_53 = arith.constant 0 : index
    %get3A_54 = vector.load %arg6[%get3A_52, %get3A_53] : memref<100x100xf32, #tpu.memory_space<vmem>>, vector<100x100xf32>
    %get3A_55 = arith.constant 0 : index
    %get3A_56 = arith.constant 0 : index
    %get3A_57 = vector.load %arg9[%get3A_55, %get3A_56] : memref<100x128xf32, #tpu.memory_space<vmem>>, vector<100x128xf32>
    %dot_general3A = arith.constant dense<0.000000e+00> : vector<100x128xf32>
    %dot_general3A_58 = tpu.matmul %get3A_54, %get3A_57, %dot_general3A {dimension_numbers = #tpu.dot_dimension_numbers<[1], [0], [0], [1], [0, 0, 1, 1], [], []>, transpose_lhs_hint = false} : vector<100x100xf32>, vector<100x128xf32>, vector<100x128xf32> -> vector<100x128xf32>
    %get3A_59 = arith.constant 0 : index
    %get3A_60 = arith.constant 0 : index
    %get3A_61 = vector.load %arg4[%get3A_59, %get3A_60] : memref<2000x100xf32, #tpu.memory_space<vmem>>, vector<2000x100xf32>
    %dot_general3A_62 = arith.constant dense<0.000000e+00> : vector<2000x128xf32>
    %dot_general3A_63 = tpu.matmul %get3A_61, %dot_general3A_58, %dot_general3A_62 {dimension_numbers = #tpu.dot_dimension_numbers<[1], [0], [0], [1], [0, 0, 1, 1], [], []>, transpose_lhs_hint = false} : vector<2000x100xf32>, vector<100x128xf32>, vector<2000x128xf32> -> vector<2000x128xf32>
    %div3A_64 = arith.constant 1.000000e+00 : f32
    %div3A_65 = arith.divf %div3A_64, %add3A_51 : f32
    %mul3A_66 = vector.broadcast %div3A_65 : f32 to vector<2000x128xf32>
    %mul3A_67 = arith.mulf %dot_general3A_63, %mul3A_66 : vector<2000x128xf32>
    %get3A_68 = arith.constant 0 : index
    %get3A_69 = arith.constant 0 : index
    %get3A_70 = vector.load %arg5[%get3A_68, %get3A_69] : memref<2000x100xf32, #tpu.memory_space<vmem>>, vector<2000x100xf32>
    %get3A_71 = arith.constant 0 : index
    %get3A_72 = arith.constant 0 : index
    %get3A_73 = vector.load %arg10[%get3A_71, %get3A_72] : memref<100x128xf32, #tpu.memory_space<vmem>>, vector<100x128xf32>
    %dot_general3A_74 = arith.constant dense<0.000000e+00> : vector<2000x128xf32>
    %dot_general3A_75 = tpu.matmul %get3A_70, %get3A_73, %dot_general3A_74 {dimension_numbers = #tpu.dot_dimension_numbers<[1], [0], [0], [1], [0, 0, 1, 1], [], []>, transpose_lhs_hint = false} : vector<2000x100xf32>, vector<100x128xf32>, vector<2000x128xf32> -> vector<2000x128xf32>
    %add3A_76 = arith.addf %mul3A_67, %dot_general3A_75 : vector<2000x128xf32>
    %get3A_77 = arith.constant 0 : index
    %get3A_78 = arith.constant 0 : index
    %get3A_79 = vector.load %arg11[%get3A_77, %get3A_78] : memref<128x128xf32, #tpu.memory_space<vmem>>, vector<128x128xf32>
    %dot_general3A_80 = arith.constant dense<0.000000e+00> : vector<2000x128xf32>
    %dot_general3A_81 = tpu.matmul %max3A_36, %get3A_79, %dot_general3A_80 {dimension_numbers = #tpu.dot_dimension_numbers<[1], [0], [0], [1], [0, 0, 1, 1], [], []>, transpose_lhs_hint = false} : vector<2000x128xf32>, vector<128x128xf32>, vector<2000x128xf32> -> vector<2000x128xf32>
    %add3A_82 = arith.addf %add3A_76, %dot_general3A_81 : vector<2000x128xf32>
    %get3A_83 = arith.constant 0 : index
    %get3A_84 = arith.constant 0 : index
    %get3A_85 = vector.load %arg12[%get3A_83, %get3A_84] : memref<1x128xf32, #tpu.memory_space<vmem>>, vector<1x128xf32>
    %add3A_86 = vector.broadcast %get3A_85 : vector<1x128xf32> to vector<2000x128xf32>
    %add3A_87 = arith.addf %add3A_82, %add3A_86 : vector<2000x128xf32>
    %max3A_88 = arith.constant 0.000000e+00 : f32
    %max3A_89 = vector.broadcast %max3A_88 : f32 to vector<2000x128xf32>
    %max3A_90 = arith.maximumf %add3A_87, %max3A_89 : vector<2000x128xf32>
    %get3A_91 = arith.constant 0 : index
    %get3A_92 = arith.constant 0 : index
    %get3A_93 = vector.load %arg16[%get3A_91, %get3A_92] : memref<1x128xf32, #tpu.memory_space<vmem>>, vector<1x128xf32>
    %sub3A = vector.broadcast %get3A_93 : vector<1x128xf32> to vector<2000x128xf32>
    %sub3A_94 = arith.subf %max3A_90, %sub3A : vector<2000x128xf32>
    %get3A_95 = arith.constant 0 : index
    %get3A_96 = arith.constant 0 : index
    %get3A_97 = vector.load %arg17[%get3A_95, %get3A_96] : memref<1x128xf32, #tpu.memory_space<vmem>>, vector<1x128xf32>
    %add3A_98 = arith.constant 9.99999974E-6 : f32
    %add3A_99 = vector.broadcast %add3A_98 : f32 to vector<1x128xf32>
    %add3A_100 = arith.addf %get3A_97, %add3A_99 : vector<1x128xf32>
    %sqrt3A_101 = math.sqrt %add3A_100 : vector<1x128xf32>
    %div3A_102 = vector.broadcast %sqrt3A_101 : vector<1x128xf32> to vector<2000x128xf32>
    %div3A_103 = arith.divf %sub3A_94, %div3A_102 : vector<2000x128xf32>
    %get3A_104 = arith.constant 0 : index
    %get3A_105 = arith.constant 0 : index
    %get3A_106 = vector.load %arg14[%get3A_104, %get3A_105] : memref<1x128xf32, #tpu.memory_space<vmem>>, vector<1x128xf32>
    %mul3A_107 = vector.broadcast %get3A_106 : vector<1x128xf32> to vector<2000x128xf32>
    %mul3A_108 = arith.mulf %div3A_103, %mul3A_107 : vector<2000x128xf32>
    %get3A_109 = arith.constant 0 : index
    %get3A_110 = arith.constant 0 : index
    %get3A_111 = vector.load %arg15[%get3A_109, %get3A_110] : memref<1x128xf32, #tpu.memory_space<vmem>>, vector<1x128xf32>
    %add3A_112 = vector.broadcast %get3A_111 : vector<1x128xf32> to vector<2000x128xf32>
    %add3A_113 = arith.addf %mul3A_108, %add3A_112 : vector<2000x128xf32>
    %get3A_114 = arith.constant 0 : index
    %get3A_115 = arith.constant 0 : index
    %get3A_116 = vector.load %arg18[%get3A_114, %get3A_115] : memref<128x128xf32, #tpu.memory_space<vmem>>, vector<128x128xf32>
    %dot_general3A_117 = arith.constant dense<0.000000e+00> : vector<2000x128xf32>
    %dot_general3A_118 = tpu.matmul %add3A_113, %get3A_116, %dot_general3A_117 {dimension_numbers = #tpu.dot_dimension_numbers<[1], [0], [0], [1], [0, 0, 1, 1], [], []>, transpose_lhs_hint = false} : vector<2000x128xf32>, vector<128x128xf32>, vector<2000x128xf32> -> vector<2000x128xf32>
    %mul3A_119 = vector.broadcast %div3A_13 : vector<2000x1xf32> to vector<2000x128xf32>
    %mul3A_120 = arith.mulf %dot_general3A_118, %mul3A_119 : vector<2000x128xf32>
    %swap3A = arith.constant 0 : index
    %swap3A_121 = arith.constant 0 : index
    %swap3A_122 = vector.load %arg27[%swap3A, %swap3A_121] : memref<2000x128xf32, #tpu.memory_space<vmem>>, vector<2000x128xf32>
    tpu.vector_store %arg27[%swap3A, %swap3A_121], %mul3A_120 {strides = array<i32>} : memref<2000x128xf32, #tpu.memory_space<vmem>>, vector<2000x128xf32>,
    %get3A_123 = arith.constant 0 : index
    %get3A_124 = arith.constant 0 : index
    %get3A_125 = vector.load %arg19[%get3A_123, %get3A_124] : memref<128x100xf32, #tpu.memory_space<vmem>>, vector<128x100xf32>
    %get3A_126 = arith.constant 0 : index
    %get3A_127 = arith.constant 0 : index
    %get3A_128 = vector.load %arg20[%get3A_126, %get3A_127] : memref<128x100xf32, #tpu.memory_space<vmem>>, vector<128x100xf32>
    %get3A_129 = arith.constant 0 : index
    %get3A_130 = arith.constant 0 : index
    %get3A_131 = vector.load %arg21[%get3A_129, %get3A_130] : memref<128x100xf32, #tpu.memory_space<vmem>>, vector<128x100xf32>
    %get3A_132 = arith.constant 0 : index
    %get3A_133 = arith.constant 0 : index
    %get3A_134 = vector.load %arg22[%get3A_132, %get3A_133] : memref<128x100xf32, #tpu.memory_space<vmem>>, vector<128x100xf32>
    %get3A_135 = arith.constant 0 : index
    %get3A_136 = arith.constant 0 : index
    %get3A_137 = vector.load %arg23[%get3A_135, %get3A_136] : memref<1x100xf32, #tpu.memory_space<vmem>>, vector<1x100xf32>
    %get3A_138 = arith.constant 0 : index
    %get3A_139 = arith.constant 0 : index
    %get3A_140 = vector.load %arg24[%get3A_138, %get3A_139] : memref<1x100xf32, #tpu.memory_space<vmem>>, vector<1x100xf32>
    %get3A_141 = arith.constant 0 : index
    %get3A_142 = arith.constant 0 : index
    %get3A_143 = vector.load %arg25[%get3A_141, %get3A_142] : memref<1x100xf32, #tpu.memory_space<vmem>>, vector<1x100xf32>
    %get3A_144 = arith.constant 0 : index
    %get3A_145 = arith.constant 0 : index
    %get3A_146 = vector.load %arg26[%get3A_144, %get3A_145] : memref<1x100xf32, #tpu.memory_space<vmem>>, vector<1x100xf32>
    %dot_general3A_147 = arith.constant dense<0.000000e+00> : vector<2000x100xf32>
    %dot_general3A_148 = tpu.matmul %add3A_113, %get3A_125, %dot_general3A_147 {dimension_numbers = #tpu.dot_dimension_numbers<[1], [0], [0], [1], [0, 0, 1, 1], [], []>, transpose_lhs_hint = false} : vector<2000x128xf32>, vector<128x100xf32>, vector<2000x100xf32> -> vector<2000x100xf32>
    %add3A_149 = vector.broadcast %get3A_137 : vector<1x100xf32> to vector<2000x100xf32>
    %add3A_150 = arith.addf %dot_general3A_148, %add3A_149 : vector<2000x100xf32>
    %max3A_151 = arith.constant 0.000000e+00 : f32
    %max3A_152 = vector.broadcast %max3A_151 : f32 to vector<2000x100xf32>
    %max3A_153 = arith.maximumf %add3A_150, %max3A_152 : vector<2000x100xf32>
    %dot_general3A_154 = arith.constant dense<0.000000e+00> : vector<2000x100xf32>
    %dot_general3A_155 = tpu.matmul %add3A_113, %get3A_128, %dot_general3A_154 {dimension_numbers = #tpu.dot_dimension_numbers<[1], [0], [0], [1], [0, 0, 1, 1], [], []>, transpose_lhs_hint = false} : vector<2000x128xf32>, vector<128x100xf32>, vector<2000x100xf32> -> vector<2000x100xf32>
    %add3A_156 = vector.broadcast %get3A_140 : vector<1x100xf32> to vector<2000x100xf32>
    %add3A_157 = arith.addf %dot_general3A_155, %add3A_156 : vector<2000x100xf32>
    %max3A_158 = arith.constant 0.000000e+00 : f32
    %max3A_159 = vector.broadcast %max3A_158 : f32 to vector<2000x100xf32>
    %max3A_160 = arith.maximumf %add3A_157, %max3A_159 : vector<2000x100xf32>
    %dot_general3A_161 = arith.constant dense<0.000000e+00> : vector<2000x100xf32>
    %dot_general3A_162 = tpu.matmul %add3A_113, %get3A_131, %dot_general3A_161 {dimension_numbers = #tpu.dot_dimension_numbers<[1], [0], [0], [1], [0, 0, 1, 1], [], []>, transpose_lhs_hint = false} : vector<2000x128xf32>, vector<128x100xf32>, vector<2000x100xf32> -> vector<2000x100xf32>
    %add3A_163 = vector.broadcast %get3A_143 : vector<1x100xf32> to vector<2000x100xf32>
    %add3A_164 = arith.addf %dot_general3A_162, %add3A_163 : vector<2000x100xf32>
    %max3A_165 = arith.constant 0.000000e+00 : f32
    %max3A_166 = vector.broadcast %max3A_165 : f32 to vector<2000x100xf32>
    %max3A_167 = arith.maximumf %add3A_164, %max3A_166 : vector<2000x100xf32>
    %dot_general3A_168 = arith.constant dense<0.000000e+00> : vector<2000x100xf32>
    %dot_general3A_169 = tpu.matmul %add3A_113, %get3A_134, %dot_general3A_168 {dimension_numbers = #tpu.dot_dimension_numbers<[1], [0], [0], [1], [0, 0, 1, 1], [], []>, transpose_lhs_hint = false} : vector<2000x128xf32>, vector<128x100xf32>, vector<2000x100xf32> -> vector<2000x100xf32>
    %add3A_170 = vector.broadcast %get3A_146 : vector<1x100xf32> to vector<2000x100xf32>
    %add3A_171 = arith.addf %dot_general3A_169, %add3A_170 : vector<2000x100xf32>
    %max3A_172 = arith.constant 0.000000e+00 : f32
    %max3A_173 = vector.broadcast %max3A_172 : f32 to vector<2000x100xf32>
    %max3A_174 = arith.maximumf %add3A_171, %max3A_173 : vector<2000x100xf32>
    %swap3A_175 = arith.constant 0 : index
    %swap3A_176 = arith.constant 0 : index
    %swap3A_177 = vector.load %arg28[%swap3A_175, %swap3A_176] : memref<2000x100xf32, #tpu.memory_space<vmem>>, vector<2000x100xf32>
    tpu.vector_store %arg28[%swap3A_175, %swap3A_176], %max3A_153 {strides = array<i32>} : memref<2000x100xf32, #tpu.memory_space<vmem>>, vector<2000x100xf32>,
    %swap3A_178 = arith.constant 0 : index
    %swap3A_179 = arith.constant 0 : index
    %swap3A_180 = vector.load %arg29[%swap3A_178, %swap3A_179] : memref<2000x100xf32, #tpu.memory_space<vmem>>, vector<2000x100xf32>
    tpu.vector_store %arg29[%swap3A_178, %swap3A_179], %max3A_174 {strides = array<i32>} : memref<2000x100xf32, #tpu.memory_space<vmem>>, vector<2000x100xf32>,
    %eq3A = arith.constant 0 : i32
    %eq3A_181 = arith.cmpi eq, %arg0, %eq3A : i32
    %convert_element_type3A = arith.extui %eq3A_181 : i1 to i32
    %cond3A = arith.constant 0 : i32
    %cond3A_182 = arith.cmpi ne, %convert_element_type3A, %cond3A : i32
    scf.if %cond3A_182 {
      %broadcast_in_dim3A_211 = arith.constant 0.000000e+00 : f32
      %broadcast_in_dim3A_212 = vector.broadcast %broadcast_in_dim3A_211 : f32 to vector<100x100xf32>
      %swap3A_213 = arith.constant 0 : index
      %swap3A_214 = arith.constant 0 : index
      %swap3A_215 = vector.load %arg30[%swap3A_213, %swap3A_214] : memref<100x100xf32, #tpu.memory_space<vmem>>, vector<100x100xf32>
      tpu.vector_store %arg30[%swap3A_213, %swap3A_214], %broadcast_in_dim3A_212 {strides = array<i32>} : memref<100x100xf32, #tpu.memory_space<vmem>>, vector<100x100xf32>,
      %broadcast_in_dim3A_216 = arith.constant 0.000000e+00 : f32
      %broadcast_in_dim3A_217 = vector.broadcast %broadcast_in_dim3A_216 : f32 to vector<1x100xf32>
      %swap3A_218 = arith.constant 0 : index
      %swap3A_219 = arith.constant 0 : index
      %swap3A_220 = vector.load %arg31[%swap3A_218, %swap3A_219] : memref<1x100xf32, #tpu.memory_space<vmem>>, vector<1x100xf32>
      tpu.vector_store %arg31[%swap3A_218, %swap3A_219], %broadcast_in_dim3A_217 {strides = array<i32>} : memref<1x100xf32, #tpu.memory_space<vmem>>, vector<1x100xf32>,
      %broadcast_in_dim3A_221 = arith.constant 0.000000e+00 : f32
      %broadcast_in_dim3A_222 = vector.broadcast %broadcast_in_dim3A_221 : f32 to vector<1x100xf32>
      %swap3A_223 = arith.constant 0 : index
      %swap3A_224 = arith.constant 0 : index
      %swap3A_225 = vector.load %arg32[%swap3A_223, %swap3A_224] : memref<1x100xf32, #tpu.memory_space<vmem>>, vector<1x100xf32>
      tpu.vector_store %arg32[%swap3A_223, %swap3A_224], %broadcast_in_dim3A_222 {strides = array<i32>} : memref<1x100xf32, #tpu.memory_space<vmem>>, vector<1x100xf32>,
    } else {
    }
    %get3A_183 = arith.constant 0 : index
    %get3A_184 = arith.constant 0 : index
    %get3A_185 = vector.load %arg30[%get3A_183, %get3A_184] : memref<100x100xf32, #tpu.memory_space<vmem>>, vector<100x100xf32>
    %dot_general3A_186 = arith.constant dense<0.000000e+00> : vector<100x100xf32>
    %dot_general3A_187 = tpu.matmul %max3A_160, %max3A_167, %dot_general3A_186 {dimension_numbers = #tpu.dot_dimension_numbers<[0], [0], [1], [1], [0, 1, 1, 1], [], []>, transpose_lhs_hint = false} : vector<2000x100xf32>, vector<2000x100xf32>, vector<100x100xf32> -> vector<100x100xf32>
    %add3A_188 = arith.addf %get3A_185, %dot_general3A_187 : vector<100x100xf32>
    %swap3A_189 = arith.constant 0 : index
    %swap3A_190 = arith.constant 0 : index
    %swap3A_191 = vector.load %arg30[%swap3A_189, %swap3A_190] : memref<100x100xf32, #tpu.memory_space<vmem>>, vector<100x100xf32>
    tpu.vector_store %arg30[%swap3A_189, %swap3A_190], %add3A_188 {strides = array<i32>} : memref<100x100xf32, #tpu.memory_space<vmem>>, vector<100x100xf32>,
    %get3A_192 = arith.constant 0 : index
    %get3A_193 = arith.constant 0 : index
    %get3A_194 = vector.load %arg31[%get3A_192, %get3A_193] : memref<1x100xf32, #tpu.memory_space<vmem>>, vector<1x100xf32>
    %reduce_sum3A_195 = arith.constant dense<0.000000e+00> : vector<100xf32>
    %reduce_sum3A_196 = vector.multi_reduction <add>, %max3A_153, %reduce_sum3A_195 [0] : vector<2000x100xf32> to vector<100xf32>
    %broadcast_in_dim3A = vector.shape_cast %reduce_sum3A_196 : vector<100xf32> to vector<1x100xf32>
    %add3A_197 = arith.addf %get3A_194, %broadcast_in_dim3A : vector<1x100xf32>
    %swap3A_198 = arith.constant 0 : index
    %swap3A_199 = arith.constant 0 : index
    %swap3A_200 = vector.load %arg31[%swap3A_198, %swap3A_199] : memref<1x100xf32, #tpu.memory_space<vmem>>, vector<1x100xf32>
    tpu.vector_store %arg31[%swap3A_198, %swap3A_199], %add3A_197 {strides = array<i32>} : memref<1x100xf32, #tpu.memory_space<vmem>>, vector<1x100xf32>,
    %get3A_201 = arith.constant 0 : index
    %get3A_202 = arith.constant 0 : index
    %get3A_203 = vector.load %arg32[%get3A_201, %get3A_202] : memref<1x100xf32, #tpu.memory_space<vmem>>, vector<1x100xf32>
    %reduce_sum3A_204 = arith.constant dense<0.000000e+00> : vector<100xf32>
    %reduce_sum3A_205 = vector.multi_reduction <add>, %max3A_160, %reduce_sum3A_204 [0] : vector<2000x100xf32> to vector<100xf32>
    %broadcast_in_dim3A_206 = vector.shape_cast %reduce_sum3A_205 : vector<100xf32> to vector<1x100xf32>
    %add3A_207 = arith.addf %get3A_203, %broadcast_in_dim3A_206 : vector<1x100xf32>
    %swap3A_208 = arith.constant 0 : index
    %swap3A_209 = arith.constant 0 : index
    %swap3A_210 = vector.load %arg32[%swap3A_208, %swap3A_209] : memref<1x100xf32, #tpu.memory_space<vmem>>, vector<1x100xf32>
    tpu.vector_store %arg32[%swap3A_208, %swap3A_209], %add3A_207 {strides = array<i32>} : memref<1x100xf32, #tpu.memory_space<vmem>>, vector<1x100xf32>,
    return
  }
  func.func @transform_0(%arg0: i32) -> (i32, i32, i32) {
    %c0_i32 = arith.constant 0 : i32
    %c0_i32_0 = arith.constant 0 : i32
    %c0_i32_1 = arith.constant 0 : i32
    return %c0_i32, %arg0, %c0_i32_0 : i32, i32, i32
  }
  func.func @transform_1(%arg0: i32) -> (i32, i32) {
    %c0_i32 = arith.constant 0 : i32
    %c0_i32_0 = arith.constant 0 : i32
    return %arg0, %c0_i32 : i32, i32
  }
  func.func @transform_2(%arg0: i32) -> (i32, i32, i32) {
    %c0_i32 = arith.constant 0 : i32
    %c0_i32_0 = arith.constant 0 : i32
    %c0_i32_1 = arith.constant 0 : i32
    return %c0_i32, %arg0, %c0_i32_0 : i32, i32, i32
  }
  func.func @transform_3(%arg0: i32) -> (i32, i32) {
    %c0_i32 = arith.constant 0 : i32
    %c0_i32_0 = arith.constant 0 : i32
    return %arg0, %c0_i32 : i32, i32
  }
  func.func @transform_4(%arg0: i32) -> (i32, i32) {
    %c0_i32 = arith.constant 0 : i32
    %c0_i32_0 = arith.constant 0 : i32
    return %arg0, %c0_i32 : i32, i32
  }
  func.func @transform_5(%arg0: i32) -> (i32, i32) {
    %c0_i32 = arith.constant 0 : i32
    %c0_i32_0 = arith.constant 0 : i32
    %c0_i32_1 = arith.constant 0 : i32
    return %c0_i32, %c0_i32_0 : i32, i32
  }
  func.func @transform_6(%arg0: i32) -> (i32, i32) {
    %c0_i32 = arith.constant 0 : i32
    %c0_i32_0 = arith.constant 0 : i32
    %c0_i32_1 = arith.constant 0 : i32
    return %c0_i32, %c0_i32_0 : i32, i32
  }
  func.func @transform_7(%arg0: i32) -> (i32, i32) {
    %c0_i32 = arith.constant 0 : i32
    %c0_i32_0 = arith.constant 0 : i32
    %c0_i32_1 = arith.constant 0 : i32
    return %c0_i32, %c0_i32_0 : i32, i32
  }
  func.func @transform_8(%arg0: i32) -> (i32, i32) {
    %c0_i32 = arith.constant 0 : i32
    %c0_i32_0 = arith.constant 0 : i32
    %c0_i32_1 = arith.constant 0 : i32
    return %c0_i32, %c0_i32_0 : i32, i32
  }
  func.func @transform_9(%arg0: i32) -> (i32, i32) {
    %c0_i32 = arith.constant 0 : i32
    %c0_i32_0 = arith.constant 0 : i32
    %c0_i32_1 = arith.constant 0 : i32
    return %c0_i32, %c0_i32_0 : i32, i32
  }
  func.func @transform_10(%arg0: i32) -> (i32, i32) {
    %c0_i32 = arith.constant 0 : i32
    %c0_i32_0 = arith.constant 0 : i32
    %c0_i32_1 = arith.constant 0 : i32
    return %c0_i32, %c0_i32_0 : i32, i32
  }
  func.func @transform_11(%arg0: i32) -> (i32, i32) {
    %c0_i32 = arith.constant 0 : i32
    %c0_i32_0 = arith.constant 0 : i32
    %c0_i32_1 = arith.constant 0 : i32
    return %c0_i32, %c0_i32_0 : i32, i32
  }
  func.func @transform_12(%arg0: i32) -> (i32, i32) {
    %c0_i32 = arith.constant 0 : i32
    %c0_i32_0 = arith.constant 0 : i32
    %c0_i32_1 = arith.constant 0 : i32
    return %c0_i32, %c0_i32_0 : i32, i32
  }
  func.func @transform_13(%arg0: i32) -> (i32, i32) {
    %c0_i32 = arith.constant 0 : i32
    %c0_i32_0 = arith.constant 0 : i32
    %c0_i32_1 = arith.constant 0 : i32
    return %c0_i32, %c0_i32_0 : i32, i32
  }
  func.func @transform_14(%arg0: i32) -> (i32, i32) {
    %c0_i32 = arith.constant 0 : i32
    %c0_i32_0 = arith.constant 0 : i32
    %c0_i32_1 = arith.constant 0 : i32
    return %c0_i32, %c0_i32_0 : i32, i32
  }
  func.func @transform_15(%arg0: i32) -> (i32, i32) {
    %c0_i32 = arith.constant 0 : i32
    %c0_i32_0 = arith.constant 0 : i32
    %c0_i32_1 = arith.constant 0 : i32
    return %c0_i32, %c0_i32_0 : i32, i32
  }
  func.func @transform_16(%arg0: i32) -> (i32, i32) {
    %c0_i32 = arith.constant 0 : i32
    %c0_i32_0 = arith.constant 0 : i32
    %c0_i32_1 = arith.constant 0 : i32
    return %c0_i32, %c0_i32_0 : i32, i32
  }
  func.func @transform_17(%arg0: i32) -> (i32, i32) {
    %c0_i32 = arith.constant 0 : i32
    %c0_i32_0 = arith.constant 0 : i32
    %c0_i32_1 = arith.constant 0 : i32
    return %c0_i32, %c0_i32_0 : i32, i32
  }
  func.func @transform_18(%arg0: i32) -> (i32, i32) {
    %c0_i32 = arith.constant 0 : i32
    %c0_i32_0 = arith.constant 0 : i32
    %c0_i32_1 = arith.constant 0 : i32
    return %c0_i32, %c0_i32_0 : i32, i32
  }
  func.func @transform_19(%arg0: i32) -> (i32, i32) {
    %c0_i32 = arith.constant 0 : i32
    %c0_i32_0 = arith.constant 0 : i32
    %c0_i32_1 = arith.constant 0 : i32
    return %c0_i32, %c0_i32_0 : i32, i32
  }
  func.func @transform_20(%arg0: i32) -> (i32, i32) {
    %c0_i32 = arith.constant 0 : i32
    %c0_i32_0 = arith.constant 0 : i32
    %c0_i32_1 = arith.constant 0 : i32
    return %c0_i32, %c0_i32_0 : i32, i32
  }
  func.func @transform_21(%arg0: i32) -> (i32, i32) {
    %c0_i32 = arith.constant 0 : i32
    %c0_i32_0 = arith.constant 0 : i32
    %c0_i32_1 = arith.constant 0 : i32
    return %c0_i32, %c0_i32_0 : i32, i32
  }
  func.func @transform_22(%arg0: i32) -> (i32, i32) {
    %c0_i32 = arith.constant 0 : i32
    %c0_i32_0 = arith.constant 0 : i32
    %c0_i32_1 = arith.constant 0 : i32
    return %c0_i32, %c0_i32_0 : i32, i32
  }
  func.func @transform_23(%arg0: i32) -> (i32, i32) {
    %c0_i32 = arith.constant 0 : i32
    %c0_i32_0 = arith.constant 0 : i32
    %c0_i32_1 = arith.constant 0 : i32
    return %c0_i32, %c0_i32_0 : i32, i32
  }
  func.func @transform_24(%arg0: i32) -> (i32, i32) {
    %c0_i32 = arith.constant 0 : i32
    %c0_i32_0 = arith.constant 0 : i32
    %c0_i32_1 = arith.constant 0 : i32
    return %c0_i32, %c0_i32_0 : i32, i32
  }
  func.func @transform_25(%arg0: i32) -> (i32, i32) {
    %c0_i32 = arith.constant 0 : i32
    %c0_i32_0 = arith.constant 0 : i32
    %c0_i32_1 = arith.constant 0 : i32
    return %c0_i32, %c0_i32_0 : i32, i32
  }
  func.func @transform_26(%arg0: i32) -> (i32, i32) {
    %c0_i32 = arith.constant 0 : i32
    %c0_i32_0 = arith.constant 0 : i32
    return %arg0, %c0_i32 : i32, i32
  }
  func.func @transform_27(%arg0: i32) -> (i32, i32) {
    %c0_i32 = arith.constant 0 : i32
    %c0_i32_0 = arith.constant 0 : i32
    return %arg0, %c0_i32 : i32, i32
  }
  func.func @transform_28(%arg0: i32) -> (i32, i32) {
    %c0_i32 = arith.constant 0 : i32
    %c0_i32_0 = arith.constant 0 : i32
    return %arg0, %c0_i32 : i32, i32
  }
  func.func @transform_29(%arg0: i32) -> (i32, i32) {
    %c0_i32 = arith.constant 0 : i32
    %c0_i32_0 = arith.constant 0 : i32
    %c0_i32_1 = arith.constant 0 : i32
    return %c0_i32, %c0_i32_0 : i32, i32
  }
  func.func @transform_30(%arg0: i32) -> (i32, i32) {
    %c0_i32 = arith.constant 0 : i32
    %c0_i32_0 = arith.constant 0 : i32
    %c0_i32_1 = arith.constant 0 : i32
    return %c0_i32, %c0_i32_0 : i32, i32
  }
  func.func @transform_31(%arg0: i32) -> (i32, i32) {
    %c0_i32 = arith.constant 0 : i32
    %c0_i32_0 = arith.constant 0 : i32
    %c0_i32_1 = arith.constant 0 : i32
    return %c0_i32, %c0_i32_0 : i32, i32
  }
}

module attributes {stable_mosaic.version = 14 : i64} {
  func.func @_final_body(%arg0: i32, %arg1: memref<2x2000x128xf32, #tpu.memory_space<vmem>>, %arg2: memref<2000x128xf32, #tpu.memory_space<vmem>>, %arg3: memref<2x2000x128xf32, #tpu.memory_space<vmem>>, %arg4: memref<2000x100xf32, #tpu.memory_space<vmem>>, %arg5: memref<2000x100xf32, #tpu.memory_space<vmem>>, %arg6: memref<100x100xf32, #tpu.memory_space<vmem>>, %arg7: memref<1x100xf32, #tpu.memory_space<vmem>>, %arg8: memref<1x100xf32, #tpu.memory_space<vmem>>, %arg9: memref<100x128xf32, #tpu.memory_space<vmem>>, %arg10: memref<100x128xf32, #tpu.memory_space<vmem>>, %arg11: memref<128x128xf32, #tpu.memory_space<vmem>>, %arg12: memref<1x128xf32, #tpu.memory_space<vmem>>, %arg13: memref<1x128xf32, #tpu.memory_space<vmem>>, %arg14: memref<2000x128xf32, #tpu.memory_space<vmem>>) attributes {dimension_semantics = [#tpu.dimension_semantics<arbitrary>], iteration_bounds = array<i64: 5>, scalar_prefetch = 0 : i64, scratch_operands = 0 : i64, tpu.core_type = #tpu.core_type<tc>, window_params = [{transform_indices = @transform_0, window_bounds = array<i64: 2, 2000, 128>}, {transform_indices = @transform_1, window_bounds = array<i64: 2000, 128>}, {transform_indices = @transform_2, window_bounds = array<i64: 2, 2000, 128>}, {transform_indices = @transform_3, window_bounds = array<i64: 2000, 100>}, {transform_indices = @transform_4, window_bounds = array<i64: 2000, 100>}, {pipeline_mode = #tpu.pipeline_mode<synchronous>, transform_indices = @transform_5, window_bounds = array<i64: 100, 100>}, {pipeline_mode = #tpu.pipeline_mode<synchronous>, transform_indices = @transform_6, window_bounds = array<i64: 1, 100>}, {pipeline_mode = #tpu.pipeline_mode<synchronous>, transform_indices = @transform_7, window_bounds = array<i64: 1, 100>}, {pipeline_mode = #tpu.pipeline_mode<synchronous>, transform_indices = @transform_8, window_bounds = array<i64: 100, 128>}, {pipeline_mode = #tpu.pipeline_mode<synchronous>, transform_indices = @transform_9, window_bounds = array<i64: 100, 128>}, {pipeline_mode = #tpu.pipeline_mode<synchronous>, transform_indices = @transform_10, window_bounds = array<i64: 128, 128>}, {pipeline_mode = #tpu.pipeline_mode<synchronous>, transform_indices = @transform_11, window_bounds = array<i64: 1, 128>}, {pipeline_mode = #tpu.pipeline_mode<synchronous>, transform_indices = @transform_12, window_bounds = array<i64: 1, 128>}, {transform_indices = @transform_13, window_bounds = array<i64: 2000, 128>}]} {
    %get3A = arith.constant 0 : index
    %get3A_0 = arith.constant 0 : index
    %get3A_1 = arith.constant 0 : index
    %get3A_2 = vector.load %arg3[%get3A, %get3A_0, %get3A_1] : memref<2x2000x128xf32, #tpu.memory_space<vmem>>, vector<1x2000x1xf32>
    %get3A_3 = vector.shape_cast %get3A_2 : vector<1x2000x1xf32> to vector<2000x1xf32>
    %get3A_4 = arith.constant 1 : index
    %get3A_5 = arith.constant 0 : index
    %get3A_6 = arith.constant 0 : index
    %get3A_7 = vector.load %arg3[%get3A_4, %get3A_5, %get3A_6] : memref<2x2000x128xf32, #tpu.memory_space<vmem>>, vector<1x2000x1xf32>
    %get3A_8 = vector.shape_cast %get3A_7 : vector<1x2000x1xf32> to vector<2000x1xf32>
    %add3A = arith.addf %get3A_3, %get3A_8 : vector<2000x1xf32>
    %add3A_9 = arith.constant 1.000000e+00 : f32
    %add3A_10 = vector.broadcast %add3A_9 : f32 to vector<2000x1xf32>
    %add3A_11 = arith.addf %add3A, %add3A_10 : vector<2000x1xf32>
    %sqrt3A = math.sqrt %add3A_11 : vector<2000x1xf32>
    %div3A = arith.constant 1.000000e+00 : f32
    %div3A_12 = vector.broadcast %div3A : f32 to vector<2000x1xf32>
    %div3A_13 = arith.divf %div3A_12, %sqrt3A : vector<2000x1xf32>
    %get3A_14 = arith.constant 0 : index
    %get3A_15 = arith.constant 0 : index
    %get3A_16 = arith.constant 0 : index
    %get3A_17 = vector.load %arg1[%get3A_14, %get3A_15, %get3A_16] : memref<2x2000x128xf32, #tpu.memory_space<vmem>>, vector<1x2000x128xf32>
    %get3A_18 = vector.shape_cast %get3A_17 : vector<1x2000x128xf32> to vector<2000x128xf32>
    %get3A_19 = arith.constant 1 : index
    %get3A_20 = arith.constant 0 : index
    %get3A_21 = arith.constant 0 : index
    %get3A_22 = vector.load %arg1[%get3A_19, %get3A_20, %get3A_21] : memref<2x2000x128xf32, #tpu.memory_space<vmem>>, vector<1x2000x128xf32>
    %get3A_23 = vector.shape_cast %get3A_22 : vector<1x2000x128xf32> to vector<2000x128xf32>
    %add3A_24 = arith.addf %get3A_18, %get3A_23 : vector<2000x128xf32>
    %get3A_25 = arith.constant 0 : index
    %get3A_26 = arith.constant 0 : index
    %get3A_27 = vector.load %arg2[%get3A_25, %get3A_26] : memref<2000x128xf32, #tpu.memory_space<vmem>>, vector<2000x128xf32>
    %add3A_28 = arith.addf %add3A_24, %get3A_27 : vector<2000x128xf32>
    %mul3A = vector.broadcast %div3A_13 : vector<2000x1xf32> to vector<2000x128xf32>
    %mul3A_29 = arith.mulf %add3A_28, %mul3A : vector<2000x128xf32>
    %get3A_30 = arith.constant 0 : index
    %get3A_31 = arith.constant 0 : index
    %get3A_32 = vector.load %arg13[%get3A_30, %get3A_31] : memref<1x128xf32, #tpu.memory_space<vmem>>, vector<1x128xf32>
    %add3A_33 = vector.broadcast %get3A_32 : vector<1x128xf32> to vector<2000x128xf32>
    %add3A_34 = arith.addf %mul3A_29, %add3A_33 : vector<2000x128xf32>
    %max3A = arith.constant 0.000000e+00 : f32
    %max3A_35 = vector.broadcast %max3A : f32 to vector<2000x128xf32>
    %max3A_36 = arith.maximumf %add3A_34, %max3A_35 : vector<2000x128xf32>
    %get3A_37 = arith.constant 0 : index
    %get3A_38 = arith.constant 0 : index
    %get3A_39 = vector.load %arg7[%get3A_37, %get3A_38] : memref<1x100xf32, #tpu.memory_space<vmem>>, vector<1x100xf32>
    %get3A_40 = arith.constant 0 : index
    %get3A_41 = arith.constant 0 : index
    %get3A_42 = vector.load %arg8[%get3A_40, %get3A_41] : memref<1x100xf32, #tpu.memory_space<vmem>>, vector<1x100xf32>
    %mul3A_43 = arith.mulf %get3A_39, %get3A_42 : vector<1x100xf32>
    %reduce_sum3A = vector.shape_cast %mul3A_43 : vector<1x100xf32> to vector<1x1x100xf32>
    %reduce_sum3A_44 = arith.constant dense<0.000000e+00> : vector<1xf32>
    %reduce_sum3A_45 = vector.multi_reduction <add>, %reduce_sum3A, %reduce_sum3A_44 [1, 2] : vector<1x1x100xf32> to vector<1xf32>
    %reduce_sum3A_46 = vector.shape_cast %reduce_sum3A_45 : vector<1xf32> to vector<1x1x1xf32>
    %reduce_sum3A_47 = vector.extract %reduce_sum3A_46[0, 0, 0] : f32 from vector<1x1x1xf32>
    %mul3A_48 = arith.constant 9.99999974E-5 : f32
    %mul3A_49 = arith.mulf %reduce_sum3A_47, %mul3A_48 : f32
    %add3A_50 = arith.constant 9.99999997E-7 : f32
    %add3A_51 = arith.addf %mul3A_49, %add3A_50 : f32
    %get3A_52 = arith.constant 0 : index
    %get3A_53 = arith.constant 0 : index
    %get3A_54 = vector.load %arg6[%get3A_52, %get3A_53] : memref<100x100xf32, #tpu.memory_space<vmem>>, vector<100x100xf32>
    %get3A_55 = arith.constant 0 : index
    %get3A_56 = arith.constant 0 : index
    %get3A_57 = vector.load %arg9[%get3A_55, %get3A_56] : memref<100x128xf32, #tpu.memory_space<vmem>>, vector<100x128xf32>
    %dot_general3A = arith.constant dense<0.000000e+00> : vector<100x128xf32>
    %dot_general3A_58 = tpu.matmul %get3A_54, %get3A_57, %dot_general3A {dimension_numbers = #tpu.dot_dimension_numbers<[1], [0], [0], [1], [0, 0, 1, 1], [], []>, transpose_lhs_hint = false} : vector<100x100xf32>, vector<100x128xf32>, vector<100x128xf32> -> vector<100x128xf32>
    %get3A_59 = arith.constant 0 : index
    %get3A_60 = arith.constant 0 : index
    %get3A_61 = vector.load %arg4[%get3A_59, %get3A_60] : memref<2000x100xf32, #tpu.memory_space<vmem>>, vector<2000x100xf32>
    %dot_general3A_62 = arith.constant dense<0.000000e+00> : vector<2000x128xf32>
    %dot_general3A_63 = tpu.matmul %get3A_61, %dot_general3A_58, %dot_general3A_62 {dimension_numbers = #tpu.dot_dimension_numbers<[1], [0], [0], [1], [0, 0, 1, 1], [], []>, transpose_lhs_hint = false} : vector<2000x100xf32>, vector<100x128xf32>, vector<2000x128xf32> -> vector<2000x128xf32>
    %div3A_64 = arith.constant 1.000000e+00 : f32
    %div3A_65 = arith.divf %div3A_64, %add3A_51 : f32
    %mul3A_66 = vector.broadcast %div3A_65 : f32 to vector<2000x128xf32>
    %mul3A_67 = arith.mulf %dot_general3A_63, %mul3A_66 : vector<2000x128xf32>
    %get3A_68 = arith.constant 0 : index
    %get3A_69 = arith.constant 0 : index
    %get3A_70 = vector.load %arg5[%get3A_68, %get3A_69] : memref<2000x100xf32, #tpu.memory_space<vmem>>, vector<2000x100xf32>
    %get3A_71 = arith.constant 0 : index
    %get3A_72 = arith.constant 0 : index
    %get3A_73 = vector.load %arg10[%get3A_71, %get3A_72] : memref<100x128xf32, #tpu.memory_space<vmem>>, vector<100x128xf32>
    %dot_general3A_74 = arith.constant dense<0.000000e+00> : vector<2000x128xf32>
    %dot_general3A_75 = tpu.matmul %get3A_70, %get3A_73, %dot_general3A_74 {dimension_numbers = #tpu.dot_dimension_numbers<[1], [0], [0], [1], [0, 0, 1, 1], [], []>, transpose_lhs_hint = false} : vector<2000x100xf32>, vector<100x128xf32>, vector<2000x128xf32> -> vector<2000x128xf32>
    %add3A_76 = arith.addf %mul3A_67, %dot_general3A_75 : vector<2000x128xf32>
    %get3A_77 = arith.constant 0 : index
    %get3A_78 = arith.constant 0 : index
    %get3A_79 = vector.load %arg11[%get3A_77, %get3A_78] : memref<128x128xf32, #tpu.memory_space<vmem>>, vector<128x128xf32>
    %dot_general3A_80 = arith.constant dense<0.000000e+00> : vector<2000x128xf32>
    %dot_general3A_81 = tpu.matmul %max3A_36, %get3A_79, %dot_general3A_80 {dimension_numbers = #tpu.dot_dimension_numbers<[1], [0], [0], [1], [0, 0, 1, 1], [], []>, transpose_lhs_hint = false} : vector<2000x128xf32>, vector<128x128xf32>, vector<2000x128xf32> -> vector<2000x128xf32>
    %add3A_82 = arith.addf %add3A_76, %dot_general3A_81 : vector<2000x128xf32>
    %get3A_83 = arith.constant 0 : index
    %get3A_84 = arith.constant 0 : index
    %get3A_85 = vector.load %arg12[%get3A_83, %get3A_84] : memref<1x128xf32, #tpu.memory_space<vmem>>, vector<1x128xf32>
    %add3A_86 = vector.broadcast %get3A_85 : vector<1x128xf32> to vector<2000x128xf32>
    %add3A_87 = arith.addf %add3A_82, %add3A_86 : vector<2000x128xf32>
    %swap3A = arith.constant 0 : index
    %swap3A_88 = arith.constant 0 : index
    %swap3A_89 = vector.load %arg14[%swap3A, %swap3A_88] : memref<2000x128xf32, #tpu.memory_space<vmem>>, vector<2000x128xf32>
    tpu.vector_store %arg14[%swap3A, %swap3A_88], %add3A_87 {strides = array<i32>} : memref<2000x128xf32, #tpu.memory_space<vmem>>, vector<2000x128xf32>,
    return
  }
  func.func @transform_0(%arg0: i32) -> (i32, i32, i32) {
    %c0_i32 = arith.constant 0 : i32
    %c0_i32_0 = arith.constant 0 : i32
    %c0_i32_1 = arith.constant 0 : i32
    return %c0_i32, %arg0, %c0_i32_0 : i32, i32, i32
  }
  func.func @transform_1(%arg0: i32) -> (i32, i32) {
    %c0_i32 = arith.constant 0 : i32
    %c0_i32_0 = arith.constant 0 : i32
    return %arg0, %c0_i32 : i32, i32
  }
  func.func @transform_2(%arg0: i32) -> (i32, i32, i32) {
    %c0_i32 = arith.constant 0 : i32
    %c0_i32_0 = arith.constant 0 : i32
    %c0_i32_1 = arith.constant 0 : i32
    return %c0_i32, %arg0, %c0_i32_0 : i32, i32, i32
  }
  func.func @transform_3(%arg0: i32) -> (i32, i32) {
    %c0_i32 = arith.constant 0 : i32
    %c0_i32_0 = arith.constant 0 : i32
    return %arg0, %c0_i32 : i32, i32
  }
  func.func @transform_4(%arg0: i32) -> (i32, i32) {
    %c0_i32 = arith.constant 0 : i32
    %c0_i32_0 = arith.constant 0 : i32
    return %arg0, %c0_i32 : i32, i32
  }
  func.func @transform_5(%arg0: i32) -> (i32, i32) {
    %c0_i32 = arith.constant 0 : i32
    %c0_i32_0 = arith.constant 0 : i32
    %c0_i32_1 = arith.constant 0 : i32
    return %c0_i32, %c0_i32_0 : i32, i32
  }
  func.func @transform_6(%arg0: i32) -> (i32, i32) {
    %c0_i32 = arith.constant 0 : i32
    %c0_i32_0 = arith.constant 0 : i32
    %c0_i32_1 = arith.constant 0 : i32
    return %c0_i32, %c0_i32_0 : i32, i32
  }
  func.func @transform_7(%arg0: i32) -> (i32, i32) {
    %c0_i32 = arith.constant 0 : i32
    %c0_i32_0 = arith.constant 0 : i32
    %c0_i32_1 = arith.constant 0 : i32
    return %c0_i32, %c0_i32_0 : i32, i32
  }
  func.func @transform_8(%arg0: i32) -> (i32, i32) {
    %c0_i32 = arith.constant 0 : i32
    %c0_i32_0 = arith.constant 0 : i32
    %c0_i32_1 = arith.constant 0 : i32
    return %c0_i32, %c0_i32_0 : i32, i32
  }
  func.func @transform_9(%arg0: i32) -> (i32, i32) {
    %c0_i32 = arith.constant 0 : i32
    %c0_i32_0 = arith.constant 0 : i32
    %c0_i32_1 = arith.constant 0 : i32
    return %c0_i32, %c0_i32_0 : i32, i32
  }
  func.func @transform_10(%arg0: i32) -> (i32, i32) {
    %c0_i32 = arith.constant 0 : i32
    %c0_i32_0 = arith.constant 0 : i32
    %c0_i32_1 = arith.constant 0 : i32
    return %c0_i32, %c0_i32_0 : i32, i32
  }
  func.func @transform_11(%arg0: i32) -> (i32, i32) {
    %c0_i32 = arith.constant 0 : i32
    %c0_i32_0 = arith.constant 0 : i32
    %c0_i32_1 = arith.constant 0 : i32
    return %c0_i32, %c0_i32_0 : i32, i32
  }
  func.func @transform_12(%arg0: i32) -> (i32, i32) {
    %c0_i32 = arith.constant 0 : i32
    %c0_i32_0 = arith.constant 0 : i32
    %c0_i32_1 = arith.constant 0 : i32
    return %c0_i32, %c0_i32_0 : i32, i32
  }
  func.func @transform_13(%arg0: i32) -> (i32, i32) {
    %c0_i32 = arith.constant 0 : i32
    %c0_i32_0 = arith.constant 0 : i32
    return %arg0, %c0_i32 : i32, i32
  }
}

</mosaic_0001>

<sc_bundles>
// kernel: kernel.10.cloned.1.call-start
scs
__scs_entry_jumppad:
0x0: {  	(pc) =	sbr.rel $0x88, $3  }
0x1: {  	(tag) =	ssettag $0x0;
	lr =	simm.s32 $0x1  }
0x2: {  	[smem:$0x3F85] =	sst lr;
	_ =	strace $0xD0000000  }
0x3: {  	_ = 	snop  }
0x4: {  	_ = 	snop  }
0x5: {  	_ = 	snop  }
0x6: {  	_ = 	snop  }
0x7: {  	_ = 	snop  }
__scs_overlays_trampoline_lowered:
0x8: {  	[smem:$0x3F94] =	sst s0  }
0x9: {  	[smem:$0x3F95] =	sst s1  }
0xa: {  	[smem:$0x3F96] =	sst s2  }
0xb: {  	[smem:$0x3F97] =	sst s3  }
0xc: {  	[smem:$0x3F98] =	sst s4  }
0xd: {  	[smem:$0x3F99] =	sst s5  }
0xe: {  	[smem:$0x3F9A] =	sst s6  }
0xf: {  	[smem:$0x3F9B] =	sst s7  }
0x10: {  	[smem:$0x3F9C] =	sst s8  }
0x11: {  	[smem:$0x3F9D] =	sst s9;
	s0 =	simm.s32 @!p0 $0x0  }
0x12: {  	s1 =	sld [smem:$0x3F83];
	s0 =	simm.s32 @p0 $0x1  }
0x13: {  	[smem:$0x3F9E] =	sst s0;
	s0 =	simm.s32 @!p1 $0x0  }
0x14: {  	s2 =	sld [smem:$0x3F82];
	s0 =	simm.s32 @p1 $0x1  }
0x15: {  	[smem:$0x3F9F] =	sst s0;
	s0 =	simm.s32 @!p2 $0x0  }
0x16: {  	s3 =	sld [smem:$0x3FDB];
	s0 =	simm.s32 @p2 $0x1  }
0x17: {  	s4 =	simm.s32 $0x1BF5;
	[smem:$0x3FA1] =	sst s0  }
0x18: {  	s0 =	sld [smem:$0x3F84];
	_ =	swait.ge [sflag:s4], $0x0  }
0x19: {  	s7 =	sld [smem:$0x3F85]  }
0x1a: {  	s8 =	sadd.s32 $0xFFFFE003, lr  }
0x1b: {  	s9 =	sadd.s32 $0xFFFFFEF7, lr;
	s5 =	simm.s32 $0xFFFFFFFF;
	p2 =	slt.u32 s8, $0xFFFFF086  }
0x1c: {  	p1 =	slt.u32 s9, $0xF7A;
	s5 =	simm.s32 @!p2 $0x0  }
0x1d: {  	s5 =	simm.s32 @p1 $0x1;
	p0 =	seq.s32 s7, s2  }
0x1e: {  	s7 =	smul.u32 @!p0 $0xF7A, s2;
	p2 =	seq.s32 @!p0 s5, $0x0  }
0x1f: {  	s9 =	smul.u32 $0xF7A, s1;
	s8 =	simm.s32 @!p0 $0x1BF5;
	p2 =	por !p2, p0  }
0x20: {  	[sflag:s8] =	ssyncset.s32 @!p0 $0xFFFFF086;
	s6 =	sadd.s32 @!p0 s3, s7;
	s7 =	simm.s32 @!p0 $0x108  }
0x21: {  	s3 =	sadd.s32 s3, s9;
	s6 =	sadd.s32 @!p0 $0x88, s6;
	s7 =	simm.s32 @p2 $0x1082  }
0x22: {  	[simem:s7], [sflag:s8] =	dma.local @!p0 [hbm:s6], $0xF7A  }
0x23: {  	s9 =	sor.u32 $0xD0000000, s2;
	s6 =	simm.s32 $0x108;
	_ =	swait.ge @!p0 [sflag:s8], $0x0  }
0x24: {  	s3 =	sadd.s32 $0x88, s3;
	s6 =	simm.s32 @!p1 $0x1082;
	[sflag:s4] =	ssyncset.s32 $0xFFFFF086  }
0x25: {  	[simem:s6], [sflag:s4] =	dma.local [hbm:s3], $0xF7A  }
0x26: {  	[smem:$0x3F85] =	sst s1;
	(tag) =	ssettag s2;
	_ =	strace s9  }
0x27: {  	s1 =	sld [smem:$0x3F95]  }
0x28: {  	s2 =	sld [smem:$0x3F96]  }
0x29: {  	s4 =	sld [smem:$0x3F98]  }
0x2a: {  	p0 =	seq.s32 s5, $0x0;
	s5 =	sld [smem:$0x3F99]  }
0x2b: {  	s6 =	sld [smem:$0x3F9A]  }
0x2c: {  	s7 =	sld [smem:$0x3F9B]  }
0x2d: {  	s3 =	simm.s32 $0x108;
	s8 =	sld [smem:$0x3F9C]  }
0x2e: {  	s3 =	simm.s32 @!p0 $0x1082;
	s9 =	sld [smem:$0x3F9D]  }
0x2f: {  	lr =	sadd.s32 s0, s3;
	s0 =	sld [smem:$0x3F94]  }
0x30: {  	s3 =	sld [smem:$0x3F97]  }
0x31: {  	[smem:$0x3FA0] =	sst s10  }
0x32: {  	s10 =	sld [smem:$0x3F9E];
	_ =	sdelay $0x3  }
0x33: {  	p0 =	seq.s32 s10, $0x1;
	s10 =	sld [smem:$0x3FA0];
	_ =	sdelay $0x3  }
0x34: {  	[smem:$0x3FA0] =	sst s10  }
0x35: {  	s10 =	sld [smem:$0x3F9F];
	_ =	sdelay $0x3  }
0x36: {  	p1 =	seq.s32 s10, $0x1;
	s10 =	sld [smem:$0x3FA0];
	_ =	sdelay $0x3  }
0x37: {  	[smem:$0x3FA0] =	sst s10  }
0x38: {  	s10 =	sld [smem:$0x3FA1]  }
0x39: {  	_ = 	snop;
	(pc) =	sbr.ind lr, $3  }
0x3a: {  	_ = 	snop  }
0x3b: {  	_ = 	snop  }
0x3c: {  	p2 =	seq.s32 s10, $0x1;
	s10 =	sld [smem:$0x3FA0]  }
0x3d: {  	_ =	shalt  }
0x3e: {  	_ =	shalt  }
0x3f: {  	_ =	shalt  }
0x40: {  	_ =	shalt  }
0x41: {  	_ =	shalt  }
0x42: {  	_ =	shalt  }
0x43: {  	_ =	shalt  }
0x44: {  	_ =	shalt  }
0x45: {  	_ =	shalt  }
0x46: {  	_ =	shalt  }
0x47: {  	_ =	shalt  }
0x48: {  	_ =	shalt  }
0x49: {  	_ =	shalt  }
0x4a: {  	_ =	shalt  }
0x4b: {  	_ =	shalt  }
0x4c: {  	_ =	shalt  }
0x4d: {  	_ =	shalt  }
0x4e: {  	_ =	shalt  }
0x4f: {  	_ =	shalt  }
0x50: {  	_ =	shalt  }
0x51: {  	_ =	shalt  }
0x52: {  	_ =	shalt  }
0x53: {  	_ =	shalt  }
0x54: {  	_ =	shalt  }
0x55: {  	_ =	shalt  }
0x56: {  	_ =	shalt  }
0x57: {  	_ =	shalt  }
0x58: {  	_ =	shalt  }
0x59: {  	_ =	shalt  }
0x5a: {  	_ =	shalt  }
0x5b: {  	_ =	shalt  }
0x5c: {  	_ =	shalt  }
0x5d: {  	_ =	shalt  }
0x5e: {  	_ =	shalt  }
0x5f: {  	_ =	shalt  }
0x60: {  	_ =	shalt  }
0x61: {  	_ =	shalt  }
0x62: {  	_ =	shalt  }
0x63: {  	_ =	shalt  }
0x64: {  	_ =	shalt  }
0x65: {  	_ =	shalt  }
0x66: {  	_ =	shalt  }
0x67: {  	_ =	shalt  }
0x68: {  	_ =	shalt  }
0x69: {  	_ =	shalt  }
0x6a: {  	_ =	shalt  }
0x6b: {  	_ =	shalt  }
0x6c: {  	_ =	shalt  }
0x6d: {  	_ =	shalt  }
0x6e: {  	_ =	shalt  }
0x6f: {  	_ =	shalt  }
0x70: {  	_ =	shalt  }
0x71: {  	_ =	shalt  }
0x72: {  	_ =	shalt  }
0x73: {  	_ =	shalt  }
0x74: {  	_ =	shalt  }
0x75: {  	_ =	shalt  }
0x76: {  	_ =	shalt  }
0x77: {  	_ =	shalt  }
0x78: {  	_ =	shalt  }
0x79: {  	_ =	shalt  }
0x7a: {  	_ =	shalt  }
0x7b: {  	_ =	shalt  }
0x7c: {  	_ =	shalt  }
0x7d: {  	_ =	shalt  }
0x7e: {  	_ =	shalt  }
0x7f: {  	_ =	shalt  }
0x80: {  	_ =	shalt  }
0x81: {  	_ =	shalt  }
0x82: {  	_ =	shalt  }
0x83: {  	_ =	shalt  }
0x84: {  	_ =	shalt  }
0x85: {  	_ =	shalt  }
0x86: {  	_ =	shalt  }
0x87: {  	_ =	shalt  }
.Lfunc_end0:
.L_simem_size_0:
called_computation_lowered:
.L_overlay_start_0:
0x88: {  	s2 =	sld [smem:$0x3FD9]  }
0x89: {  	s3 =	sld [smem:$0x3FFE];
	_ =	sdelay $0x1  }
0x8a: {  	s1 =	srdreg.scid  }
0x8b: {  	s0 =	sand.u32 $0x1, s1  }
0x8c: {  	s17 =	sshll.u32 s0, $0xA;
	s2 =	sadd.s32 s3, s2  }
0x8d: {  	s2 =	sadd.s32 s2, s17  }
0x8e: {  	[smem:$0x3FAC] =	sst s2  }
0x8f: {  	_ = 	snop  }
0x90: {  	s2 =	sld [smem:$0x3FD0];
	(tm) =	ssettm $0x1  }
0x91: {  	s18 =	sld [smem:$0x3FFB];
	_ =	sdelay $0x3  }
0x92: {  	_ =	strace s18  }
0x93: {  	s3 =	sld [smem:$0x3FFC];
	_ =	sdelay $0x3  }
0x94: {  	_ =	strace s3  }
0x95: {  	s3 =	sld [smem:$0x3FFD];
	_ =	sdelay $0x3  }
0x96: {  	_ =	strace s3  }
0x97: {  	_ =	strace $0x8FFFFFFF  }
0x98: {  	s19 =	sld [smem:$0x3FDB];
	_ =	sdelay $0x1  }
0x99: {  	s4 =	simm.s32 $_scs_section_size  }
0x9a: {  	s5 =	simm.s32 $_size__tile_overlayer_lowered;
	s6 =	simm.s32 $_tile_overlayer_lowered  }
0x9b: {  	s22 =	simm.s32 $0x1BFF;
	s21 =	sshll.u32 s6, $0x1;
	s3 =	sadd.s32 s4, s19  }
0x9c: {  	s7 =	simm.s32 $0x0;
	s20 =	sshll.u32 s5, $0x1;
	s5 =	sadd.s32 s21, s3  }
0x9d: {  	[timem:s7], [sflag:s22] =	dma.local [hbm:s5], s20  }
0x9e: {  	_ =	swait.ge [sflag:s22], s20  }
0x9f: {  	s4 =	ssub.s32 $0x0, s20;
	[sflag:s22] =	ssyncset.done $0x0  }
0xa0: {  	[sflag:s22] =	ssyncadd.s32 s4;
	_ =	sdelay $0x1  }
0xa1: {  	s23 =	simm.s32 $0x1B8B  }
0xa2: {  	_ =	swait.ge [sflag:s23], $0x1  }
0xa3: {  	[sflag:s23] =	ssyncset.done $0x0  }
0xa4: {  	s25 =	simm.s32 $0x1B8E;
	s24 =	sld [smem:$0x3FFE];
	[sflag:s23] =	ssyncadd.s32 $0xFFFFFFFF  }
0xa5: {  	s26 =	simm.s32 $execute0_lowered;
	[smem:$0x3FD2] =	sst s25  }
0xa6: {  	s5 =	sshll.u32 s26, $0x1;
	_ =	strace $0x80000046;
	[dreg:$0x1] =	wrdreg $0xFFFFFFFF  }
0xa7: {  	s28 =	simm.s32 $_size_execute0_lowered;
	s3 =	sadd.s32 s3, s5;
	[dreg:$0x0] =	wrdreg $0x0  }
0xa8: {  	s5 =	sshll.u32 s28, $0x1;
	[dreg:$0x2] =	wrdreg s3  }
0xa9: {  	[dreg:$0x3] =	wrdreg s5  }
0xaa: {  	[dreg:$0x4] =	wrdreg $0xC0  }
0xab: {  	_ =	task [dreg:s7], $0x5FFFF  }
0xac: {  	[dreg:$0x1] =	wrdreg $0xFFFFFFFF  }
0xad: {  	[dreg:$0x0] =	wrdreg $0x60  }
0xae: {  	[dreg:$0x2] =	wrdreg s24  }
0xaf: {  	[dreg:$0x3] =	wrdreg s2  }
0xb0: {  	[dreg:$0x4] =	wrdreg $0x68000  }
0xb1: {  	[dreg:$0x5] =	wrdreg $0x9  }
0xb2: {  	_ =	task.clear_ibuf [dreg:s7], $0x6FFFF;
	_ =	strace $0x90000046  }
0xb3: {  	s29 =	simm.s32 $0x9;
	_ =	strace $0x80000048  }
0xb4: {  	_ =	swait.ge [sflag:s29], $0x1  }
0xb5: {  	[sflag:s29] =	ssyncadd.s32 $0xFFFFFFFF  }
0xb6: {  	_ =	strace $0x90000048  }
0xb7: {  	_ =	sfence  }
0xb8: {  	s30 =	sld [smem:$0x0];
	_ =	sdelay $0x2  }
0xb9: {  	s31 =	sshll.u32 s1, $0xD;
	s1 =	sshrl.u32 s1, $0x2  }
0xba: {  	s3 =	sand.u32 $0x4000, s31;
	s1 =	sadd.s32 s1, s30  }
0xbb: {  	s0 =	sor.u32 s3, s0;
	s1 =	sshll.u32 s1, $0x11  }
0xbc: {  	s0 =	sor.u32 s1, s0  }
0xbd: {  	s0 =	sadd.s32 $0x8F2B, s0  }
0xbe: {  	[sflag:s0] =	ssyncadd.remote.s32 $0x1  }
0xbf: {  	_ =	sfence.sel $0xFFFF  }
0xc0: {  	[dreg:$0x0] =	wrdreg $0xFFFFFFFF;
	(pc) =	sbr.abs _section_cstart, $3  }
0xc1: {  	[dreg:$0x1] =	wrdreg $0xFFFFFFFF  }
0xc2: {  	_ =	task.clear_ibuf [dreg:s7], $0x2FFFF;
	_ =	strace $0x9FFFFFFF  }
0xc3: {  	(tm) =	ssettm $0x7FFFFFFF  }
tec
execute0_lowered:
.L_overlay_start_1:
0x0: {  	(tag) =	ssettag $0x1  }
0x1: {  	s6 =	rddreg [dreg:$0x0]  }
0x2: {  	s1 =	rddreg [dreg:$0x1]  }
0x3: {  	s2 =	rddreg [dreg:$0x2]  }
0x4: {  	s0 =	rddreg [dreg:$0x3];
	s4 =	simm.s32 $0x0;
	s5 =	srdreg.scid  }
0x5: {  	s3 =	stileid.u32;
	s13 =	simm.s32 $0x50;
	s16 =	simm.s32 $0x0  }
0x6: {  	[smem:$0x7FF] =	sst s4;
	s7 =	sand.u32 $0x1, s5;
	s28 =	sshll.u32 s3, $0xB  }
0x7: {  	s11 =	smul.u32 $0x4E000, s3;
	s5 =	sadd.s32 $0x17000, s6;
	s31 =	sshll.u32 s3, $0x6  }
0x8: {  	s12 =	sadd.s32 $0x138000, s2;
	s14 =	smul.u32 $0x2700, s3;
	p0 =	sne.s32 s3, $0xF  }
0x9: {  	_ =	strace $0x80000047;
	s8 =	smul.u32 $0x27100, s7;
	s10 =	ssub.s32 $0x2, s7  }
0xa: {  	s9 =	sadd.s32 s28, s6;
	s7 =	sshll.u32 s7, $0xF;
	s29 =	sshrl.u32 s10, $0x1  }
0xb: {  	s30 =	sshrl.u32 s11, $0x2;
	s7 =	sadd.s32 s7, s9;
	s8 =	sadd.s32 s8, s6  }
0xc: {  	s10 =	ssub.s32 s10, s29;
	s11 =	sadd.s32 s30, s2;
	s6 =	sor.u32 $0x1C01, s31  }
0xd: {  	s7 =	sadd.s32 $0x7000, s7;
	s15 =	sadd.s32 $0x19800, s8;
	s8 =	smax.u32 s10, $0x1  }
0xe: {  	s9 =	sshrl.u32 s11, $0x3;
	s10 =	simm.s32 $0x1;
	s11 =	sshrl.u32 @!p0 s12, $0x3  }
0xf: {  	s12 =	simm.s32 $0x4000;
	s14 =	sadd.s32 s14, s15;
	s15 =	sadd.s32 @!p0 $0x27000, s15  }
.LBB2_1:
0x10: {  	[spmem:s9], [sflag:s6] =	dma.local [hbm:s5], $0x2700  }
0x11: {  	_ =	swait.ge [sflag:s10], $0x2700  }
0x12: {  	[sflag:s10] =	ssyncset.done $0x0  }
0x13: {  	s17 =	simm.s32 @!p0 $0x1;
	[sflag:s10] =	ssyncadd.s32 $0xFFFFD900  }
0x14: {  	[spmem:s11], [sflag:s6] =	dma.local @!p0 [hbm:s5], $0x100  }
0x15: {  	_ =	swait.ge @!p0 [sflag:s17], $0x100  }
0x16: {  	[sflag:s17] =	ssyncset.done @!p0 $0x0  }
0x17: {  	[sflag:s17] =	ssyncadd.s32 @!p0 $0xFFFFFF00  }
0x18: {  	[tilespmem:s12], [sflag:$0x1] =	stream.linear.gather [hbm4b:s1+s4], $0x2800, $0x38;
	[tilespmem:$0x1A080] =	vst v63  }
0x19: {  	_ =	swait.ge [sflag:s10], $0x2800  }
0x1a: {  	[sflag:s10] =	ssyncset.done $0x0  }
0x1b: {  	[sflag:s10] =	ssyncadd.s32 $0xFFFFD800  }
0x1c: {  	[tilespmem:s4], [sflag:$0x1] =	stream.linear.gather [hbm4b:s7+s4], $0x3E80, $0x38;
	[tilespmem:$0x1A080] =	vst v63  }
0x1d: {  	_ =	swait.ge [sflag:s10], $0x3E80  }
0x1e: {  	[sflag:s10] =	ssyncset.done $0x0  }
0x1f: {  	[sflag:s10] =	ssyncadd.s32 $0xFFFFC180  }
0x20: {  	s31 =	simm.s32 $0x0;
	[bflag:$0x0] =	sbarrier.arrive $0xFFFF  }
0x21: {  	[spmem:s2] =	stream.indirect.scatter.add.f32 [tilespmem:s12], [sflag:$0x1], $0x80, s31, s13, $0xb8;
	[tilespmem:$0x1A080] =	vst v63  }
0x22: {  	_ =	swait.ge [sflag:s10], $0x2800  }
0x23: {  	s17 =	simm.s32 $0x200;
	[sflag:s10] =	ssyncset.done $0x0  }
.LBB2_2:
0x24: {  	s18 =	sshra.s32 s17, $0x2;
	[sflag:s10] =	ssyncadd.s32 $0xFFFFD800;
	p1 =	sne.s32 s17, $0xF800  }
0x25: {  	[spmem:s2] =	stream.indirect.scatter.add.f32 [tilespmem:s12], [sflag:$0x1], $0x80, s18, s13, $0xb8;
	[tilespmem:$0x1A080] =	vst v63  }
.Ltmp0:
0x26: {  	_ = 	snop;
	(pc) =	sbr.rel @p1 .LBB2_2-.Ltmp0, $4  }
0x27: {  	_ = 	snop  }
0x28: {  	s17 =	sadd.s32 $0x200, s17  }
0x29: {  	_ =	swait.ge [sflag:s10], $0x2800  }
0x2a: {  	[sflag:s10] =	ssyncset.done $0x0  }
0x2b: {  	[sflag:s10] =	ssyncadd.s32 $0xFFFFD800  }
0x2c: {  	[bflag:$0x0] =	sbarrier.arrive $0xFFFF  }
0x2d: {  	[hbm:s14], [sflag:s6] =	dma.local [spmem:s9], $0x2700  }
0x2e: {  	s16 =	sadd.s32 $0x1, s16;
	_ =	swait.ge [sflag:s10], $0x2700  }
0x2f: {  	p1 =	sne.s32 s16, s8;
	[sflag:s10] =	ssyncset.done $0x0  }
.Ltmp1:
0x30: {  	s17 =	simm.s32 @!p0 $0x1;
	[sflag:s10] =	ssyncadd.s32 $0xFFFFD900;
	(pc) =	sbr.rel @p1 .LBB2_1-.Ltmp1, $4  }
0x31: {  	[hbm:s15], [sflag:s6] =	dma.local @!p0 [spmem:s11], $0x100  }
0x32: {  	_ =	swait.ge @!p0 [sflag:s17], $0x100  }
0x33: {  	[sflag:s17] =	ssyncset.done @!p0 $0x0  }
0x34: {  	[sflag:s17] =	ssyncadd.s32 @!p0 $0xFFFFFF00  }
0x35: {  	_ =	sfence.sel $0x180000  }
0x36: {  	[bflag:$0x0] =	sbarrier.arrive $0xFFFF  }
0x37: {  	p0 =	sne.s32 s3, $0x0;
	_ =	strace $0x90000047  }
0x38: {  	s0 =	sadd.s32 @!p0 $0x100000, s0;
	[bflag:$0x2] =	sbarrier.arrive $0xFFFF  }
0x39: {  	[sflag:s0] =	ssyncadd.tile.s32 @!p0 $0x1;
	_ =	shalt  }
.Lfunc_end2:
_tile_overlayer_lowered:
.L_overlay_start_2:
0x3a: {  	(tag) =	ssettag $0x2  }
0x3b: {  	s0 =	rddreg [dreg:$0x0];
	s2 =	stileid.u32  }
0x3c: {  	s1 =	rddreg [dreg:$0x1];
	p0 =	sne.s32 s2, $0x0  }
0x3d: {  	s3 =	rddreg [dreg:$0x2];
	[bflag:$0x3] =	sbarrier.arrive $0xFFFF;
	s2 =	simm.s32 @!p0 $0x1C01  }
0x3e: {  	[timem:s3], [sflag:s2] =	dma.local @!p0 [hbm:s0], s1  }
0x3f: {  	s0 =	simm.s32 @!p0 $0x1  }
0x40: {  	_ =	swait.ge @!p0 [sflag:s0], s1  }
0x41: {  	s1 =	ssub.s32 @!p0 $0x0, s1;
	[sflag:s0] =	ssyncset.done @!p0 $0x0  }
0x42: {  	[sflag:s0] =	ssyncadd.s32 @!p0 s1  }
0x43: {  	[bflag:$0x3] =	sbarrier.arrive $0xFFFF  }
0x44: {  	_ =	shalt  }

// kernel: kernel.13.cloned.1.call-start
scs
__scs_entry_jumppad:
0x0: {  	(pc) =	sbr.rel $0x88, $3  }
0x1: {  	(tag) =	ssettag $0x0;
	lr =	simm.s32 $0x1  }
0x2: {  	[smem:$0x3F85] =	sst lr;
	_ =	strace $0xD0000000  }
0x3: {  	_ = 	snop  }
0x4: {  	_ = 	snop  }
0x5: {  	_ = 	snop  }
0x6: {  	_ = 	snop  }
0x7: {  	_ = 	snop  }
__scs_overlays_trampoline_lowered:
0x8: {  	[smem:$0x3F94] =	sst s0  }
0x9: {  	[smem:$0x3F95] =	sst s1  }
0xa: {  	[smem:$0x3F96] =	sst s2  }
0xb: {  	[smem:$0x3F97] =	sst s3  }
0xc: {  	[smem:$0x3F98] =	sst s4  }
0xd: {  	[smem:$0x3F99] =	sst s5  }
0xe: {  	[smem:$0x3F9A] =	sst s6  }
0xf: {  	[smem:$0x3F9B] =	sst s7  }
0x10: {  	[smem:$0x3F9C] =	sst s8  }
0x11: {  	[smem:$0x3F9D] =	sst s9;
	s0 =	simm.s32 @!p0 $0x0  }
0x12: {  	s1 =	sld [smem:$0x3F83];
	s0 =	simm.s32 @p0 $0x1  }
0x13: {  	[smem:$0x3F9E] =	sst s0;
	s0 =	simm.s32 @!p1 $0x0  }
0x14: {  	s2 =	sld [smem:$0x3F82];
	s0 =	simm.s32 @p1 $0x1  }
0x15: {  	[smem:$0x3F9F] =	sst s0;
	s0 =	simm.s32 @!p2 $0x0  }
0x16: {  	s3 =	sld [smem:$0x3FDB];
	s0 =	simm.s32 @p2 $0x1  }
0x17: {  	s4 =	simm.s32 $0x1BF5;
	[smem:$0x3FA1] =	sst s0  }
0x18: {  	s0 =	sld [smem:$0x3F84];
	_ =	swait.ge [sflag:s4], $0x0  }
0x19: {  	s7 =	sld [smem:$0x3F85]  }
0x1a: {  	s8 =	sadd.s32 $0xFFFFE003, lr  }
0x1b: {  	s9 =	sadd.s32 $0xFFFFFEF7, lr;
	s5 =	simm.s32 $0xFFFFFFFF;
	p2 =	slt.u32 s8, $0xFFFFF086  }
0x1c: {  	p1 =	slt.u32 s9, $0xF7A;
	s5 =	simm.s32 @!p2 $0x0  }
0x1d: {  	s5 =	simm.s32 @p1 $0x1;
	p0 =	seq.s32 s7, s2  }
0x1e: {  	s7 =	smul.u32 @!p0 $0xF7A, s2;
	p2 =	seq.s32 @!p0 s5, $0x0  }
0x1f: {  	s9 =	smul.u32 $0xF7A, s1;
	s8 =	simm.s32 @!p0 $0x1BF5;
	p2 =	por !p2, p0  }
0x20: {  	[sflag:s8] =	ssyncset.s32 @!p0 $0xFFFFF086;
	s6 =	sadd.s32 @!p0 s3, s7;
	s7 =	simm.s32 @!p0 $0x108  }
0x21: {  	s3 =	sadd.s32 s3, s9;
	s6 =	sadd.s32 @!p0 $0x88, s6;
	s7 =	simm.s32 @p2 $0x1082  }
0x22: {  	[simem:s7], [sflag:s8] =	dma.local @!p0 [hbm:s6], $0xF7A  }
0x23: {  	s9 =	sor.u32 $0xD0000000, s2;
	s6 =	simm.s32 $0x108;
	_ =	swait.ge @!p0 [sflag:s8], $0x0  }
0x24: {  	s3 =	sadd.s32 $0x88, s3;
	s6 =	simm.s32 @!p1 $0x1082;
	[sflag:s4] =	ssyncset.s32 $0xFFFFF086  }
0x25: {  	[simem:s6], [sflag:s4] =	dma.local [hbm:s3], $0xF7A  }
0x26: {  	[smem:$0x3F85] =	sst s1;
	(tag) =	ssettag s2;
	_ =	strace s9  }
0x27: {  	s1 =	sld [smem:$0x3F95]  }
0x28: {  	s2 =	sld [smem:$0x3F96]  }
0x29: {  	s4 =	sld [smem:$0x3F98]  }
0x2a: {  	p0 =	seq.s32 s5, $0x0;
	s5 =	sld [smem:$0x3F99]  }
0x2b: {  	s6 =	sld [smem:$0x3F9A]  }
0x2c: {  	s7 =	sld [smem:$0x3F9B]  }
0x2d: {  	s3 =	simm.s32 $0x108;
	s8 =	sld [smem:$0x3F9C]  }
0x2e: {  	s3 =	simm.s32 @!p0 $0x1082;
	s9 =	sld [smem:$0x3F9D]  }
0x2f: {  	lr =	sadd.s32 s0, s3;
	s0 =	sld [smem:$0x3F94]  }
0x30: {  	s3 =	sld [smem:$0x3F97]  }
0x31: {  	[smem:$0x3FA0] =	sst s10  }
0x32: {  	s10 =	sld [smem:$0x3F9E];
	_ =	sdelay $0x3  }
0x33: {  	p0 =	seq.s32 s10, $0x1;
	s10 =	sld [smem:$0x3FA0];
	_ =	sdelay $0x3  }
0x34: {  	[smem:$0x3FA0] =	sst s10  }
0x35: {  	s10 =	sld [smem:$0x3F9F];
	_ =	sdelay $0x3  }
0x36: {  	p1 =	seq.s32 s10, $0x1;
	s10 =	sld [smem:$0x3FA0];
	_ =	sdelay $0x3  }
0x37: {  	[smem:$0x3FA0] =	sst s10  }
0x38: {  	s10 =	sld [smem:$0x3FA1]  }
0x39: {  	_ = 	snop;
	(pc) =	sbr.ind lr, $3  }
0x3a: {  	_ = 	snop  }
0x3b: {  	_ = 	snop  }
0x3c: {  	p2 =	seq.s32 s10, $0x1;
	s10 =	sld [smem:$0x3FA0]  }
0x3d: {  	_ =	shalt  }
0x3e: {  	_ =	shalt  }
0x3f: {  	_ =	shalt  }
0x40: {  	_ =	shalt  }
0x41: {  	_ =	shalt  }
0x42: {  	_ =	shalt  }
0x43: {  	_ =	shalt  }
0x44: {  	_ =	shalt  }
0x45: {  	_ =	shalt  }
0x46: {  	_ =	shalt  }
0x47: {  	_ =	shalt  }
0x48: {  	_ =	shalt  }
0x49: {  	_ =	shalt  }
0x4a: {  	_ =	shalt  }
0x4b: {  	_ =	shalt  }
0x4c: {  	_ =	shalt  }
0x4d: {  	_ =	shalt  }
0x4e: {  	_ =	shalt  }
0x4f: {  	_ =	shalt  }
0x50: {  	_ =	shalt  }
0x51: {  	_ =	shalt  }
0x52: {  	_ =	shalt  }
0x53: {  	_ =	shalt  }
0x54: {  	_ =	shalt  }
0x55: {  	_ =	shalt  }
0x56: {  	_ =	shalt  }
0x57: {  	_ =	shalt  }
0x58: {  	_ =	shalt  }
0x59: {  	_ =	shalt  }
0x5a: {  	_ =	shalt  }
0x5b: {  	_ =	shalt  }
0x5c: {  	_ =	shalt  }
0x5d: {  	_ =	shalt  }
0x5e: {  	_ =	shalt  }
0x5f: {  	_ =	shalt  }
0x60: {  	_ =	shalt  }
0x61: {  	_ =	shalt  }
0x62: {  	_ =	shalt  }
0x63: {  	_ =	shalt  }
0x64: {  	_ =	shalt  }
0x65: {  	_ =	shalt  }
0x66: {  	_ =	shalt  }
0x67: {  	_ =	shalt  }
0x68: {  	_ =	shalt  }
0x69: {  	_ =	shalt  }
0x6a: {  	_ =	shalt  }
0x6b: {  	_ =	shalt  }
0x6c: {  	_ =	shalt  }
0x6d: {  	_ =	shalt  }
0x6e: {  	_ =	shalt  }
0x6f: {  	_ =	shalt  }
0x70: {  	_ =	shalt  }
0x71: {  	_ =	shalt  }
0x72: {  	_ =	shalt  }
0x73: {  	_ =	shalt  }
0x74: {  	_ =	shalt  }
0x75: {  	_ =	shalt  }
0x76: {  	_ =	shalt  }
0x77: {  	_ =	shalt  }
0x78: {  	_ =	shalt  }
0x79: {  	_ =	shalt  }
0x7a: {  	_ =	shalt  }
0x7b: {  	_ =	shalt  }
0x7c: {  	_ =	shalt  }
0x7d: {  	_ =	shalt  }
0x7e: {  	_ =	shalt  }
0x7f: {  	_ =	shalt  }
0x80: {  	_ =	shalt  }
0x81: {  	_ =	shalt  }
0x82: {  	_ =	shalt  }
0x83: {  	_ =	shalt  }
0x84: {  	_ =	shalt  }
0x85: {  	_ =	shalt  }
0x86: {  	_ =	shalt  }
0x87: {  	_ =	shalt  }
.Lfunc_end0:
.L_simem_size_0:
called_computation.1_lowered:
.L_overlay_start_0:
0x88: {  	s2 =	sld [smem:$0x3FD9]  }
0x89: {  	s3 =	sld [smem:$0x3FFE];
	_ =	sdelay $0x1  }
0x8a: {  	s1 =	srdreg.scid  }
0x8b: {  	s0 =	sand.u32 $0x1, s1  }
0x8c: {  	s17 =	sshll.u32 s0, $0xA;
	s2 =	sadd.s32 s3, s2  }
0x8d: {  	s2 =	sadd.s32 s2, s17  }
0x8e: {  	[smem:$0x3FAC] =	sst s2  }
0x8f: {  	_ = 	snop  }
0x90: {  	s2 =	sld [smem:$0x3FD0];
	(tm) =	ssettm $0x1  }
0x91: {  	s18 =	sld [smem:$0x3FFB];
	_ =	sdelay $0x3  }
0x92: {  	_ =	strace s18  }
0x93: {  	s3 =	sld [smem:$0x3FFC];
	_ =	sdelay $0x3  }
0x94: {  	_ =	strace s3  }
0x95: {  	s3 =	sld [smem:$0x3FFD];
	_ =	sdelay $0x3  }
0x96: {  	_ =	strace s3  }
0x97: {  	_ =	strace $0x8FFFFFFF  }
0x98: {  	s19 =	sld [smem:$0x3FDB];
	_ =	sdelay $0x1  }
0x99: {  	s4 =	simm.s32 $_scs_section_size  }
0x9a: {  	s5 =	simm.s32 $_size__tile_overlayer_lowered;
	s6 =	simm.s32 $_tile_overlayer_lowered  }
0x9b: {  	s22 =	simm.s32 $0x1BFF;
	s21 =	sshll.u32 s6, $0x1;
	s3 =	sadd.s32 s4, s19  }
0x9c: {  	s7 =	simm.s32 $0x0;
	s20 =	sshll.u32 s5, $0x1;
	s5 =	sadd.s32 s21, s3  }
0x9d: {  	[timem:s7], [sflag:s22] =	dma.local [hbm:s5], s20  }
0x9e: {  	_ =	swait.ge [sflag:s22], s20  }
0x9f: {  	s4 =	ssub.s32 $0x0, s20;
	[sflag:s22] =	ssyncset.done $0x0  }
0xa0: {  	[sflag:s22] =	ssyncadd.s32 s4;
	_ =	sdelay $0x1  }
0xa1: {  	s23 =	simm.s32 $0x1B8B  }
0xa2: {  	_ =	swait.ge [sflag:s23], $0x1  }
0xa3: {  	[sflag:s23] =	ssyncset.done $0x0  }
0xa4: {  	s25 =	simm.s32 $0x1B8E;
	s24 =	sld [smem:$0x3FFE];
	[sflag:s23] =	ssyncadd.s32 $0xFFFFFFFF  }
0xa5: {  	s26 =	simm.s32 $execute0_lowered;
	[smem:$0x3FD2] =	sst s25  }
0xa6: {  	s5 =	sshll.u32 s26, $0x1;
	_ =	strace $0x80000049;
	[dreg:$0x1] =	wrdreg $0xFFFFFFFF  }
0xa7: {  	s28 =	simm.s32 $_size_execute0_lowered;
	s3 =	sadd.s32 s3, s5;
	[dreg:$0x0] =	wrdreg $0x0  }
0xa8: {  	s5 =	sshll.u32 s28, $0x1;
	[dreg:$0x2] =	wrdreg s3  }
0xa9: {  	[dreg:$0x3] =	wrdreg s5  }
0xaa: {  	[dreg:$0x4] =	wrdreg $0xC0  }
0xab: {  	_ =	task [dreg:s7], $0x5FFFF  }
0xac: {  	[dreg:$0x1] =	wrdreg $0xFFFFFFFF  }
0xad: {  	[dreg:$0x0] =	wrdreg $0x60  }
0xae: {  	[dreg:$0x2] =	wrdreg s2  }
0xaf: {  	[dreg:$0x3] =	wrdreg s24  }
0xb0: {  	[dreg:$0x4] =	wrdreg $0xA8000  }
0xb1: {  	[dreg:$0x5] =	wrdreg $0x9  }
0xb2: {  	_ =	task.clear_ibuf [dreg:s7], $0x6FFFF;
	_ =	strace $0x90000049  }
0xb3: {  	s29 =	simm.s32 $0x9;
	_ =	strace $0x8000004B  }
0xb4: {  	_ =	swait.ge [sflag:s29], $0x1  }
0xb5: {  	[sflag:s29] =	ssyncadd.s32 $0xFFFFFFFF  }
0xb6: {  	_ =	strace $0x9000004B  }
0xb7: {  	_ =	sfence  }
0xb8: {  	s30 =	sld [smem:$0x0];
	_ =	sdelay $0x2  }
0xb9: {  	s31 =	sshll.u32 s1, $0xD;
	s1 =	sshrl.u32 s1, $0x2  }
0xba: {  	s3 =	sand.u32 $0x4000, s31;
	s1 =	sadd.s32 s1, s30  }
0xbb: {  	s0 =	sor.u32 s3, s0;
	s1 =	sshll.u32 s1, $0x11  }
0xbc: {  	s0 =	sor.u32 s1, s0  }
0xbd: {  	s0 =	sadd.s32 $0x8F2B, s0  }
0xbe: {  	[sflag:s0] =	ssyncadd.remote.s32 $0x1  }
0xbf: {  	_ =	sfence.sel $0xFFFF  }
0xc0: {  	[dreg:$0x0] =	wrdreg $0xFFFFFFFF;
	(pc) =	sbr.abs _section_cstart, $3  }
0xc1: {  	[dreg:$0x1] =	wrdreg $0xFFFFFFFF  }
0xc2: {  	_ =	task.clear_ibuf [dreg:s7], $0x2FFFF;
	_ =	strace $0x9FFFFFFF  }
0xc3: {  	(tm) =	ssettm $0x7FFFFFFF  }
tec
execute0_lowered:
.L_overlay_start_1:
0x0: {  	(tag) =	ssettag $0x1  }
0x1: {  	s1 =	rddreg [dreg:$0x0]  }
0x2: {  	s6 =	rddreg [dreg:$0x1]  }
0x3: {  	s2 =	rddreg [dreg:$0x2]  }
0x4: {  	s0 =	rddreg [dreg:$0x3];
	s4 =	simm.s32 $0x0;
	s5 =	srdreg.scid  }
0x5: {  	s3 =	stileid.u32;
	s14 =	simm.s32 $0x50;
	s15 =	simm.s32 $0x8000  }
0x6: {  	s16 =	simm.s32 $0x1;
	s19 =	simm.s32 $0x0;
	[smem:$0x7FF] =	sst s4  }
0x7: {  	s7 =	sand.u32 $0x1, s5;
	s8 =	sshll.u32 s3, $0xB;
	s29 =	smul.u32 $0x4E000, s3  }
0x8: {  	s31 =	sshll.u32 s3, $0x6;
	s13 =	sadd.s32 $0x138000, s2;
	s17 =	smul.u32 $0x2700, s3  }
0x9: {  	p0 =	sne.s32 s3, $0xF;
	s5 =	sshll.u32 s7, $0xF;
	s9 =	smul.u32 $0x27100, s7  }
0xa: {  	_ =	strace $0x8000004A;
	s7 =	ssub.s32 $0x2, s7;
	s5 =	sor.u32 s8, s5  }
0xb: {  	s30 =	sshrl.u32 s7, $0x1;
	s8 =	sshrl.u32 s29, $0x2;
	s10 =	sadd.s32 s5, s6  }
0xc: {  	s5 =	sadd.s32 $0x17000, s6;
	s9 =	sadd.s32 s9, s6;
	s11 =	ssub.s32 s7, s30  }
0xd: {  	s12 =	sadd.s32 s8, s2;
	s6 =	sor.u32 $0x1C02, s31;
	s7 =	sadd.s32 $0x67A00, s10  }
0xe: {  	s8 =	sadd.s32 $0x7000, s10;
	s18 =	sadd.s32 $0xC5E00, s9;
	s9 =	smax.u32 s11, $0x1  }
0xf: {  	s10 =	sshrl.u32 s12, $0x3;
	s11 =	simm.s32 $0x2;
	s12 =	sshrl.u32 @!p0 s13, $0x3  }
0x10: {  	s13 =	simm.s32 $0x4000;
	s17 =	sadd.s32 s17, s18;
	s18 =	sadd.s32 @!p0 $0x27000, s18  }
.LBB2_1:
0x11: {  	[spmem:s10], [sflag:s6] =	dma.local [hbm:s5], $0x2700  }
0x12: {  	_ =	swait.ge [sflag:s11], $0x2700  }
0x13: {  	[sflag:s11] =	ssyncset.done $0x0  }
0x14: {  	s20 =	simm.s32 @!p0 $0x2;
	[sflag:s11] =	ssyncadd.s32 $0xFFFFD900  }
0x15: {  	[spmem:s12], [sflag:s6] =	dma.local @!p0 [hbm:s5], $0x100  }
0x16: {  	_ =	swait.ge @!p0 [sflag:s20], $0x100  }
0x17: {  	[sflag:s20] =	ssyncset.done @!p0 $0x0  }
0x18: {  	[sflag:s20] =	ssyncadd.s32 @!p0 $0xFFFFFF00  }
0x19: {  	[tilespmem:s4], [sflag:$0x2] =	stream.linear.gather [hbm4b:s7+s4], $0x3E80, $0x38;
	[tilespmem:$0x1E080] =	vst v63  }
0x1a: {  	_ =	swait.ge [sflag:s11], $0x3E80  }
0x1b: {  	[sflag:s11] =	ssyncset.done $0x0  }
0x1c: {  	[sflag:s11] =	ssyncadd.s32 $0xFFFFC180  }
0x1d: {  	[tilespmem:s13], [sflag:$0x2] =	stream.linear.gather [hbm4b:s8+s4], $0x3E80, $0x38;
	[tilespmem:$0x1E080] =	vst v63  }
0x1e: {  	_ =	swait.ge [sflag:s11], $0x3E80  }
0x1f: {  	[sflag:s11] =	ssyncset.done $0x0  }
0x20: {  	[sflag:s11] =	ssyncadd.s32 $0xFFFFC180  }
0x21: {  	s30 =	simm.s32 $0x0;
	[bflag:$0x0] =	sbarrier.arrive $0xFFFF  }
0x22: {  	[tilespmem:s15], [sflag:$0x1] =	stream.indirect.gather [hbm4b:s1+s14], $0x80, s30, s14, $0xb8;
	[tilespmem:$0x1E080] =	vst v63  }
0x23: {  	_ =	swait.ge [sflag:s16], $0x2800  }
0x24: {  	[sflag:s16] =	ssyncset.done $0x0  }
0x25: {  	s31 =	simm.s32 $0x4000;
	[sflag:s16] =	ssyncadd.s32 $0xFFFFD800  }
0x26: {  	[spmem:s2] =	stream.indirect.scatter.add.f32 [tilespmem:s15], [sflag:$0x2], $0x80, s31, s14, $0xb8;
	[tilespmem:$0x1E080] =	vst v63  }
0x27: {  	_ =	swait.ge [sflag:s11], $0x2800  }
0x28: {  	s21 =	simm.s32 $0x400;
	s20 =	simm.s32 $0x200;
	[sflag:s11] =	ssyncset.done $0x0  }
.LBB2_2:
0x29: {  	s22 =	sshra.s32 s20, $0x2  }
0x2a: {  	[sflag:s11] =	ssyncadd.s32 $0xFFFFD800;
	s20 =	smov.u32 s21;
	s23 =	sadd.s32 $0x200, s21  }
0x2b: {  	[tilespmem:s15], [sflag:$0x1] =	stream.indirect.gather [hbm4b:s1+s14], $0x80, s22, s14, $0xb8;
	[tilespmem:$0x1E080] =	vst v63  }
0x2c: {  	p1 =	sne.s32 s21, $0xF800;
	_ =	swait.ge [sflag:s16], $0x2800  }
.Ltmp0:
0x2d: {  	[sflag:s16] =	ssyncset.done $0x0;
	(pc) =	sbr.rel @p1 .LBB2_2-.Ltmp0, $4  }
0x2e: {  	s21 =	sadd.s32 $0x4000, s22;
	[sflag:s16] =	ssyncadd.s32 $0xFFFFD800  }
0x2f: {  	[spmem:s2] =	stream.indirect.scatter.add.f32 [tilespmem:s15], [sflag:$0x2], $0x80, s21, s14, $0xb8;
	[tilespmem:$0x1E080] =	vst v63  }
0x30: {  	_ =	swait.ge [sflag:s11], $0x2800  }
0x31: {  	s21 =	smov.u32 s23;
	[sflag:s11] =	ssyncset.done $0x0  }
0x32: {  	s20 =	sshra.s32 s20, $0x2;
	[sflag:s11] =	ssyncadd.s32 $0xFFFFD800  }
0x33: {  	[tilespmem:s15], [sflag:$0x1] =	stream.indirect.gather [hbm4b:s1+s14], $0x80, s20, s14, $0xb8;
	[tilespmem:$0x1E080] =	vst v63  }
0x34: {  	_ =	swait.ge [sflag:s16], $0x2800  }
0x35: {  	[sflag:s16] =	ssyncset.done $0x0  }
0x36: {  	s20 =	sadd.s32 $0x4000, s20;
	[sflag:s16] =	ssyncadd.s32 $0xFFFFD800  }
0x37: {  	[spmem:s2] =	stream.indirect.scatter.add.f32 [tilespmem:s15], [sflag:$0x2], $0x80, s20, s14, $0xb8;
	[tilespmem:$0x1E080] =	vst v63  }
0x38: {  	_ =	swait.ge [sflag:s11], $0x2800  }
0x39: {  	[sflag:s11] =	ssyncset.done $0x0  }
0x3a: {  	[sflag:s11] =	ssyncadd.s32 $0xFFFFD800  }
0x3b: {  	[bflag:$0x0] =	sbarrier.arrive $0xFFFF  }
0x3c: {  	[hbm:s17], [sflag:s6] =	dma.local [spmem:s10], $0x2700  }
0x3d: {  	s19 =	sadd.s32 $0x1, s19;
	_ =	swait.ge [sflag:s11], $0x2700  }
0x3e: {  	p1 =	sne.s32 s19, s9;
	[sflag:s11] =	ssyncset.done $0x0  }
.Ltmp1:
0x3f: {  	s20 =	simm.s32 @!p0 $0x2;
	[sflag:s11] =	ssyncadd.s32 $0xFFFFD900;
	(pc) =	sbr.rel @p1 .LBB2_1-.Ltmp1, $4  }
0x40: {  	[hbm:s18], [sflag:s6] =	dma.local @!p0 [spmem:s12], $0x100  }
0x41: {  	_ =	swait.ge @!p0 [sflag:s20], $0x100  }
0x42: {  	[sflag:s20] =	ssyncset.done @!p0 $0x0  }
0x43: {  	[sflag:s20] =	ssyncadd.s32 @!p0 $0xFFFFFF00  }
0x44: {  	_ =	sfence.sel $0x180000  }
0x45: {  	[bflag:$0x0] =	sbarrier.arrive $0xFFFF  }
0x46: {  	p0 =	sne.s32 s3, $0x0;
	_ =	strace $0x9000004A  }
0x47: {  	s0 =	sadd.s32 @!p0 $0x100000, s0;
	[bflag:$0x2] =	sbarrier.arrive $0xFFFF  }
0x48: {  	[sflag:s0] =	ssyncadd.tile.s32 @!p0 $0x1;
	_ =	shalt  }
.Lfunc_end2:
_tile_overlayer_lowered:
.L_overlay_start_2:
0x49: {  	(tag) =	ssettag $0x2  }
0x4a: {  	s0 =	rddreg [dreg:$0x0];
	s2 =	stileid.u32  }
0x4b: {  	s1 =	rddreg [dreg:$0x1];
	p0 =	sne.s32 s2, $0x0  }
0x4c: {  	s3 =	rddreg [dreg:$0x2];
	[bflag:$0x3] =	sbarrier.arrive $0xFFFF;
	s2 =	simm.s32 @!p0 $0x1C02  }
0x4d: {  	[timem:s3], [sflag:s2] =	dma.local @!p0 [hbm:s0], s1  }
0x4e: {  	s0 =	simm.s32 @!p0 $0x2  }
0x4f: {  	_ =	swait.ge @!p0 [sflag:s0], s1  }
0x50: {  	s1 =	ssub.s32 @!p0 $0x0, s1;
	[sflag:s0] =	ssyncset.done @!p0 $0x0  }
0x51: {  	[sflag:s0] =	ssyncadd.s32 @!p0 s1  }
0x52: {  	[bflag:$0x3] =	sbarrier.arrive $0xFFFF  }
0x53: {  	_ =	shalt  }

// kernel: kernel.16.cloned.1.call-start
scs
__scs_entry_jumppad:
0x0: {  	(pc) =	sbr.rel $0x88, $3  }
0x1: {  	(tag) =	ssettag $0x0;
	lr =	simm.s32 $0x1  }
0x2: {  	[smem:$0x3F85] =	sst lr;
	_ =	strace $0xD0000000  }
0x3: {  	_ = 	snop  }
0x4: {  	_ = 	snop  }
0x5: {  	_ = 	snop  }
0x6: {  	_ = 	snop  }
0x7: {  	_ = 	snop  }
__scs_overlays_trampoline_lowered:
0x8: {  	[smem:$0x3F94] =	sst s0  }
0x9: {  	[smem:$0x3F95] =	sst s1  }
0xa: {  	[smem:$0x3F96] =	sst s2  }
0xb: {  	[smem:$0x3F97] =	sst s3  }
0xc: {  	[smem:$0x3F98] =	sst s4  }
0xd: {  	[smem:$0x3F99] =	sst s5  }
0xe: {  	[smem:$0x3F9A] =	sst s6  }
0xf: {  	[smem:$0x3F9B] =	sst s7  }
0x10: {  	[smem:$0x3F9C] =	sst s8  }
0x11: {  	[smem:$0x3F9D] =	sst s9;
	s0 =	simm.s32 @!p0 $0x0  }
0x12: {  	s1 =	sld [smem:$0x3F83];
	s0 =	simm.s32 @p0 $0x1  }
0x13: {  	[smem:$0x3F9E] =	sst s0;
	s0 =	simm.s32 @!p1 $0x0  }
0x14: {  	s2 =	sld [smem:$0x3F82];
	s0 =	simm.s32 @p1 $0x1  }
0x15: {  	[smem:$0x3F9F] =	sst s0;
	s0 =	simm.s32 @!p2 $0x0  }
0x16: {  	s3 =	sld [smem:$0x3FDB];
	s0 =	simm.s32 @p2 $0x1  }
0x17: {  	s4 =	simm.s32 $0x1BF5;
	[smem:$0x3FA1] =	sst s0  }
0x18: {  	s0 =	sld [smem:$0x3F84];
	_ =	swait.ge [sflag:s4], $0x0  }
0x19: {  	s7 =	sld [smem:$0x3F85]  }
0x1a: {  	s8 =	sadd.s32 $0xFFFFE003, lr  }
0x1b: {  	s9 =	sadd.s32 $0xFFFFFEF7, lr;
	s5 =	simm.s32 $0xFFFFFFFF;
	p2 =	slt.u32 s8, $0xFFFFF086  }
0x1c: {  	p1 =	slt.u32 s9, $0xF7A;
	s5 =	simm.s32 @!p2 $0x0  }
0x1d: {  	s5 =	simm.s32 @p1 $0x1;
	p0 =	seq.s32 s7, s2  }
0x1e: {  	s7 =	smul.u32 @!p0 $0xF7A, s2;
	p2 =	seq.s32 @!p0 s5, $0x0  }
0x1f: {  	s9 =	smul.u32 $0xF7A, s1;
	s8 =	simm.s32 @!p0 $0x1BF5;
	p2 =	por !p2, p0  }
0x20: {  	[sflag:s8] =	ssyncset.s32 @!p0 $0xFFFFF086;
	s6 =	sadd.s32 @!p0 s3, s7;
	s7 =	simm.s32 @!p0 $0x108  }
0x21: {  	s3 =	sadd.s32 s3, s9;
	s6 =	sadd.s32 @!p0 $0x88, s6;
	s7 =	simm.s32 @p2 $0x1082  }
0x22: {  	[simem:s7], [sflag:s8] =	dma.local @!p0 [hbm:s6], $0xF7A  }
0x23: {  	s9 =	sor.u32 $0xD0000000, s2;
	s6 =	simm.s32 $0x108;
	_ =	swait.ge @!p0 [sflag:s8], $0x0  }
0x24: {  	s3 =	sadd.s32 $0x88, s3;
	s6 =	simm.s32 @!p1 $0x1082;
	[sflag:s4] =	ssyncset.s32 $0xFFFFF086  }
0x25: {  	[simem:s6], [sflag:s4] =	dma.local [hbm:s3], $0xF7A  }
0x26: {  	[smem:$0x3F85] =	sst s1;
	(tag) =	ssettag s2;
	_ =	strace s9  }
0x27: {  	s1 =	sld [smem:$0x3F95]  }
0x28: {  	s2 =	sld [smem:$0x3F96]  }
0x29: {  	s4 =	sld [smem:$0x3F98]  }
0x2a: {  	p0 =	seq.s32 s5, $0x0;
	s5 =	sld [smem:$0x3F99]  }
0x2b: {  	s6 =	sld [smem:$0x3F9A]  }
0x2c: {  	s7 =	sld [smem:$0x3F9B]  }
0x2d: {  	s3 =	simm.s32 $0x108;
	s8 =	sld [smem:$0x3F9C]  }
0x2e: {  	s3 =	simm.s32 @!p0 $0x1082;
	s9 =	sld [smem:$0x3F9D]  }
0x2f: {  	lr =	sadd.s32 s0, s3;
	s0 =	sld [smem:$0x3F94]  }
0x30: {  	s3 =	sld [smem:$0x3F97]  }
0x31: {  	[smem:$0x3FA0] =	sst s10  }
0x32: {  	s10 =	sld [smem:$0x3F9E];
	_ =	sdelay $0x3  }
0x33: {  	p0 =	seq.s32 s10, $0x1;
	s10 =	sld [smem:$0x3FA0];
	_ =	sdelay $0x3  }
0x34: {  	[smem:$0x3FA0] =	sst s10  }
0x35: {  	s10 =	sld [smem:$0x3F9F];
	_ =	sdelay $0x3  }
0x36: {  	p1 =	seq.s32 s10, $0x1;
	s10 =	sld [smem:$0x3FA0];
	_ =	sdelay $0x3  }
0x37: {  	[smem:$0x3FA0] =	sst s10  }
0x38: {  	s10 =	sld [smem:$0x3FA1]  }
0x39: {  	_ = 	snop;
	(pc) =	sbr.ind lr, $3  }
0x3a: {  	_ = 	snop  }
0x3b: {  	_ = 	snop  }
0x3c: {  	p2 =	seq.s32 s10, $0x1;
	s10 =	sld [smem:$0x3FA0]  }
0x3d: {  	_ =	shalt  }
0x3e: {  	_ =	shalt  }
0x3f: {  	_ =	shalt  }
0x40: {  	_ =	shalt  }
0x41: {  	_ =	shalt  }
0x42: {  	_ =	shalt  }
0x43: {  	_ =	shalt  }
0x44: {  	_ =	shalt  }
0x45: {  	_ =	shalt  }
0x46: {  	_ =	shalt  }
0x47: {  	_ =	shalt  }
0x48: {  	_ =	shalt  }
0x49: {  	_ =	shalt  }
0x4a: {  	_ =	shalt  }
0x4b: {  	_ =	shalt  }
0x4c: {  	_ =	shalt  }
0x4d: {  	_ =	shalt  }
0x4e: {  	_ =	shalt  }
0x4f: {  	_ =	shalt  }
0x50: {  	_ =	shalt  }
0x51: {  	_ =	shalt  }
0x52: {  	_ =	shalt  }
0x53: {  	_ =	shalt  }
0x54: {  	_ =	shalt  }
0x55: {  	_ =	shalt  }
0x56: {  	_ =	shalt  }
0x57: {  	_ =	shalt  }
0x58: {  	_ =	shalt  }
0x59: {  	_ =	shalt  }
0x5a: {  	_ =	shalt  }
0x5b: {  	_ =	shalt  }
0x5c: {  	_ =	shalt  }
0x5d: {  	_ =	shalt  }
0x5e: {  	_ =	shalt  }
0x5f: {  	_ =	shalt  }
0x60: {  	_ =	shalt  }
0x61: {  	_ =	shalt  }
0x62: {  	_ =	shalt  }
0x63: {  	_ =	shalt  }
0x64: {  	_ =	shalt  }
0x65: {  	_ =	shalt  }
0x66: {  	_ =	shalt  }
0x67: {  	_ =	shalt  }
0x68: {  	_ =	shalt  }
0x69: {  	_ =	shalt  }
0x6a: {  	_ =	shalt  }
0x6b: {  	_ =	shalt  }
0x6c: {  	_ =	shalt  }
0x6d: {  	_ =	shalt  }
0x6e: {  	_ =	shalt  }
0x6f: {  	_ =	shalt  }
0x70: {  	_ =	shalt  }
0x71: {  	_ =	shalt  }
0x72: {  	_ =	shalt  }
0x73: {  	_ =	shalt  }
0x74: {  	_ =	shalt  }
0x75: {  	_ =	shalt  }
0x76: {  	_ =	shalt  }
0x77: {  	_ =	shalt  }
0x78: {  	_ =	shalt  }
0x79: {  	_ =	shalt  }
0x7a: {  	_ =	shalt  }
0x7b: {  	_ =	shalt  }
0x7c: {  	_ =	shalt  }
0x7d: {  	_ =	shalt  }
0x7e: {  	_ =	shalt  }
0x7f: {  	_ =	shalt  }
0x80: {  	_ =	shalt  }
0x81: {  	_ =	shalt  }
0x82: {  	_ =	shalt  }
0x83: {  	_ =	shalt  }
0x84: {  	_ =	shalt  }
0x85: {  	_ =	shalt  }
0x86: {  	_ =	shalt  }
0x87: {  	_ =	shalt  }
.Lfunc_end0:
.L_simem_size_0:
called_computation.2_lowered:
.L_overlay_start_0:
0x88: {  	s2 =	sld [smem:$0x3FD9]  }
0x89: {  	s3 =	sld [smem:$0x3FFE];
	_ =	sdelay $0x1  }
0x8a: {  	s1 =	srdreg.scid  }
0x8b: {  	s0 =	sand.u32 $0x1, s1  }
0x8c: {  	s17 =	sshll.u32 s0, $0xA;
	s2 =	sadd.s32 s3, s2  }
0x8d: {  	s2 =	sadd.s32 s2, s17  }
0x8e: {  	[smem:$0x3FAC] =	sst s2  }
0x8f: {  	_ = 	snop  }
0x90: {  	s2 =	sld [smem:$0x3FD0];
	(tm) =	ssettm $0x1  }
0x91: {  	s18 =	sld [smem:$0x3FFB];
	_ =	sdelay $0x3  }
0x92: {  	_ =	strace s18  }
0x93: {  	s3 =	sld [smem:$0x3FFC];
	_ =	sdelay $0x3  }
0x94: {  	_ =	strace s3  }
0x95: {  	s3 =	sld [smem:$0x3FFD];
	_ =	sdelay $0x3  }
0x96: {  	_ =	strace s3  }
0x97: {  	_ =	strace $0x8FFFFFFF  }
0x98: {  	s19 =	sld [smem:$0x3FDB];
	_ =	sdelay $0x1  }
0x99: {  	s4 =	simm.s32 $_scs_section_size  }
0x9a: {  	s5 =	simm.s32 $_size__tile_overlayer_lowered;
	s6 =	simm.s32 $_tile_overlayer_lowered  }
0x9b: {  	s22 =	simm.s32 $0x1BFF;
	s21 =	sshll.u32 s6, $0x1;
	s3 =	sadd.s32 s4, s19  }
0x9c: {  	s7 =	simm.s32 $0x0;
	s20 =	sshll.u32 s5, $0x1;
	s5 =	sadd.s32 s21, s3  }
0x9d: {  	[timem:s7], [sflag:s22] =	dma.local [hbm:s5], s20  }
0x9e: {  	_ =	swait.ge [sflag:s22], s20  }
0x9f: {  	s4 =	ssub.s32 $0x0, s20;
	[sflag:s22] =	ssyncset.done $0x0  }
0xa0: {  	[sflag:s22] =	ssyncadd.s32 s4;
	_ =	sdelay $0x1  }
0xa1: {  	s23 =	simm.s32 $0x1B8B  }
0xa2: {  	_ =	swait.ge [sflag:s23], $0x1  }
0xa3: {  	[sflag:s23] =	ssyncset.done $0x0  }
0xa4: {  	s25 =	simm.s32 $0x1B8E;
	s24 =	sld [smem:$0x3FFE];
	[sflag:s23] =	ssyncadd.s32 $0xFFFFFFFF  }
0xa5: {  	s26 =	simm.s32 $execute0_lowered;
	[smem:$0x3FD2] =	sst s25  }
0xa6: {  	s5 =	sshll.u32 s26, $0x1;
	_ =	strace $0x8000004C;
	[dreg:$0x1] =	wrdreg $0xFFFFFFFF  }
0xa7: {  	s28 =	simm.s32 $_size_execute0_lowered;
	s3 =	sadd.s32 s3, s5;
	[dreg:$0x0] =	wrdreg $0x0  }
0xa8: {  	s5 =	sshll.u32 s28, $0x1;
	[dreg:$0x2] =	wrdreg s3  }
0xa9: {  	[dreg:$0x3] =	wrdreg s5  }
0xaa: {  	[dreg:$0x4] =	wrdreg $0xC0  }
0xab: {  	_ =	task [dreg:s7], $0x5FFFF  }
0xac: {  	[dreg:$0x1] =	wrdreg $0xFFFFFFFF  }
0xad: {  	[dreg:$0x0] =	wrdreg $0x60  }
0xae: {  	[dreg:$0x2] =	wrdreg s2  }
0xaf: {  	[dreg:$0x3] =	wrdreg s24  }
0xb0: {  	[dreg:$0x4] =	wrdreg $0xA8000  }
0xb1: {  	[dreg:$0x5] =	wrdreg $0x9  }
0xb2: {  	_ =	task.clear_ibuf [dreg:s7], $0x6FFFF;
	_ =	strace $0x9000004C  }
0xb3: {  	s29 =	simm.s32 $0x9;
	_ =	strace $0x8000004E  }
0xb4: {  	_ =	swait.ge [sflag:s29], $0x1  }
0xb5: {  	[sflag:s29] =	ssyncadd.s32 $0xFFFFFFFF  }
0xb6: {  	_ =	strace $0x9000004E  }
0xb7: {  	_ =	sfence  }
0xb8: {  	s30 =	sld [smem:$0x0];
	_ =	sdelay $0x2  }
0xb9: {  	s31 =	sshll.u32 s1, $0xD;
	s1 =	sshrl.u32 s1, $0x2  }
0xba: {  	s3 =	sand.u32 $0x4000, s31;
	s1 =	sadd.s32 s1, s30  }
0xbb: {  	s0 =	sor.u32 s3, s0;
	s1 =	sshll.u32 s1, $0x11  }
0xbc: {  	s0 =	sor.u32 s1, s0  }
0xbd: {  	s0 =	sadd.s32 $0x8F2B, s0  }
0xbe: {  	[sflag:s0] =	ssyncadd.remote.s32 $0x1  }
0xbf: {  	_ =	sfence.sel $0xFFFF  }
0xc0: {  	[dreg:$0x0] =	wrdreg $0xFFFFFFFF;
	(pc) =	sbr.abs _section_cstart, $3  }
0xc1: {  	[dreg:$0x1] =	wrdreg $0xFFFFFFFF  }
0xc2: {  	_ =	task.clear_ibuf [dreg:s7], $0x2FFFF;
	_ =	strace $0x9FFFFFFF  }
0xc3: {  	(tm) =	ssettm $0x7FFFFFFF  }
tec
execute0_lowered:
.L_overlay_start_1:
0x0: {  	(tag) =	ssettag $0x1  }
0x1: {  	s1 =	rddreg [dreg:$0x0]  }
0x2: {  	s6 =	rddreg [dreg:$0x1]  }
0x3: {  	s2 =	rddreg [dreg:$0x2]  }
0x4: {  	s0 =	rddreg [dreg:$0x3];
	s4 =	simm.s32 $0x0;
	s5 =	srdreg.scid  }
0x5: {  	s3 =	stileid.u32;
	s14 =	simm.s32 $0x50;
	s15 =	simm.s32 $0x8000  }
0x6: {  	s16 =	simm.s32 $0x1;
	s19 =	simm.s32 $0x0;
	[smem:$0x7FF] =	sst s4  }
0x7: {  	s7 =	sand.u32 $0x1, s5;
	s8 =	sshll.u32 s3, $0xB;
	s29 =	smul.u32 $0x4E000, s3  }
0x8: {  	s31 =	sshll.u32 s3, $0x6;
	s13 =	sadd.s32 $0x138000, s2;
	s17 =	smul.u32 $0x2700, s3  }
0x9: {  	p0 =	sne.s32 s3, $0xF;
	s5 =	sshll.u32 s7, $0xF;
	s9 =	smul.u32 $0x27100, s7  }
0xa: {  	_ =	strace $0x8000004D;
	s7 =	ssub.s32 $0x2, s7;
	s5 =	sor.u32 s8, s5  }
0xb: {  	s30 =	sshrl.u32 s7, $0x1;
	s8 =	sshrl.u32 s29, $0x2;
	s10 =	sadd.s32 s5, s6  }
0xc: {  	s5 =	sadd.s32 $0x17000, s6;
	s9 =	sadd.s32 s9, s6;
	s11 =	ssub.s32 s7, s30  }
0xd: {  	s12 =	sadd.s32 s8, s2;
	s6 =	sor.u32 $0x1C02, s31;
	s7 =	sadd.s32 $0x67A00, s10  }
0xe: {  	s8 =	sadd.s32 $0x7000, s10;
	s18 =	sadd.s32 $0xC5E00, s9;
	s9 =	smax.u32 s11, $0x1  }
0xf: {  	s10 =	sshrl.u32 s12, $0x3;
	s11 =	simm.s32 $0x2;
	s12 =	sshrl.u32 @!p0 s13, $0x3  }
0x10: {  	s13 =	simm.s32 $0x4000;
	s17 =	sadd.s32 s17, s18;
	s18 =	sadd.s32 @!p0 $0x27000, s18  }
.LBB2_1:
0x11: {  	[spmem:s10], [sflag:s6] =	dma.local [hbm:s5], $0x2700  }
0x12: {  	_ =	swait.ge [sflag:s11], $0x2700  }
0x13: {  	[sflag:s11] =	ssyncset.done $0x0  }
0x14: {  	s20 =	simm.s32 @!p0 $0x2;
	[sflag:s11] =	ssyncadd.s32 $0xFFFFD900  }
0x15: {  	[spmem:s12], [sflag:s6] =	dma.local @!p0 [hbm:s5], $0x100  }
0x16: {  	_ =	swait.ge @!p0 [sflag:s20], $0x100  }
0x17: {  	[sflag:s20] =	ssyncset.done @!p0 $0x0  }
0x18: {  	[sflag:s20] =	ssyncadd.s32 @!p0 $0xFFFFFF00  }
0x19: {  	[tilespmem:s4], [sflag:$0x2] =	stream.linear.gather [hbm4b:s7+s4], $0x3E80, $0x38;
	[tilespmem:$0x1E080] =	vst v63  }
0x1a: {  	_ =	swait.ge [sflag:s11], $0x3E80  }
0x1b: {  	[sflag:s11] =	ssyncset.done $0x0  }
0x1c: {  	[sflag:s11] =	ssyncadd.s32 $0xFFFFC180  }
0x1d: {  	[tilespmem:s13], [sflag:$0x2] =	stream.linear.gather [hbm4b:s8+s4], $0x3E80, $0x38;
	[tilespmem:$0x1E080] =	vst v63  }
0x1e: {  	_ =	swait.ge [sflag:s11], $0x3E80  }
0x1f: {  	[sflag:s11] =	ssyncset.done $0x0  }
0x20: {  	[sflag:s11] =	ssyncadd.s32 $0xFFFFC180  }
0x21: {  	s30 =	simm.s32 $0x0;
	[bflag:$0x0] =	sbarrier.arrive $0xFFFF  }
0x22: {  	[tilespmem:s15], [sflag:$0x1] =	stream.indirect.gather [hbm4b:s1+s14], $0x80, s30, s14, $0xb8;
	[tilespmem:$0x1E080] =	vst v63  }
0x23: {  	_ =	swait.ge [sflag:s16], $0x2800  }
0x24: {  	[sflag:s16] =	ssyncset.done $0x0  }
0x25: {  	s31 =	simm.s32 $0x4000;
	[sflag:s16] =	ssyncadd.s32 $0xFFFFD800  }
0x26: {  	[spmem:s2] =	stream.indirect.scatter.add.f32 [tilespmem:s15], [sflag:$0x2], $0x80, s31, s14, $0xb8;
	[tilespmem:$0x1E080] =	vst v63  }
0x27: {  	_ =	swait.ge [sflag:s11], $0x2800  }
0x28: {  	s21 =	simm.s32 $0x400;
	s20 =	simm.s32 $0x200;
	[sflag:s11] =	ssyncset.done $0x0  }
.LBB2_2:
0x29: {  	s22 =	sshra.s32 s20, $0x2  }
0x2a: {  	[sflag:s11] =	ssyncadd.s32 $0xFFFFD800;
	s20 =	smov.u32 s21;
	s23 =	sadd.s32 $0x200, s21  }
0x2b: {  	[tilespmem:s15], [sflag:$0x1] =	stream.indirect.gather [hbm4b:s1+s14], $0x80, s22, s14, $0xb8;
	[tilespmem:$0x1E080] =	vst v63  }
0x2c: {  	p1 =	sne.s32 s21, $0xF800;
	_ =	swait.ge [sflag:s16], $0x2800  }
.Ltmp0:
0x2d: {  	[sflag:s16] =	ssyncset.done $0x0;
	(pc) =	sbr.rel @p1 .LBB2_2-.Ltmp0, $4  }
0x2e: {  	s21 =	sadd.s32 $0x4000, s22;
	[sflag:s16] =	ssyncadd.s32 $0xFFFFD800  }
0x2f: {  	[spmem:s2] =	stream.indirect.scatter.add.f32 [tilespmem:s15], [sflag:$0x2], $0x80, s21, s14, $0xb8;
	[tilespmem:$0x1E080] =	vst v63  }
0x30: {  	_ =	swait.ge [sflag:s11], $0x2800  }
0x31: {  	s21 =	smov.u32 s23;
	[sflag:s11] =	ssyncset.done $0x0  }
0x32: {  	s20 =	sshra.s32 s20, $0x2;
	[sflag:s11] =	ssyncadd.s32 $0xFFFFD800  }
0x33: {  	[tilespmem:s15], [sflag:$0x1] =	stream.indirect.gather [hbm4b:s1+s14], $0x80, s20, s14, $0xb8;
	[tilespmem:$0x1E080] =	vst v63  }
0x34: {  	_ =	swait.ge [sflag:s16], $0x2800  }
0x35: {  	[sflag:s16] =	ssyncset.done $0x0  }
0x36: {  	s20 =	sadd.s32 $0x4000, s20;
	[sflag:s16] =	ssyncadd.s32 $0xFFFFD800  }
0x37: {  	[spmem:s2] =	stream.indirect.scatter.add.f32 [tilespmem:s15], [sflag:$0x2], $0x80, s20, s14, $0xb8;
	[tilespmem:$0x1E080] =	vst v63  }
0x38: {  	_ =	swait.ge [sflag:s11], $0x2800  }
0x39: {  	[sflag:s11] =	ssyncset.done $0x0  }
0x3a: {  	[sflag:s11] =	ssyncadd.s32 $0xFFFFD800  }
0x3b: {  	[bflag:$0x0] =	sbarrier.arrive $0xFFFF  }
0x3c: {  	[hbm:s17], [sflag:s6] =	dma.local [spmem:s10], $0x2700  }
0x3d: {  	s19 =	sadd.s32 $0x1, s19;
	_ =	swait.ge [sflag:s11], $0x2700  }
0x3e: {  	p1 =	sne.s32 s19, s9;
	[sflag:s11] =	ssyncset.done $0x0  }
.Ltmp1:
0x3f: {  	s20 =	simm.s32 @!p0 $0x2;
	[sflag:s11] =	ssyncadd.s32 $0xFFFFD900;
	(pc) =	sbr.rel @p1 .LBB2_1-.Ltmp1, $4  }
0x40: {  	[hbm:s18], [sflag:s6] =	dma.local @!p0 [spmem:s12], $0x100  }
0x41: {  	_ =	swait.ge @!p0 [sflag:s20], $0x100  }
0x42: {  	[sflag:s20] =	ssyncset.done @!p0 $0x0  }
0x43: {  	[sflag:s20] =	ssyncadd.s32 @!p0 $0xFFFFFF00  }
0x44: {  	_ =	sfence.sel $0x180000  }
0x45: {  	[bflag:$0x0] =	sbarrier.arrive $0xFFFF  }
0x46: {  	p0 =	sne.s32 s3, $0x0;
	_ =	strace $0x9000004D  }
0x47: {  	s0 =	sadd.s32 @!p0 $0x100000, s0;
	[bflag:$0x2] =	sbarrier.arrive $0xFFFF  }
0x48: {  	[sflag:s0] =	ssyncadd.tile.s32 @!p0 $0x1;
	_ =	shalt  }
.Lfunc_end2:
_tile_overlayer_lowered:
.L_overlay_start_2:
0x49: {  	(tag) =	ssettag $0x2  }
0x4a: {  	s0 =	rddreg [dreg:$0x0];
	s2 =	stileid.u32  }
0x4b: {  	s1 =	rddreg [dreg:$0x1];
	p0 =	sne.s32 s2, $0x0  }
0x4c: {  	s3 =	rddreg [dreg:$0x2];
	[bflag:$0x3] =	sbarrier.arrive $0xFFFF;
	s2 =	simm.s32 @!p0 $0x1C02  }
0x4d: {  	[timem:s3], [sflag:s2] =	dma.local @!p0 [hbm:s0], s1  }
0x4e: {  	s0 =	simm.s32 @!p0 $0x2  }
0x4f: {  	_ =	swait.ge @!p0 [sflag:s0], s1  }
0x50: {  	s1 =	ssub.s32 @!p0 $0x0, s1;
	[sflag:s0] =	ssyncset.done @!p0 $0x0  }
0x51: {  	[sflag:s0] =	ssyncadd.s32 @!p0 s1  }
0x52: {  	[bflag:$0x3] =	sbarrier.arrive $0xFFFF  }
0x53: {  	_ =	shalt  }

// kernel: kernel.19.cloned.1.call-start
scs
__scs_entry_jumppad:
0x0: {  	(pc) =	sbr.rel $0x88, $3  }
0x1: {  	(tag) =	ssettag $0x0;
	lr =	simm.s32 $0x1  }
0x2: {  	[smem:$0x3F85] =	sst lr;
	_ =	strace $0xD0000000  }
0x3: {  	_ = 	snop  }
0x4: {  	_ = 	snop  }
0x5: {  	_ = 	snop  }
0x6: {  	_ = 	snop  }
0x7: {  	_ = 	snop  }
__scs_overlays_trampoline_lowered:
0x8: {  	[smem:$0x3F94] =	sst s0  }
0x9: {  	[smem:$0x3F95] =	sst s1  }
0xa: {  	[smem:$0x3F96] =	sst s2  }
0xb: {  	[smem:$0x3F97] =	sst s3  }
0xc: {  	[smem:$0x3F98] =	sst s4  }
0xd: {  	[smem:$0x3F99] =	sst s5  }
0xe: {  	[smem:$0x3F9A] =	sst s6  }
0xf: {  	[smem:$0x3F9B] =	sst s7  }
0x10: {  	[smem:$0x3F9C] =	sst s8  }
0x11: {  	[smem:$0x3F9D] =	sst s9;
	s0 =	simm.s32 @!p0 $0x0  }
0x12: {  	s1 =	sld [smem:$0x3F83];
	s0 =	simm.s32 @p0 $0x1  }
0x13: {  	[smem:$0x3F9E] =	sst s0;
	s0 =	simm.s32 @!p1 $0x0  }
0x14: {  	s2 =	sld [smem:$0x3F82];
	s0 =	simm.s32 @p1 $0x1  }
0x15: {  	[smem:$0x3F9F] =	sst s0;
	s0 =	simm.s32 @!p2 $0x0  }
0x16: {  	s3 =	sld [smem:$0x3FDB];
	s0 =	simm.s32 @p2 $0x1  }
0x17: {  	s4 =	simm.s32 $0x1BF5;
	[smem:$0x3FA1] =	sst s0  }
0x18: {  	s0 =	sld [smem:$0x3F84];
	_ =	swait.ge [sflag:s4], $0x0  }
0x19: {  	s7 =	sld [smem:$0x3F85]  }
0x1a: {  	s8 =	sadd.s32 $0xFFFFE003, lr  }
0x1b: {  	s9 =	sadd.s32 $0xFFFFFEF7, lr;
	s5 =	simm.s32 $0xFFFFFFFF;
	p2 =	slt.u32 s8, $0xFFFFF086  }
0x1c: {  	p1 =	slt.u32 s9, $0xF7A;
	s5 =	simm.s32 @!p2 $0x0  }
0x1d: {  	s5 =	simm.s32 @p1 $0x1;
	p0 =	seq.s32 s7, s2  }
0x1e: {  	s7 =	smul.u32 @!p0 $0xF7A, s2;
	p2 =	seq.s32 @!p0 s5, $0x0  }
0x1f: {  	s9 =	smul.u32 $0xF7A, s1;
	s8 =	simm.s32 @!p0 $0x1BF5;
	p2 =	por !p2, p0  }
0x20: {  	[sflag:s8] =	ssyncset.s32 @!p0 $0xFFFFF086;
	s6 =	sadd.s32 @!p0 s3, s7;
	s7 =	simm.s32 @!p0 $0x108  }
0x21: {  	s3 =	sadd.s32 s3, s9;
	s6 =	sadd.s32 @!p0 $0x88, s6;
	s7 =	simm.s32 @p2 $0x1082  }
0x22: {  	[simem:s7], [sflag:s8] =	dma.local @!p0 [hbm:s6], $0xF7A  }
0x23: {  	s9 =	sor.u32 $0xD0000000, s2;
	s6 =	simm.s32 $0x108;
	_ =	swait.ge @!p0 [sflag:s8], $0x0  }
0x24: {  	s3 =	sadd.s32 $0x88, s3;
	s6 =	simm.s32 @!p1 $0x1082;
	[sflag:s4] =	ssyncset.s32 $0xFFFFF086  }
0x25: {  	[simem:s6], [sflag:s4] =	dma.local [hbm:s3], $0xF7A  }
0x26: {  	[smem:$0x3F85] =	sst s1;
	(tag) =	ssettag s2;
	_ =	strace s9  }
0x27: {  	s1 =	sld [smem:$0x3F95]  }
0x28: {  	s2 =	sld [smem:$0x3F96]  }
0x29: {  	s4 =	sld [smem:$0x3F98]  }
0x2a: {  	p0 =	seq.s32 s5, $0x0;
	s5 =	sld [smem:$0x3F99]  }
0x2b: {  	s6 =	sld [smem:$0x3F9A]  }
0x2c: {  	s7 =	sld [smem:$0x3F9B]  }
0x2d: {  	s3 =	simm.s32 $0x108;
	s8 =	sld [smem:$0x3F9C]  }
0x2e: {  	s3 =	simm.s32 @!p0 $0x1082;
	s9 =	sld [smem:$0x3F9D]  }
0x2f: {  	lr =	sadd.s32 s0, s3;
	s0 =	sld [smem:$0x3F94]  }
0x30: {  	s3 =	sld [smem:$0x3F97]  }
0x31: {  	[smem:$0x3FA0] =	sst s10  }
0x32: {  	s10 =	sld [smem:$0x3F9E];
	_ =	sdelay $0x3  }
0x33: {  	p0 =	seq.s32 s10, $0x1;
	s10 =	sld [smem:$0x3FA0];
	_ =	sdelay $0x3  }
0x34: {  	[smem:$0x3FA0] =	sst s10  }
0x35: {  	s10 =	sld [smem:$0x3F9F];
	_ =	sdelay $0x3  }
0x36: {  	p1 =	seq.s32 s10, $0x1;
	s10 =	sld [smem:$0x3FA0];
	_ =	sdelay $0x3  }
0x37: {  	[smem:$0x3FA0] =	sst s10  }
0x38: {  	s10 =	sld [smem:$0x3FA1]  }
0x39: {  	_ = 	snop;
	(pc) =	sbr.ind lr, $3  }
0x3a: {  	_ = 	snop  }
0x3b: {  	_ = 	snop  }
0x3c: {  	p2 =	seq.s32 s10, $0x1;
	s10 =	sld [smem:$0x3FA0]  }
0x3d: {  	_ =	shalt  }
0x3e: {  	_ =	shalt  }
0x3f: {  	_ =	shalt  }
0x40: {  	_ =	shalt  }
0x41: {  	_ =	shalt  }
0x42: {  	_ =	shalt  }
0x43: {  	_ =	shalt  }
0x44: {  	_ =	shalt  }
0x45: {  	_ =	shalt  }
0x46: {  	_ =	shalt  }
0x47: {  	_ =	shalt  }
0x48: {  	_ =	shalt  }
0x49: {  	_ =	shalt  }
0x4a: {  	_ =	shalt  }
0x4b: {  	_ =	shalt  }
0x4c: {  	_ =	shalt  }
0x4d: {  	_ =	shalt  }
0x4e: {  	_ =	shalt  }
0x4f: {  	_ =	shalt  }
0x50: {  	_ =	shalt  }
0x51: {  	_ =	shalt  }
0x52: {  	_ =	shalt  }
0x53: {  	_ =	shalt  }
0x54: {  	_ =	shalt  }
0x55: {  	_ =	shalt  }
0x56: {  	_ =	shalt  }
0x57: {  	_ =	shalt  }
0x58: {  	_ =	shalt  }
0x59: {  	_ =	shalt  }
0x5a: {  	_ =	shalt  }
0x5b: {  	_ =	shalt  }
0x5c: {  	_ =	shalt  }
0x5d: {  	_ =	shalt  }
0x5e: {  	_ =	shalt  }
0x5f: {  	_ =	shalt  }
0x60: {  	_ =	shalt  }
0x61: {  	_ =	shalt  }
0x62: {  	_ =	shalt  }
0x63: {  	_ =	shalt  }
0x64: {  	_ =	shalt  }
0x65: {  	_ =	shalt  }
0x66: {  	_ =	shalt  }
0x67: {  	_ =	shalt  }
0x68: {  	_ =	shalt  }
0x69: {  	_ =	shalt  }
0x6a: {  	_ =	shalt  }
0x6b: {  	_ =	shalt  }
0x6c: {  	_ =	shalt  }
0x6d: {  	_ =	shalt  }
0x6e: {  	_ =	shalt  }
0x6f: {  	_ =	shalt  }
0x70: {  	_ =	shalt  }
0x71: {  	_ =	shalt  }
0x72: {  	_ =	shalt  }
0x73: {  	_ =	shalt  }
0x74: {  	_ =	shalt  }
0x75: {  	_ =	shalt  }
0x76: {  	_ =	shalt  }
0x77: {  	_ =	shalt  }
0x78: {  	_ =	shalt  }
0x79: {  	_ =	shalt  }
0x7a: {  	_ =	shalt  }
0x7b: {  	_ =	shalt  }
0x7c: {  	_ =	shalt  }
0x7d: {  	_ =	shalt  }
0x7e: {  	_ =	shalt  }
0x7f: {  	_ =	shalt  }
0x80: {  	_ =	shalt  }
0x81: {  	_ =	shalt  }
0x82: {  	_ =	shalt  }
0x83: {  	_ =	shalt  }
0x84: {  	_ =	shalt  }
0x85: {  	_ =	shalt  }
0x86: {  	_ =	shalt  }
0x87: {  	_ =	shalt  }
.Lfunc_end0:
.L_simem_size_0:
called_computation.3_lowered:
.L_overlay_start_0:
0x88: {  	s2 =	sld [smem:$0x3FD9]  }
0x89: {  	s3 =	sld [smem:$0x3FFE];
	_ =	sdelay $0x1  }
0x8a: {  	s1 =	srdreg.scid  }
0x8b: {  	s0 =	sand.u32 $0x1, s1  }
0x8c: {  	s17 =	sshll.u32 s0, $0xA;
	s2 =	sadd.s32 s3, s2  }
0x8d: {  	s2 =	sadd.s32 s2, s17  }
0x8e: {  	[smem:$0x3FAC] =	sst s2  }
0x8f: {  	_ = 	snop  }
0x90: {  	s2 =	sld [smem:$0x3FD0];
	(tm) =	ssettm $0x1  }
0x91: {  	s18 =	sld [smem:$0x3FFB];
	_ =	sdelay $0x3  }
0x92: {  	_ =	strace s18  }
0x93: {  	s3 =	sld [smem:$0x3FFC];
	_ =	sdelay $0x3  }
0x94: {  	_ =	strace s3  }
0x95: {  	s3 =	sld [smem:$0x3FFD];
	_ =	sdelay $0x3  }
0x96: {  	_ =	strace s3  }
0x97: {  	_ =	strace $0x8FFFFFFF  }
0x98: {  	s19 =	sld [smem:$0x3FDB];
	_ =	sdelay $0x1  }
0x99: {  	s4 =	simm.s32 $_scs_section_size  }
0x9a: {  	s5 =	simm.s32 $_size__tile_overlayer_lowered;
	s6 =	simm.s32 $_tile_overlayer_lowered  }
0x9b: {  	s22 =	simm.s32 $0x1BFF;
	s21 =	sshll.u32 s6, $0x1;
	s3 =	sadd.s32 s4, s19  }
0x9c: {  	s7 =	simm.s32 $0x0;
	s20 =	sshll.u32 s5, $0x1;
	s5 =	sadd.s32 s21, s3  }
0x9d: {  	[timem:s7], [sflag:s22] =	dma.local [hbm:s5], s20  }
0x9e: {  	_ =	swait.ge [sflag:s22], s20  }
0x9f: {  	s4 =	ssub.s32 $0x0, s20;
	[sflag:s22] =	ssyncset.done $0x0  }
0xa0: {  	[sflag:s22] =	ssyncadd.s32 s4;
	_ =	sdelay $0x1  }
0xa1: {  	s23 =	simm.s32 $0x1B8B  }
0xa2: {  	_ =	swait.ge [sflag:s23], $0x1  }
0xa3: {  	[sflag:s23] =	ssyncset.done $0x0  }
0xa4: {  	s25 =	simm.s32 $0x1B8E;
	s24 =	sld [smem:$0x3FFE];
	[sflag:s23] =	ssyncadd.s32 $0xFFFFFFFF  }
0xa5: {  	s26 =	simm.s32 $execute0_lowered;
	[smem:$0x3FD2] =	sst s25  }
0xa6: {  	s5 =	sshll.u32 s26, $0x1;
	_ =	strace $0x8000004F;
	[dreg:$0x1] =	wrdreg $0xFFFFFFFF  }
0xa7: {  	s28 =	simm.s32 $_size_execute0_lowered;
	s3 =	sadd.s32 s3, s5;
	[dreg:$0x0] =	wrdreg $0x0  }
0xa8: {  	s5 =	sshll.u32 s28, $0x1;
	[dreg:$0x2] =	wrdreg s3  }
0xa9: {  	[dreg:$0x3] =	wrdreg s5  }
0xaa: {  	[dreg:$0x4] =	wrdreg $0xC0  }
0xab: {  	_ =	task [dreg:s7], $0x5FFFF  }
0xac: {  	[dreg:$0x1] =	wrdreg $0xFFFFFFFF  }
0xad: {  	[dreg:$0x0] =	wrdreg $0x60  }
0xae: {  	[dreg:$0x2] =	wrdreg s2  }
0xaf: {  	[dreg:$0x3] =	wrdreg s24  }
0xb0: {  	[dreg:$0x4] =	wrdreg $0xA8000  }
0xb1: {  	[dreg:$0x5] =	wrdreg $0x9  }
0xb2: {  	_ =	task.clear_ibuf [dreg:s7], $0x6FFFF;
	_ =	strace $0x9000004F  }
0xb3: {  	s29 =	simm.s32 $0x9;
	_ =	strace $0x80000051  }
0xb4: {  	_ =	swait.ge [sflag:s29], $0x1  }
0xb5: {  	[sflag:s29] =	ssyncadd.s32 $0xFFFFFFFF  }
0xb6: {  	_ =	strace $0x90000051  }
0xb7: {  	_ =	sfence  }
0xb8: {  	s30 =	sld [smem:$0x0];
	_ =	sdelay $0x2  }
0xb9: {  	s31 =	sshll.u32 s1, $0xD;
	s1 =	sshrl.u32 s1, $0x2  }
0xba: {  	s3 =	sand.u32 $0x4000, s31;
	s1 =	sadd.s32 s1, s30  }
0xbb: {  	s0 =	sor.u32 s3, s0;
	s1 =	sshll.u32 s1, $0x11  }
0xbc: {  	s0 =	sor.u32 s1, s0  }
0xbd: {  	s0 =	sadd.s32 $0x8F2B, s0  }
0xbe: {  	[sflag:s0] =	ssyncadd.remote.s32 $0x1  }
0xbf: {  	_ =	sfence.sel $0xFFFF  }
0xc0: {  	[dreg:$0x0] =	wrdreg $0xFFFFFFFF;
	(pc) =	sbr.abs _section_cstart, $3  }
0xc1: {  	[dreg:$0x1] =	wrdreg $0xFFFFFFFF  }
0xc2: {  	_ =	task.clear_ibuf [dreg:s7], $0x2FFFF;
	_ =	strace $0x9FFFFFFF  }
0xc3: {  	(tm) =	ssettm $0x7FFFFFFF  }
tec
execute0_lowered:
.L_overlay_start_1:
0x0: {  	(tag) =	ssettag $0x1  }
0x1: {  	s1 =	rddreg [dreg:$0x0]  }
0x2: {  	s6 =	rddreg [dreg:$0x1]  }
0x3: {  	s2 =	rddreg [dreg:$0x2]  }
0x4: {  	s0 =	rddreg [dreg:$0x3];
	s4 =	simm.s32 $0x0;
	s5 =	srdreg.scid  }
0x5: {  	s3 =	stileid.u32;
	s14 =	simm.s32 $0x50;
	s15 =	simm.s32 $0x8000  }
0x6: {  	s16 =	simm.s32 $0x1;
	s19 =	simm.s32 $0x0;
	[smem:$0x7FF] =	sst s4  }
0x7: {  	s7 =	sand.u32 $0x1, s5;
	s8 =	sshll.u32 s3, $0xB;
	s29 =	smul.u32 $0x4E000, s3  }
0x8: {  	s31 =	sshll.u32 s3, $0x6;
	s13 =	sadd.s32 $0x138000, s2;
	s17 =	smul.u32 $0x2700, s3  }
0x9: {  	p0 =	sne.s32 s3, $0xF;
	s5 =	sshll.u32 s7, $0xF;
	s9 =	smul.u32 $0x27100, s7  }
0xa: {  	_ =	strace $0x80000050;
	s7 =	ssub.s32 $0x2, s7;
	s5 =	sor.u32 s8, s5  }
0xb: {  	s30 =	sshrl.u32 s7, $0x1;
	s8 =	sshrl.u32 s29, $0x2;
	s10 =	sadd.s32 s5, s6  }
0xc: {  	s5 =	sadd.s32 $0x17000, s6;
	s9 =	sadd.s32 s9, s6;
	s11 =	ssub.s32 s7, s30  }
0xd: {  	s12 =	sadd.s32 s8, s2;
	s6 =	sor.u32 $0x1C02, s31;
	s7 =	sadd.s32 $0x67A00, s10  }
0xe: {  	s8 =	sadd.s32 $0x7000, s10;
	s18 =	sadd.s32 $0x77A00, s9;
	s9 =	smax.u32 s11, $0x1  }
0xf: {  	s10 =	sshrl.u32 s12, $0x3;
	s11 =	simm.s32 $0x2;
	s12 =	sshrl.u32 @!p0 s13, $0x3  }
0x10: {  	s13 =	simm.s32 $0x4000;
	s17 =	sadd.s32 s17, s18;
	s18 =	sadd.s32 @!p0 $0x27000, s18  }
.LBB2_1:
0x11: {  	[spmem:s10], [sflag:s6] =	dma.local [hbm:s5], $0x2700  }
0x12: {  	_ =	swait.ge [sflag:s11], $0x2700  }
0x13: {  	[sflag:s11] =	ssyncset.done $0x0  }
0x14: {  	s20 =	simm.s32 @!p0 $0x2;
	[sflag:s11] =	ssyncadd.s32 $0xFFFFD900  }
0x15: {  	[spmem:s12], [sflag:s6] =	dma.local @!p0 [hbm:s5], $0x100  }
0x16: {  	_ =	swait.ge @!p0 [sflag:s20], $0x100  }
0x17: {  	[sflag:s20] =	ssyncset.done @!p0 $0x0  }
0x18: {  	[sflag:s20] =	ssyncadd.s32 @!p0 $0xFFFFFF00  }
0x19: {  	[tilespmem:s4], [sflag:$0x2] =	stream.linear.gather [hbm4b:s7+s4], $0x3E80, $0x38;
	[tilespmem:$0x1E080] =	vst v63  }
0x1a: {  	_ =	swait.ge [sflag:s11], $0x3E80  }
0x1b: {  	[sflag:s11] =	ssyncset.done $0x0  }
0x1c: {  	[sflag:s11] =	ssyncadd.s32 $0xFFFFC180  }
0x1d: {  	[tilespmem:s13], [sflag:$0x2] =	stream.linear.gather [hbm4b:s8+s4], $0x3E80, $0x38;
	[tilespmem:$0x1E080] =	vst v63  }
0x1e: {  	_ =	swait.ge [sflag:s11], $0x3E80  }
0x1f: {  	[sflag:s11] =	ssyncset.done $0x0  }
0x20: {  	[sflag:s11] =	ssyncadd.s32 $0xFFFFC180  }
0x21: {  	s30 =	simm.s32 $0x0;
	[bflag:$0x0] =	sbarrier.arrive $0xFFFF  }
0x22: {  	[tilespmem:s15], [sflag:$0x1] =	stream.indirect.gather [hbm4b:s1+s14], $0x80, s30, s14, $0xb8;
	[tilespmem:$0x1E080] =	vst v63  }
0x23: {  	_ =	swait.ge [sflag:s16], $0x2800  }
0x24: {  	[sflag:s16] =	ssyncset.done $0x0  }
0x25: {  	s31 =	simm.s32 $0x4000;
	[sflag:s16] =	ssyncadd.s32 $0xFFFFD800  }
0x26: {  	[spmem:s2] =	stream.indirect.scatter.add.f32 [tilespmem:s15], [sflag:$0x2], $0x80, s31, s14, $0xb8;
	[tilespmem:$0x1E080] =	vst v63  }
0x27: {  	_ =	swait.ge [sflag:s11], $0x2800  }
0x28: {  	s21 =	simm.s32 $0x400;
	s20 =	simm.s32 $0x200;
	[sflag:s11] =	ssyncset.done $0x0  }
.LBB2_2:
0x29: {  	s22 =	sshra.s32 s20, $0x2  }
0x2a: {  	[sflag:s11] =	ssyncadd.s32 $0xFFFFD800;
	s20 =	smov.u32 s21;
	s23 =	sadd.s32 $0x200, s21  }
0x2b: {  	[tilespmem:s15], [sflag:$0x1] =	stream.indirect.gather [hbm4b:s1+s14], $0x80, s22, s14, $0xb8;
	[tilespmem:$0x1E080] =	vst v63  }
0x2c: {  	p1 =	sne.s32 s21, $0xF800;
	_ =	swait.ge [sflag:s16], $0x2800  }
.Ltmp0:
0x2d: {  	[sflag:s16] =	ssyncset.done $0x0;
	(pc) =	sbr.rel @p1 .LBB2_2-.Ltmp0, $4  }
0x2e: {  	s21 =	sadd.s32 $0x4000, s22;
	[sflag:s16] =	ssyncadd.s32 $0xFFFFD800  }
0x2f: {  	[spmem:s2] =	stream.indirect.scatter.add.f32 [tilespmem:s15], [sflag:$0x2], $0x80, s21, s14, $0xb8;
	[tilespmem:$0x1E080] =	vst v63  }
0x30: {  	_ =	swait.ge [sflag:s11], $0x2800  }
0x31: {  	s21 =	smov.u32 s23;
	[sflag:s11] =	ssyncset.done $0x0  }
0x32: {  	s20 =	sshra.s32 s20, $0x2;
	[sflag:s11] =	ssyncadd.s32 $0xFFFFD800  }
0x33: {  	[tilespmem:s15], [sflag:$0x1] =	stream.indirect.gather [hbm4b:s1+s14], $0x80, s20, s14, $0xb8;
	[tilespmem:$0x1E080] =	vst v63  }
0x34: {  	_ =	swait.ge [sflag:s16], $0x2800  }
0x35: {  	[sflag:s16] =	ssyncset.done $0x0  }
0x36: {  	s20 =	sadd.s32 $0x4000, s20;
	[sflag:s16] =	ssyncadd.s32 $0xFFFFD800  }
0x37: {  	[spmem:s2] =	stream.indirect.scatter.add.f32 [tilespmem:s15], [sflag:$0x2], $0x80, s20, s14, $0xb8;
	[tilespmem:$0x1E080] =	vst v63  }
0x38: {  	_ =	swait.ge [sflag:s11], $0x2800  }
0x39: {  	[sflag:s11] =	ssyncset.done $0x0  }
0x3a: {  	[sflag:s11] =	ssyncadd.s32 $0xFFFFD800  }
0x3b: {  	[bflag:$0x0] =	sbarrier.arrive $0xFFFF  }
0x3c: {  	[hbm:s17], [sflag:s6] =	dma.local [spmem:s10], $0x2700  }
0x3d: {  	s19 =	sadd.s32 $0x1, s19;
	_ =	swait.ge [sflag:s11], $0x2700  }
0x3e: {  	p1 =	sne.s32 s19, s9;
	[sflag:s11] =	ssyncset.done $0x0  }
.Ltmp1:
0x3f: {  	s20 =	simm.s32 @!p0 $0x2;
	[sflag:s11] =	ssyncadd.s32 $0xFFFFD900;
	(pc) =	sbr.rel @p1 .LBB2_1-.Ltmp1, $4  }
0x40: {  	[hbm:s18], [sflag:s6] =	dma.local @!p0 [spmem:s12], $0x100  }
0x41: {  	_ =	swait.ge @!p0 [sflag:s20], $0x100  }
0x42: {  	[sflag:s20] =	ssyncset.done @!p0 $0x0  }
0x43: {  	[sflag:s20] =	ssyncadd.s32 @!p0 $0xFFFFFF00  }
0x44: {  	_ =	sfence.sel $0x180000  }
0x45: {  	[bflag:$0x0] =	sbarrier.arrive $0xFFFF  }
0x46: {  	p0 =	sne.s32 s3, $0x0;
	_ =	strace $0x90000050  }
0x47: {  	s0 =	sadd.s32 @!p0 $0x100000, s0;
	[bflag:$0x2] =	sbarrier.arrive $0xFFFF  }
0x48: {  	[sflag:s0] =	ssyncadd.tile.s32 @!p0 $0x1;
	_ =	shalt  }
.Lfunc_end2:
_tile_overlayer_lowered:
.L_overlay_start_2:
0x49: {  	(tag) =	ssettag $0x2  }
0x4a: {  	s0 =	rddreg [dreg:$0x0];
	s2 =	stileid.u32  }
0x4b: {  	s1 =	rddreg [dreg:$0x1];
	p0 =	sne.s32 s2, $0x0  }
0x4c: {  	s3 =	rddreg [dreg:$0x2];
	[bflag:$0x3] =	sbarrier.arrive $0xFFFF;
	s2 =	simm.s32 @!p0 $0x1C02  }
0x4d: {  	[timem:s3], [sflag:s2] =	dma.local @!p0 [hbm:s0], s1  }
0x4e: {  	s0 =	simm.s32 @!p0 $0x2  }
0x4f: {  	_ =	swait.ge @!p0 [sflag:s0], s1  }
0x50: {  	s1 =	ssub.s32 @!p0 $0x0, s1;
	[sflag:s0] =	ssyncset.done @!p0 $0x0  }
0x51: {  	[sflag:s0] =	ssyncadd.s32 @!p0 s1  }
0x52: {  	[bflag:$0x3] =	sbarrier.arrive $0xFFFF  }
0x53: {  	_ =	shalt  }

</sc_bundles>
